<compile_context>
chip_gen: v7x
topology: tpu7x:2x2x1
jax: 0.10.2.dev20260603
libtpu: 0.0.44.dev20260713+nightly
codegen_flags: <defaults>
</compile_context>

<pallas_src>
import functools

import jax
import jax.numpy as jnp
from jax import lax
from jax.experimental import pallas as pl
from jax.experimental.pallas import tpu as pltpu
from jax.experimental.pallas import tpu_sc as plsc

F32 = jnp.float32
I32 = jnp.int32

N_NODES = 10000
N_EDGES = 320000
EMB = 128
NUM_CLASS = 128
NUM_LAYER = 5
NUM_GRAPHS = 512

NC, NS = 2, 16
NW = NC * NS
NPAD = 10240
GPAD = 640
JUNK_ROW = NPAD - 1

CH = 128
FAST_CID = 0
NCHF = 93
NCHS = 64
EPAD_F = NS * NCHF * CH
EPAD_S = NS * NCHS * CH
EPAD = EPAD_F + EPAD_S

NROWS = NPAD // NS

_mesh = plsc.VectorSubcoreMesh(core_axis_name="c", subcore_axis_name="s")


def _edge_body(r_hbm, src_hbm, dst_hbm, z_hbm, out_hbm, src_v, dst_v, buf, agg_sh):
    cid = lax.axis_index("c")
    sid = lax.axis_index("s")
    wid = cid * NS + sid
    nch = jnp.where(cid == FAST_CID, NCHF, NCHS)

    pltpu.sync_copy(src_hbm.at[wid], src_v)
    pltpu.sync_copy(dst_hbm.at[wid], dst_v)

    pltpu.sync_copy(z_hbm, buf)
    def zcopy(i, _):
        pltpu.sync_copy(buf, agg_sh.at[pl.ds(sid * NROWS + i * CH, CH)])
        return 0
    lax.fori_loop(0, NROWS // CH, zcopy, 0)
    plsc.subcore_barrier()

    def chunk(j, _):
        pltpu.sync_copy(r_hbm.at[src_v.at[j]], buf)
        pltpu.sync_copy(buf, agg_sh.at[dst_v.at[j]], add=True)
        return 0
    lax.fori_loop(0, nch, chunk, 0)
    plsc.subcore_barrier()

    pltpu.sync_copy(agg_sh.at[pl.ds(sid * NROWS, NROWS)],
                    out_hbm.at[cid, pl.ds(sid * NROWS, NROWS)])


_edge_agg = functools.partial(
    pl.kernel,
    out_type=jax.ShapeDtypeStruct((NC, NPAD, EMB), F32),
    mesh=_mesh,
    scratch_types=[
        pltpu.VMEM((NCHF, CH), I32),
        pltpu.VMEM((NCHF, CH), I32),
        pltpu.VMEM((CH, EMB), F32),
        pltpu.VMEM_SHARED((NPAD, EMB), F32),
    ],
)(_edge_body)


_RB = 2048
NB = NPAD // _RB


def _proj_body(x_ref, w_ref, b_ref, h_ref, r_ref):
    h = jnp.dot(x_ref[...], w_ref[...], preferred_element_type=F32) + b_ref[...]
    h_ref[...] = h
    r_ref[...] = jnp.maximum(h, 0.0)


_proj = pl.pallas_call(
    _proj_body,
    grid=(NB,),
    in_specs=[
        pl.BlockSpec((_RB, EMB), lambda i: (i, 0)),
        pl.BlockSpec((EMB, EMB), lambda i: (0, 0)),
        pl.BlockSpec((1, EMB), lambda i: (0, 0)),
    ],
    out_specs=[pl.BlockSpec((_RB, EMB), lambda i: (i, 0))] * 2,
    out_shape=[jax.ShapeDtypeStruct((NPAD, EMB), F32)] * 2,
)


def _gin(hp_ref, a0_ref, a1_ref, epsb_ref, w1_ref, b1_ref, g1_ref, be1_ref,
         w2_ref, b2_ref, g_ref, b_ref):
    y = hp_ref[...] * epsb_ref[...] + (a0_ref[...] + a1_ref[...])
    t = jnp.dot(y, w1_ref[...], preferred_element_type=F32) + b1_ref[...]
    t = jnp.maximum(t * g1_ref[...] + be1_ref[...], 0.0)
    t = jnp.dot(t, w2_ref[...], preferred_element_type=F32) + b2_ref[...]
    return t * g_ref[...] + b_ref[...]


_GIN_SPECS = [
    pl.BlockSpec((_RB, EMB), lambda i: (i, 0)),
    pl.BlockSpec((_RB, EMB), lambda i: (i, 0)),
    pl.BlockSpec((_RB, EMB), lambda i: (i, 0)),
    pl.BlockSpec((1, EMB), lambda i: (0, 0)),
    pl.BlockSpec((EMB, 2 * EMB), lambda i: (0, 0)),
    pl.BlockSpec((1, 2 * EMB), lambda i: (0, 0)),
    pl.BlockSpec((1, 2 * EMB), lambda i: (0, 0)),
    pl.BlockSpec((1, 2 * EMB), lambda i: (0, 0)),
    pl.BlockSpec((2 * EMB, EMB), lambda i: (0, 0)),
    pl.BlockSpec((1, EMB), lambda i: (0, 0)),
    pl.BlockSpec((1, EMB), lambda i: (0, 0)),
    pl.BlockSpec((1, EMB), lambda i: (0, 0)),
]


def _mlp_mid_body(hp_ref, a0_ref, a1_ref, epsb_ref, w1_ref, b1_ref, g1_ref,
                  be1_ref, w2_ref, b2_ref, g_ref, b_ref, batc_ref, vnn_ref,
                  hpn_ref, rn_ref):
    t = jnp.maximum(_gin(hp_ref, a0_ref, a1_ref, epsb_ref, w1_ref, b1_ref,
                         g1_ref, be1_ref, w2_ref, b2_ref, g_ref, b_ref), 0.0)
    oh = (batc_ref[...] == lax.broadcasted_iota(I32, (1, GPAD), 1)).astype(F32)
    hpn = t + jnp.dot(oh, vnn_ref[...], preferred_element_type=F32)
    hpn_ref[...] = hpn
    rn_ref[...] = jnp.maximum(hpn, 0.0)


_mlp_mid = pl.pallas_call(
    _mlp_mid_body,
    grid=(NB,),
    in_specs=_GIN_SPECS + [
        pl.BlockSpec((_RB, 1), lambda i: (i, 0)),
        pl.BlockSpec((GPAD, EMB), lambda i: (0, 0)),
    ],
    out_specs=[pl.BlockSpec((_RB, EMB), lambda i: (i, 0))] * 2,
    out_shape=[jax.ShapeDtypeStruct((NPAD, EMB), F32)] * 2,
)


_DN0 = (((0,), (0,)), ((), ()))


def _vnmlp_body(hp_ref, batc_ref, vn_ref, w1_ref, b1_ref, g1_ref, be1_ref,
                w2_ref, b2_ref, g2_ref, be2_ref, o_ref, acc_ref, cnt_ref):
    i = pl.program_id(0)

    @pl.when(i == 0)
    def _():
        acc_ref[...] = jnp.zeros_like(acc_ref)
        cnt_ref[...] = jnp.zeros_like(cnt_ref)

    oh = (batc_ref[...] == lax.broadcasted_iota(I32, (1, GPAD), 1)).astype(F32)
    acc_ref[...] += lax.dot_general(oh, hp_ref[...], _DN0,
                                    preferred_element_type=F32)
    cnt_ref[...] += lax.dot_general(oh, jnp.ones((_RB, 1), F32), _DN0,
                                    preferred_element_type=F32)

    @pl.when(i == NB - 1)
    def _():
        vn = vn_ref[...]
        vtmp = acc_ref[...] - cnt_ref[...] * vn + vn
        u = jnp.dot(vtmp, w1_ref[...], preferred_element_type=F32) + b1_ref[...]
        u = jnp.maximum(u * g1_ref[...] + be1_ref[...], 0.0)
        u = jnp.dot(u, w2_ref[...], preferred_element_type=F32) + b2_ref[...]
        u = u * g2_ref[...] + be2_ref[...]
        o_ref[...] = jnp.maximum(u, 0.0)


_vnmlp = pl.pallas_call(
    _vnmlp_body,
    grid=(NB,),
    in_specs=[
        pl.BlockSpec((_RB, EMB), lambda i: (i, 0)),
        pl.BlockSpec((_RB, 1), lambda i: (i, 0)),
        pl.BlockSpec((GPAD, EMB), lambda i: (0, 0)),
        pl.BlockSpec((EMB, 2 * EMB), lambda i: (0, 0)),
        pl.BlockSpec((1, 2 * EMB), lambda i: (0, 0)),
        pl.BlockSpec((1, 2 * EMB), lambda i: (0, 0)),
        pl.BlockSpec((1, 2 * EMB), lambda i: (0, 0)),
        pl.BlockSpec((2 * EMB, EMB), lambda i: (0, 0)),
        pl.BlockSpec((1, EMB), lambda i: (0, 0)),
        pl.BlockSpec((1, EMB), lambda i: (0, 0)),
        pl.BlockSpec((1, EMB), lambda i: (0, 0)),
    ],
    out_specs=pl.BlockSpec((GPAD, EMB), lambda i: (0, 0)),
    out_shape=jax.ShapeDtypeStruct((GPAD, EMB), F32),
    scratch_shapes=[
        pltpu.VMEM((GPAD, EMB), F32),
        pltpu.VMEM((GPAD, 1), F32),
    ],
)


def _mlp_head_body(hp_ref, a0_ref, a1_ref, epsb_ref, w1_ref, b1_ref, g1_ref,
                   be1_ref, w2_ref, b2_ref, g_ref, b_ref, batc_ref, lg_ref,
                   lb_ref, wp_ref, bp_ref, out_ref, ge_ref, acc_ref, cnt_ref):
    i = pl.program_id(0)

    @pl.when(i == 0)
    def _():
        acc_ref[...] = jnp.zeros_like(acc_ref)
        cnt_ref[...] = jnp.zeros_like(cnt_ref)

    t = _gin(hp_ref, a0_ref, a1_ref, epsb_ref, w1_ref, b1_ref, g1_ref,
             be1_ref, w2_ref, b2_ref, g_ref, b_ref)
    oh = (batc_ref[...] ==
          lax.broadcasted_iota(I32, (1, NUM_GRAPHS), 1)).astype(F32)
    acc_ref[...] += lax.dot_general(oh, t, _DN0, preferred_element_type=F32)
    cnt_ref[...] += lax.dot_general(oh, jnp.ones((_RB, 1), F32), _DN0,
                                    preferred_element_type=F32)

    @pl.when(i == NB - 1)
    def _():
        ge = acc_ref[...] / jnp.maximum(cnt_ref[...], 1.0)
        mu = jnp.mean(ge, axis=1, keepdims=True)
        var = jnp.mean((ge - mu) ** 2, axis=1, keepdims=True)
        ge = (ge - mu) / jnp.sqrt(var + 1e-5) * lg_ref[...] + lb_ref[...]
        ge_ref[...] = ge
        out_ref[...] = (jnp.dot(ge, wp_ref[...], preferred_element_type=F32)
                        + bp_ref[...])


_mlp_head = pl.pallas_call(
    _mlp_head_body,
    grid=(NB,),
    in_specs=_GIN_SPECS + [
        pl.BlockSpec((_RB, 1), lambda i: (i, 0)),
        pl.BlockSpec((1, EMB), lambda i: (0, 0)),
        pl.BlockSpec((1, EMB), lambda i: (0, 0)),
        pl.BlockSpec((EMB, NUM_CLASS), lambda i: (0, 0)),
        pl.BlockSpec((1, NUM_CLASS), lambda i: (0, 0)),
    ],
    out_specs=[pl.BlockSpec((NUM_GRAPHS, NUM_CLASS), lambda i: (0, 0)),
               pl.BlockSpec((NUM_GRAPHS, EMB), lambda i: (0, 0))],
    out_shape=[jax.ShapeDtypeStruct((NUM_GRAPHS, NUM_CLASS), F32),
               jax.ShapeDtypeStruct((NUM_GRAPHS, EMB), F32)],
    scratch_shapes=[
        pltpu.VMEM((NUM_GRAPHS, EMB), F32),
        pltpu.VMEM((NUM_GRAPHS, 1), F32),
    ],
)


def _row(v):
    return v.reshape(1, -1).astype(F32)


def kernel(x, edge_index, batch, params):
    xp = jnp.pad(x, ((0, NPAD - N_NODES), (0, 0)))
    batp = jnp.pad(batch.astype(I32), (0, NPAD - N_NODES),
                   constant_values=NUM_GRAPHS)
    batc = batp.reshape(NPAD, 1)

    def _slab(a, padval):
        ap = jnp.pad(a.astype(I32), (0, EPAD - N_EDGES),
                     constant_values=padval)
        fa = ap[:EPAD_F].reshape(NS, NCHF, CH)
        sa = jnp.pad(ap[EPAD_F:].reshape(NS, NCHS, CH),
                     ((0, 0), (0, NCHF - NCHS), (0, 0)),
                     constant_values=padval)
        parts = (fa, sa) if FAST_CID == 0 else (sa, fa)
        return jnp.concatenate(parts, axis=0)

    src_slab = _slab(edge_index[0], 0)
    zc = jnp.zeros((CH, EMB), F32)
    dst_slab = _slab(edge_index[1], JUNK_ROW)

    hp, r = _proj(xp, params['Win'], _row(params['bin']))
    vn = jnp.zeros((GPAD, EMB), F32)

    for l in range(NUM_LAYER):
        p = params['gin%d' % l]
        q = params['bn%d' % l]
        agg = _edge_agg(r, src_slab, dst_slab, zc)
        epsb = (1.0 + p['eps']) * jnp.ones((1, EMB), F32)
        gin_args = (hp, agg[0], agg[1], epsb, p['W1'], _row(p['b1']),
                    _row(p['g1']), _row(p['be1']), p['W2'], _row(p['b2']),
                    _row(q['g']), _row(q['b']))
        if l < NUM_LAYER - 1:
            v = params['vn%d' % l]
            vn = _vnmlp(hp, batc, vn, v['W1'], _row(v['b1']),
                        _row(v['g1']), _row(v['be1']), v['W2'], _row(v['b2']),
                        _row(v['g2']), _row(v['be2']))
            hp, r = _mlp_mid(*gin_args, batc, vn)
        else:
            out, ge = _mlp_head(*gin_args, batc, _row(params['ln']['g']),
                                _row(params['ln']['b']), params['Wp'],
                                _row(params['bp']))
    return out, ge

# --- scband reference (transcript-rebuilt; emitter-appended) ---
"""Pipeline reference for scband-gnn-57062935495524 (READ-ONLY COPY).

The authoritative reference and input builder live on the scoring server;
editing this copy changes nothing except your own understanding.
"""

import jax, jax.numpy as jnp
import numpy as np

N_NODES = 10000
N_EDGES = 320000
EMB = 128
NUM_CLASS = 128
NUM_LAYER = 5
NUM_GRAPHS = 512

def _dense(k, fin, fout):
    w = jax.random.normal(k, (fin, fout), dtype=jnp.float32) * (1.0 / np.sqrt(fin))
    b = jnp.zeros((fout,), dtype=jnp.float32)
    return w, b

def setup_inputs(seed: int = 0):
    key = jax.random.key(seed)
    ks = jax.random.split(key, 40)
    x = jax.random.normal(ks[0], (N_NODES, EMB), dtype=jnp.float32)
    edge_index = jax.random.randint(ks[1], (2, N_EDGES), 0, N_NODES, dtype=jnp.int32)
    batch = jnp.sort(jax.random.randint(ks[2], (N_NODES,), 0, NUM_GRAPHS, dtype=jnp.int32))
    params = {}
    params['Win'], params['bin'] = _dense(ks[3], EMB, EMB)
    ki = 4
    for l in range(NUM_LAYER):
        w1, b1 = _dense(ks[ki], EMB, 2 * EMB); ki += 1
        w2, b2 = _dense(ks[ki], 2 * EMB, EMB); ki += 1
        params['gin%d' % l] = {'W1': w1, 'b1': b1, 'g1': jnp.ones((2 * EMB,), jnp.float32), 'be1': jnp.zeros((2 * EMB,), jnp.float32), 'W2': w2, 'b2': b2, 'eps': jnp.zeros((), jnp.float32)}
        params['bn%d' % l] = {'g': jnp.ones((EMB,), jnp.float32), 'b': jnp.zeros((EMB,), jnp.float32)}
    for l in range(NUM_LAYER - 1):
        w1, b1 = _dense(ks[ki], EMB, 2 * EMB); ki += 1
        w2, b2 = _dense(ks[ki], 2 * EMB, EMB); ki += 1
        params['vn%d' % l] = {'W1': w1, 'b1': b1, 'g1': jnp.ones((2 * EMB,), jnp.float32), 'be1': jnp.zeros((2 * EMB,), jnp.float32), 'W2': w2, 'b2': b2, 'g2': jnp.ones((EMB,), jnp.float32), 'be2': jnp.zeros((EMB,), jnp.float32)}
    params['ln'] = {'g': jnp.ones((EMB,), jnp.float32), 'b': jnp.zeros((EMB,), jnp.float32)}
    params['Wp'], params['bp'] = _dense(ks[ki], EMB, NUM_CLASS)
    return {'x': x, 'edge_index': edge_index, 'batch': batch, 'params': params}

def _forward(x, params, edge_index, batch):
    src = edge_index[0]
    dst = edge_index[1]
    h = x @ params['Win'] + params['bin']
    vn = jnp.zeros((NUM_GRAPHS, EMB), dtype=h.dtype)
    h_list = [h]
    for l in range(NUM_LAYER):
        hl = h_list[l] + vn[batch]
        msg = jax.nn.relu(hl[src])
        agg = jax.ops.segment_sum(msg, dst, num_segments=N_NODES)
        p = params['gin%d' % l]
        t = (1.0 + p['eps']) * hl + agg
        t = t @ p['W1'] + p['b1']
        t = t * p['g1'] + p['be1']
        t = jax.nn.relu(t)
        t = t @ p['W2'] + p['b2']
        q = params['bn%d' % l]
        t = t * q['g'] + q['b']
        if l < NUM_LAYER - 1:
            t = jax.nn.relu(t)
        h_list.append(t)
        if l < NUM_LAYER - 1:
            vtmp = jax.ops.segment_sum(h_list[l], batch, num_segments=NUM_GRAPHS) + vn
            v = params['vn%d' % l]
            u = vtmp @ v['W1'] + v['b1']
            u = u * v['g1'] + v['be1']
            u = jax.nn.relu(u)
            u = u @ v['W2'] + v['b2']
            u = u * v['g2'] + v['be2']
            vn = jax.nn.relu(u)
    node_rep = h_list[-1]
    sums = jax.ops.segment_sum(node_rep, batch, num_segments=NUM_GRAPHS)
    cnt = jax.ops.segment_sum(jnp.ones((node_rep.shape[0],), node_rep.dtype), batch, num_segments=NUM_GRAPHS)
    ge = sums / jnp.maximum(cnt, 1.0)[:, None]
    mu = jnp.mean(ge, axis=-1, keepdims=True)
    var = jnp.var(ge, axis=-1, keepdims=True)
    ge = (ge - mu) / jnp.sqrt(var + 1e-5) * params['ln']['g'] + params['ln']['b']
    out = ge @ params['Wp'] + params['bp']
    return out, ge

def reference(x, edge_index, batch, params):
    return _forward(x, params, edge_index, batch)

if __name__ == "__main__":
    import jax
    _d = setup_inputs()
    print(jax.jit(kernel)(*tuple(_d.values())))

</pallas_src>

<mosaic_0001>
#map = affine_map<(d0, d1) -> (0, 0)>
#map1 = affine_map<(d0, d1) -> (0, 0, 0)>
module attributes {stable_mosaic.version = 14 : i64} {
  func.func @_edge_body(%arg0: i32, %arg1: i32, %arg2: memref<10240x128xf32, #tpu.memory_space<hbm>>, %arg3: memref<32x93x128xi32, #tpu.memory_space<hbm>>, %arg4: memref<32x93x128xi32, #tpu.memory_space<hbm>>, %arg5: memref<128x128xf32, #tpu.memory_space<hbm>>, %arg6: memref<2x10240x128xf32, #tpu.memory_space<hbm>>, %arg7: memref<93x128xi32, #tpu.memory_space<vmem>>, %arg8: memref<93x128xi32, #tpu.memory_space<vmem>>, %arg9: memref<128x128xf32, #tpu.memory_space<vmem>>, %arg10: memref<10240x128xf32, #tpu.memory_space<vmem_shared>>) attributes {dimension_semantics = [#tpu.dimension_semantics<core_parallel>, #tpu.dimension_semantics<subcore_parallel>], iteration_bounds = array<i64: 2, 16>, scalar_prefetch = 0 : i64, scratch_operands = 4 : i64, tpu.core_type = #tpu.core_type<sc_vector_subcore>, window_params = [{transform_indices = #map}, {transform_indices = #map1}, {transform_indices = #map1}, {transform_indices = #map}, {transform_indices = #map1}]} {
    %mul3A = arith.constant 16 : i32
    %mul3A_0 = arith.muli %arg0, %mul3A : i32
    %add3A = arith.addi %mul3A_0, %arg1 : i32
    %eq3A = arith.constant 0 : i32
    %eq3A_1 = arith.cmpi eq, %arg0, %eq3A : i32
    %jit3A = arith.constant 93 : i32
    %jit3A_2 = arith.constant 64 : i32
    %select_n3A = arith.select %eq3A_1, %jit3A, %jit3A_2 : i32
    "tpu.region"() ({
      %run_scoped3A = tpu.sem_alloc : memref<!tpu.dma_semaphore, #tpu.memory_space<semaphore_mem>>
      %dma_start3A = arith.constant 0 : i32
      %dma_start3A_25 = arith.constant 0 : i32
      %dma_start3A_26 = tpu.memref_slice %arg3[%add3A, %dma_start3A, %dma_start3A_25] : memref<32x93x128xi32, #tpu.memory_space<hbm>> -> memref<1x93x128xi32, #tpu.memory_space<hbm>>
      %dma_start3A_27 = tpu.memref_squeeze %dma_start3A_26 : memref<1x93x128xi32, #tpu.memory_space<hbm>> -> memref<93x128xi32, #tpu.memory_space<hbm>>
      %dma_start3A_28 = arith.constant 0 : i32
      %dma_start3A_29 = arith.constant 0 : i32
      %dma_start3A_30 = tpu.memref_slice %arg3[%add3A, %dma_start3A_28, %dma_start3A_29] : memref<32x93x128xi32, #tpu.memory_space<hbm>> -> memref<1x93x128xi32, #tpu.memory_space<hbm>>
      %dma_start3A_31 = tpu.memref_squeeze %dma_start3A_30 : memref<1x93x128xi32, #tpu.memory_space<hbm>> -> memref<93x128xi32, #tpu.memory_space<hbm>>
      tpu.enqueue_dma source(%dma_start3A_31 : memref<93x128xi32, #tpu.memory_space<hbm>>) target(%arg7 : memref<93x128xi32, #tpu.memory_space<vmem>>) target_semaphore(%run_scoped3A : memref<!tpu.dma_semaphore, #tpu.memory_space<semaphore_mem>>)
      %dma_wait3A = arith.constant 0 : i32
      %dma_wait3A_32 = arith.constant 0 : i32
      %dma_wait3A_33 = tpu.memref_slice %arg3[%add3A, %dma_wait3A, %dma_wait3A_32] : memref<32x93x128xi32, #tpu.memory_space<hbm>> -> memref<1x93x128xi32, #tpu.memory_space<hbm>>
      %dma_wait3A_34 = tpu.memref_squeeze %dma_wait3A_33 : memref<1x93x128xi32, #tpu.memory_space<hbm>> -> memref<93x128xi32, #tpu.memory_space<hbm>>
      %dma_wait3A_35 = arith.constant 0 : i32
      %dma_wait3A_36 = arith.constant 0 : i32
      %dma_wait3A_37 = tpu.memref_slice %arg3[%add3A, %dma_wait3A_35, %dma_wait3A_36] : memref<32x93x128xi32, #tpu.memory_space<hbm>> -> memref<1x93x128xi32, #tpu.memory_space<hbm>>
      %dma_wait3A_38 = tpu.memref_squeeze %dma_wait3A_37 : memref<1x93x128xi32, #tpu.memory_space<hbm>> -> memref<93x128xi32, #tpu.memory_space<hbm>>
      tpu.wait_dma2 semaphore(%run_scoped3A : memref<!tpu.dma_semaphore, #tpu.memory_space<semaphore_mem>>) src(%dma_wait3A_38 : memref<93x128xi32, #tpu.memory_space<hbm>>) dst(%arg7 : memref<93x128xi32, #tpu.memory_space<vmem>>)
      tpu.yield
    }) : () -> ()
    "tpu.region"() ({
      %run_scoped3A = tpu.sem_alloc : memref<!tpu.dma_semaphore, #tpu.memory_space<semaphore_mem>>
      %dma_start3A = arith.constant 0 : i32
      %dma_start3A_25 = arith.constant 0 : i32
      %dma_start3A_26 = tpu.memref_slice %arg4[%add3A, %dma_start3A, %dma_start3A_25] : memref<32x93x128xi32, #tpu.memory_space<hbm>> -> memref<1x93x128xi32, #tpu.memory_space<hbm>>
      %dma_start3A_27 = tpu.memref_squeeze %dma_start3A_26 : memref<1x93x128xi32, #tpu.memory_space<hbm>> -> memref<93x128xi32, #tpu.memory_space<hbm>>
      %dma_start3A_28 = arith.constant 0 : i32
      %dma_start3A_29 = arith.constant 0 : i32
      %dma_start3A_30 = tpu.memref_slice %arg4[%add3A, %dma_start3A_28, %dma_start3A_29] : memref<32x93x128xi32, #tpu.memory_space<hbm>> -> memref<1x93x128xi32, #tpu.memory_space<hbm>>
      %dma_start3A_31 = tpu.memref_squeeze %dma_start3A_30 : memref<1x93x128xi32, #tpu.memory_space<hbm>> -> memref<93x128xi32, #tpu.memory_space<hbm>>
      tpu.enqueue_dma source(%dma_start3A_31 : memref<93x128xi32, #tpu.memory_space<hbm>>) target(%arg8 : memref<93x128xi32, #tpu.memory_space<vmem>>) target_semaphore(%run_scoped3A : memref<!tpu.dma_semaphore, #tpu.memory_space<semaphore_mem>>)
      %dma_wait3A = arith.constant 0 : i32
      %dma_wait3A_32 = arith.constant 0 : i32
      %dma_wait3A_33 = tpu.memref_slice %arg4[%add3A, %dma_wait3A, %dma_wait3A_32] : memref<32x93x128xi32, #tpu.memory_space<hbm>> -> memref<1x93x128xi32, #tpu.memory_space<hbm>>
      %dma_wait3A_34 = tpu.memref_squeeze %dma_wait3A_33 : memref<1x93x128xi32, #tpu.memory_space<hbm>> -> memref<93x128xi32, #tpu.memory_space<hbm>>
      %dma_wait3A_35 = arith.constant 0 : i32
      %dma_wait3A_36 = arith.constant 0 : i32
      %dma_wait3A_37 = tpu.memref_slice %arg4[%add3A, %dma_wait3A_35, %dma_wait3A_36] : memref<32x93x128xi32, #tpu.memory_space<hbm>> -> memref<1x93x128xi32, #tpu.memory_space<hbm>>
      %dma_wait3A_38 = tpu.memref_squeeze %dma_wait3A_37 : memref<1x93x128xi32, #tpu.memory_space<hbm>> -> memref<93x128xi32, #tpu.memory_space<hbm>>
      tpu.wait_dma2 semaphore(%run_scoped3A : memref<!tpu.dma_semaphore, #tpu.memory_space<semaphore_mem>>) src(%dma_wait3A_38 : memref<93x128xi32, #tpu.memory_space<hbm>>) dst(%arg8 : memref<93x128xi32, #tpu.memory_space<vmem>>)
      tpu.yield
    }) : () -> ()
    "tpu.region"() ({
      %run_scoped3A = tpu.sem_alloc : memref<!tpu.dma_semaphore, #tpu.memory_space<semaphore_mem>>
      tpu.enqueue_dma source(%arg5 : memref<128x128xf32, #tpu.memory_space<hbm>>) target(%arg9 : memref<128x128xf32, #tpu.memory_space<vmem>>) target_semaphore(%run_scoped3A : memref<!tpu.dma_semaphore, #tpu.memory_space<semaphore_mem>>)
      tpu.wait_dma2 semaphore(%run_scoped3A : memref<!tpu.dma_semaphore, #tpu.memory_space<semaphore_mem>>) src(%arg5 : memref<128x128xf32, #tpu.memory_space<hbm>>) dst(%arg9 : memref<128x128xf32, #tpu.memory_space<vmem>>)
      tpu.yield
    }) : () -> ()
    %scan3A = arith.constant 0 : i32
    %scan3A_3 = arith.constant 0 : i32
    %scan3A_4 = arith.constant 5 : i32
    %scan3A_5 = arith.addi %scan3A_3, %scan3A_4 : i32
    %scan3A_6 = arith.constant 1 : i32
    %scan3A_7 = scf.for %scan3A_25 = %scan3A_3 to %scan3A_5 step %scan3A_6 iter_args(%scan3A_26 = %scan3A) -> (i32)  : i32 {
      %mul3A_27 = arith.constant 640 : i32
      %mul3A_28 = arith.muli %arg1, %mul3A_27 : i32
      %mul3A_29 = arith.constant 128 : i32
      %mul3A_30 = arith.muli %scan3A_25, %mul3A_29 : i32
      %add3A_31 = arith.addi %mul3A_28, %mul3A_30 : i32
      "tpu.region"() ({
        %run_scoped3A = tpu.sem_alloc : memref<!tpu.dma_semaphore, #tpu.memory_space<semaphore_mem>>
        %dma_start3A = arith.constant 0 : i32
        %dma_start3A_33 = tpu.memref_slice %arg10[%add3A_31, %dma_start3A] : memref<10240x128xf32, #tpu.memory_space<vmem_shared>> -> memref<128x128xf32, #tpu.memory_space<vmem_shared>>
        %dma_start3A_34 = arith.constant 0 : i32
        %dma_start3A_35 = tpu.memref_slice %arg10[%add3A_31, %dma_start3A_34] : memref<10240x128xf32, #tpu.memory_space<vmem_shared>> -> memref<128x128xf32, #tpu.memory_space<vmem_shared>>
        tpu.enqueue_dma source(%arg9 : memref<128x128xf32, #tpu.memory_space<vmem>>) target(%dma_start3A_35 : memref<128x128xf32, #tpu.memory_space<vmem_shared>>) target_semaphore(%run_scoped3A : memref<!tpu.dma_semaphore, #tpu.memory_space<semaphore_mem>>)
        %dma_wait3A = arith.constant 0 : i32
        %dma_wait3A_36 = tpu.memref_slice %arg10[%add3A_31, %dma_wait3A] : memref<10240x128xf32, #tpu.memory_space<vmem_shared>> -> memref<128x128xf32, #tpu.memory_space<vmem_shared>>
        %dma_wait3A_37 = arith.constant 0 : i32
        %dma_wait3A_38 = tpu.memref_slice %arg10[%add3A_31, %dma_wait3A_37] : memref<10240x128xf32, #tpu.memory_space<vmem_shared>> -> memref<128x128xf32, #tpu.memory_space<vmem_shared>>
        tpu.wait_dma2 semaphore(%run_scoped3A : memref<!tpu.dma_semaphore, #tpu.memory_space<semaphore_mem>>) src(%arg9 : memref<128x128xf32, #tpu.memory_space<vmem>>) dst(%dma_wait3A_38 : memref<128x128xf32, #tpu.memory_space<vmem_shared>>)
        tpu.yield
      }) : () -> ()
      %scan3A_32 = arith.constant 0 : i32
      scf.yield %scan3A_32 : i32
    }
    %scan3A_8 = arith.constant 5 : i32
    %barrier3A = arith.constant 0 : index
    tpu.barrier barrier_id(%barrier3A)
    %while3A = arith.constant 0 : i32
    %while3A_9 = arith.constant 0 : i32
    %while3A_10 = arith.subi %select_n3A, %while3A : i32
    %while3A_11 = arith.addi %while3A, %while3A_10 : i32
    %while3A_12 = arith.constant 1 : i32
    %while3A_13 = arith.divsi %while3A_10, %while3A_12 : i32
    %while3A_14 = arith.muli %while3A_13, %while3A_12 : i32
    %while3A_15 = arith.addi %while3A, %while3A_14 : i32
    %while3A_16 = arith.constant 1 : i32
    %while3A_17 = scf.for %while3A_25 = %while3A to %while3A_15 step %while3A_16 iter_args(%while3A_26 = %while3A_9) -> (i32)  : i32 {
      "tpu.region"() ({
        %run_scoped3A = tpu.sem_alloc : memref<!tpu.dma_semaphore, #tpu.memory_space<semaphore_mem>>
        %dma_start3A = arith.constant 0 : i32
        %dma_start3A_28 = tpu.memref_slice %arg7[%while3A_25, %dma_start3A] : memref<93x128xi32, #tpu.memory_space<vmem>> -> memref<1x128xi32, #tpu.memory_space<vmem>>
        %dma_start3A_29 = tpu.memref_squeeze %dma_start3A_28 : memref<1x128xi32, #tpu.memory_space<vmem>> -> memref<128xi32, #tpu.memory_space<vmem>>
        %dma_start3A_30 = arith.constant 0 : i32
        %dma_start3A_31 = arith.constant 0 : i32
        %dma_start3A_32 = tpu.memref_slice %arg2[%dma_start3A_30, %dma_start3A_31] : memref<10240x128xf32, #tpu.memory_space<hbm>> -> memref<10240x128xf32, #tpu.memory_space<hbm>>
        tpu.enqueue_indirect_dma source(%dma_start3A_32 : memref<10240x128xf32, #tpu.memory_space<hbm>>) target(%arg9 : memref<128x128xf32, #tpu.memory_space<vmem>>) offsets(%dma_start3A_29 : memref<128xi32, #tpu.memory_space<vmem>>) semaphore(%run_scoped3A : memref<!tpu.dma_semaphore, #tpu.memory_space<semaphore_mem>>)
        %dma_wait3A = arith.constant 0 : i32
        %dma_wait3A_33 = tpu.memref_slice %arg7[%while3A_25, %dma_wait3A] : memref<93x128xi32, #tpu.memory_space<vmem>> -> memref<1x128xi32, #tpu.memory_space<vmem>>
        %dma_wait3A_34 = tpu.memref_squeeze %dma_wait3A_33 : memref<1x128xi32, #tpu.memory_space<vmem>> -> memref<128xi32, #tpu.memory_space<vmem>>
        %dma_wait3A_35 = arith.constant 0 : i32
        %dma_wait3A_36 = arith.constant 0 : i32
        %dma_wait3A_37 = tpu.memref_slice %arg2[%dma_wait3A_35, %dma_wait3A_36] : memref<10240x128xf32, #tpu.memory_space<hbm>> -> memref<10240x128xf32, #tpu.memory_space<hbm>>
        tpu.wait_indirect_dma semaphore(%run_scoped3A : memref<!tpu.dma_semaphore, #tpu.memory_space<semaphore_mem>>) src(%dma_wait3A_37 : memref<10240x128xf32, #tpu.memory_space<hbm>>) dst(%arg9 : memref<128x128xf32, #tpu.memory_space<vmem>>)
        tpu.yield
      }) : () -> ()
      "tpu.region"() ({
        %run_scoped3A = tpu.sem_alloc : memref<!tpu.dma_semaphore, #tpu.memory_space<semaphore_mem>>
        %dma_start3A = arith.constant 0 : i32
        %dma_start3A_28 = tpu.memref_slice %arg8[%while3A_25, %dma_start3A] : memref<93x128xi32, #tpu.memory_space<vmem>> -> memref<1x128xi32, #tpu.memory_space<vmem>>
        %dma_start3A_29 = tpu.memref_squeeze %dma_start3A_28 : memref<1x128xi32, #tpu.memory_space<vmem>> -> memref<128xi32, #tpu.memory_space<vmem>>
        %dma_start3A_30 = arith.constant 0 : i32
        %dma_start3A_31 = arith.constant 0 : i32
        %dma_start3A_32 = tpu.memref_slice %arg10[%dma_start3A_30, %dma_start3A_31] : memref<10240x128xf32, #tpu.memory_space<vmem_shared>> -> memref<10240x128xf32, #tpu.memory_space<vmem_shared>>
        tpu.enqueue_indirect_dma source(%arg9 : memref<128x128xf32, #tpu.memory_space<vmem>>) target(%dma_start3A_32 : memref<10240x128xf32, #tpu.memory_space<vmem_shared>>) offsets(%dma_start3A_29 : memref<128xi32, #tpu.memory_space<vmem>>) semaphore(%run_scoped3A : memref<!tpu.dma_semaphore, #tpu.memory_space<semaphore_mem>>) {add = true}
        %dma_wait3A = arith.constant 0 : i32
        %dma_wait3A_33 = tpu.memref_slice %arg8[%while3A_25, %dma_wait3A] : memref<93x128xi32, #tpu.memory_space<vmem>> -> memref<1x128xi32, #tpu.memory_space<vmem>>
        %dma_wait3A_34 = tpu.memref_squeeze %dma_wait3A_33 : memref<1x128xi32, #tpu.memory_space<vmem>> -> memref<128xi32, #tpu.memory_space<vmem>>
        %dma_wait3A_35 = arith.constant 0 : i32
        %dma_wait3A_36 = arith.constant 0 : i32
        %dma_wait3A_37 = tpu.memref_slice %arg10[%dma_wait3A_35, %dma_wait3A_36] : memref<10240x128xf32, #tpu.memory_space<vmem_shared>> -> memref<10240x128xf32, #tpu.memory_space<vmem_shared>>
        tpu.wait_indirect_dma semaphore(%run_scoped3A : memref<!tpu.dma_semaphore, #tpu.memory_space<semaphore_mem>>) src(%arg9 : memref<128x128xf32, #tpu.memory_space<vmem>>) dst(%dma_wait3A_37 : memref<10240x128xf32, #tpu.memory_space<vmem_shared>>)
        tpu.yield
      }) : () -> ()
      %while3A_27 = arith.constant 0 : i32
      scf.yield %while3A_27 : i32
    }
    %while3A_18 = arith.constant 1 : i32
    %while3A_19 = scf.for %while3A_25 = %while3A_15 to %while3A_11 step %while3A_18 iter_args(%while3A_26 = %while3A_17) -> (i32)  : i32 {
      "tpu.region"() ({
        %run_scoped3A = tpu.sem_alloc : memref<!tpu.dma_semaphore, #tpu.memory_space<semaphore_mem>>
        %dma_start3A = arith.constant 0 : i32
        %dma_start3A_28 = tpu.memref_slice %arg7[%while3A_25, %dma_start3A] : memref<93x128xi32, #tpu.memory_space<vmem>> -> memref<1x128xi32, #tpu.memory_space<vmem>>
        %dma_start3A_29 = tpu.memref_squeeze %dma_start3A_28 : memref<1x128xi32, #tpu.memory_space<vmem>> -> memref<128xi32, #tpu.memory_space<vmem>>
        %dma_start3A_30 = arith.constant 0 : i32
        %dma_start3A_31 = arith.constant 0 : i32
        %dma_start3A_32 = tpu.memref_slice %arg2[%dma_start3A_30, %dma_start3A_31] : memref<10240x128xf32, #tpu.memory_space<hbm>> -> memref<10240x128xf32, #tpu.memory_space<hbm>>
        tpu.enqueue_indirect_dma source(%dma_start3A_32 : memref<10240x128xf32, #tpu.memory_space<hbm>>) target(%arg9 : memref<128x128xf32, #tpu.memory_space<vmem>>) offsets(%dma_start3A_29 : memref<128xi32, #tpu.memory_space<vmem>>) semaphore(%run_scoped3A : memref<!tpu.dma_semaphore, #tpu.memory_space<semaphore_mem>>)
        %dma_wait3A = arith.constant 0 : i32
        %dma_wait3A_33 = tpu.memref_slice %arg7[%while3A_25, %dma_wait3A] : memref<93x128xi32, #tpu.memory_space<vmem>> -> memref<1x128xi32, #tpu.memory_space<vmem>>
        %dma_wait3A_34 = tpu.memref_squeeze %dma_wait3A_33 : memref<1x128xi32, #tpu.memory_space<vmem>> -> memref<128xi32, #tpu.memory_space<vmem>>
        %dma_wait3A_35 = arith.constant 0 : i32
        %dma_wait3A_36 = arith.constant 0 : i32
        %dma_wait3A_37 = tpu.memref_slice %arg2[%dma_wait3A_35, %dma_wait3A_36] : memref<10240x128xf32, #tpu.memory_space<hbm>> -> memref<10240x128xf32, #tpu.memory_space<hbm>>
        tpu.wait_indirect_dma semaphore(%run_scoped3A : memref<!tpu.dma_semaphore, #tpu.memory_space<semaphore_mem>>) src(%dma_wait3A_37 : memref<10240x128xf32, #tpu.memory_space<hbm>>) dst(%arg9 : memref<128x128xf32, #tpu.memory_space<vmem>>)
        tpu.yield
      }) : () -> ()
      "tpu.region"() ({
        %run_scoped3A = tpu.sem_alloc : memref<!tpu.dma_semaphore, #tpu.memory_space<semaphore_mem>>
        %dma_start3A = arith.constant 0 : i32
        %dma_start3A_28 = tpu.memref_slice %arg8[%while3A_25, %dma_start3A] : memref<93x128xi32, #tpu.memory_space<vmem>> -> memref<1x128xi32, #tpu.memory_space<vmem>>
        %dma_start3A_29 = tpu.memref_squeeze %dma_start3A_28 : memref<1x128xi32, #tpu.memory_space<vmem>> -> memref<128xi32, #tpu.memory_space<vmem>>
        %dma_start3A_30 = arith.constant 0 : i32
        %dma_start3A_31 = arith.constant 0 : i32
        %dma_start3A_32 = tpu.memref_slice %arg10[%dma_start3A_30, %dma_start3A_31] : memref<10240x128xf32, #tpu.memory_space<vmem_shared>> -> memref<10240x128xf32, #tpu.memory_space<vmem_shared>>
        tpu.enqueue_indirect_dma source(%arg9 : memref<128x128xf32, #tpu.memory_space<vmem>>) target(%dma_start3A_32 : memref<10240x128xf32, #tpu.memory_space<vmem_shared>>) offsets(%dma_start3A_29 : memref<128xi32, #tpu.memory_space<vmem>>) semaphore(%run_scoped3A : memref<!tpu.dma_semaphore, #tpu.memory_space<semaphore_mem>>) {add = true}
        %dma_wait3A = arith.constant 0 : i32
        %dma_wait3A_33 = tpu.memref_slice %arg8[%while3A_25, %dma_wait3A] : memref<93x128xi32, #tpu.memory_space<vmem>> -> memref<1x128xi32, #tpu.memory_space<vmem>>
        %dma_wait3A_34 = tpu.memref_squeeze %dma_wait3A_33 : memref<1x128xi32, #tpu.memory_space<vmem>> -> memref<128xi32, #tpu.memory_space<vmem>>
        %dma_wait3A_35 = arith.constant 0 : i32
        %dma_wait3A_36 = arith.constant 0 : i32
        %dma_wait3A_37 = tpu.memref_slice %arg10[%dma_wait3A_35, %dma_wait3A_36] : memref<10240x128xf32, #tpu.memory_space<vmem_shared>> -> memref<10240x128xf32, #tpu.memory_space<vmem_shared>>
        tpu.wait_indirect_dma semaphore(%run_scoped3A : memref<!tpu.dma_semaphore, #tpu.memory_space<semaphore_mem>>) src(%arg9 : memref<128x128xf32, #tpu.memory_space<vmem>>) dst(%dma_wait3A_37 : memref<10240x128xf32, #tpu.memory_space<vmem_shared>>)
        tpu.yield
      }) : () -> ()
      %while3A_27 = arith.constant 0 : i32
      scf.yield %while3A_27 : i32
    }
    %barrier3A_20 = arith.constant 0 : index
    tpu.barrier barrier_id(%barrier3A_20)
    %mul3A_21 = arith.constant 640 : i32
    %mul3A_22 = arith.muli %arg1, %mul3A_21 : i32
    %mul3A_23 = arith.constant 640 : i32
    %mul3A_24 = arith.muli %arg1, %mul3A_23 : i32
    "tpu.region"() ({
      %run_scoped3A = tpu.sem_alloc : memref<!tpu.dma_semaphore, #tpu.memory_space<semaphore_mem>>
      %dma_start3A = arith.constant 0 : i32
      %dma_start3A_25 = tpu.memref_slice %arg6[%arg0, %mul3A_24, %dma_start3A] : memref<2x10240x128xf32, #tpu.memory_space<hbm>> -> memref<1x640x128xf32, #tpu.memory_space<hbm>>
      %dma_start3A_26 = tpu.memref_squeeze %dma_start3A_25 : memref<1x640x128xf32, #tpu.memory_space<hbm>> -> memref<640x128xf32, #tpu.memory_space<hbm>>
      %dma_start3A_27 = arith.constant 0 : i32
      %dma_start3A_28 = tpu.memref_slice %arg10[%mul3A_22, %dma_start3A_27] : memref<10240x128xf32, #tpu.memory_space<vmem_shared>> -> memref<640x128xf32, #tpu.memory_space<vmem_shared>>
      tpu.enqueue_dma source(%dma_start3A_28 : memref<640x128xf32, #tpu.memory_space<vmem_shared>>) target(%dma_start3A_26 : memref<640x128xf32, #tpu.memory_space<hbm>>) target_semaphore(%run_scoped3A : memref<!tpu.dma_semaphore, #tpu.memory_space<semaphore_mem>>)
      %dma_wait3A = arith.constant 0 : i32
      %dma_wait3A_29 = tpu.memref_slice %arg6[%arg0, %mul3A_24, %dma_wait3A] : memref<2x10240x128xf32, #tpu.memory_space<hbm>> -> memref<1x640x128xf32, #tpu.memory_space<hbm>>
      %dma_wait3A_30 = tpu.memref_squeeze %dma_wait3A_29 : memref<1x640x128xf32, #tpu.memory_space<hbm>> -> memref<640x128xf32, #tpu.memory_space<hbm>>
      %dma_wait3A_31 = arith.constant 0 : i32
      %dma_wait3A_32 = tpu.memref_slice %arg10[%mul3A_22, %dma_wait3A_31] : memref<10240x128xf32, #tpu.memory_space<vmem_shared>> -> memref<640x128xf32, #tpu.memory_space<vmem_shared>>
      tpu.wait_dma2 semaphore(%run_scoped3A : memref<!tpu.dma_semaphore, #tpu.memory_space<semaphore_mem>>) src(%dma_wait3A_32 : memref<640x128xf32, #tpu.memory_space<vmem_shared>>) dst(%dma_wait3A_30 : memref<640x128xf32, #tpu.memory_space<hbm>>)
      tpu.yield
    }) : () -> ()
    return
  }
}

#map = affine_map<(d0, d1) -> (0, 0)>
#map1 = affine_map<(d0, d1) -> (0, 0, 0)>
module attributes {stable_mosaic.version = 14 : i64} {
  func.func @_edge_body(%arg0: i32, %arg1: i32, %arg2: memref<10240x128xf32, #tpu.memory_space<hbm>>, %arg3: memref<32x93x128xi32, #tpu.memory_space<hbm>>, %arg4: memref<32x93x128xi32, #tpu.memory_space<hbm>>, %arg5: memref<128x128xf32, #tpu.memory_space<hbm>>, %arg6: memref<2x10240x128xf32, #tpu.memory_space<hbm>>, %arg7: memref<93x128xi32, #tpu.memory_space<vmem>>, %arg8: memref<93x128xi32, #tpu.memory_space<vmem>>, %arg9: memref<128x128xf32, #tpu.memory_space<vmem>>, %arg10: memref<10240x128xf32, #tpu.memory_space<vmem_shared>>) attributes {dimension_semantics = [#tpu.dimension_semantics<core_parallel>, #tpu.dimension_semantics<subcore_parallel>], iteration_bounds = array<i64: 2, 16>, scalar_prefetch = 0 : i64, scratch_operands = 4 : i64, tpu.core_type = #tpu.core_type<sc_vector_subcore>, window_params = [{transform_indices = #map}, {transform_indices = #map1}, {transform_indices = #map1}, {transform_indices = #map}, {transform_indices = #map1}]} {
    %mul3A = arith.constant 16 : i32
    %mul3A_0 = arith.muli %arg0, %mul3A : i32
    %add3A = arith.addi %mul3A_0, %arg1 : i32
    %eq3A = arith.constant 0 : i32
    %eq3A_1 = arith.cmpi eq, %arg0, %eq3A : i32
    %jit3A = arith.constant 93 : i32
    %jit3A_2 = arith.constant 64 : i32
    %select_n3A = arith.select %eq3A_1, %jit3A, %jit3A_2 : i32
    "tpu.region"() ({
      %run_scoped3A = tpu.sem_alloc : memref<!tpu.dma_semaphore, #tpu.memory_space<semaphore_mem>>
      %dma_start3A = arith.constant 0 : i32
      %dma_start3A_25 = arith.constant 0 : i32
      %dma_start3A_26 = tpu.memref_slice %arg3[%add3A, %dma_start3A, %dma_start3A_25] : memref<32x93x128xi32, #tpu.memory_space<hbm>> -> memref<1x93x128xi32, #tpu.memory_space<hbm>>
      %dma_start3A_27 = tpu.memref_squeeze %dma_start3A_26 : memref<1x93x128xi32, #tpu.memory_space<hbm>> -> memref<93x128xi32, #tpu.memory_space<hbm>>
      %dma_start3A_28 = arith.constant 0 : i32
      %dma_start3A_29 = arith.constant 0 : i32
      %dma_start3A_30 = tpu.memref_slice %arg3[%add3A, %dma_start3A_28, %dma_start3A_29] : memref<32x93x128xi32, #tpu.memory_space<hbm>> -> memref<1x93x128xi32, #tpu.memory_space<hbm>>
      %dma_start3A_31 = tpu.memref_squeeze %dma_start3A_30 : memref<1x93x128xi32, #tpu.memory_space<hbm>> -> memref<93x128xi32, #tpu.memory_space<hbm>>
      tpu.enqueue_dma source(%dma_start3A_31 : memref<93x128xi32, #tpu.memory_space<hbm>>) target(%arg7 : memref<93x128xi32, #tpu.memory_space<vmem>>) target_semaphore(%run_scoped3A : memref<!tpu.dma_semaphore, #tpu.memory_space<semaphore_mem>>)
      %dma_wait3A = arith.constant 0 : i32
      %dma_wait3A_32 = arith.constant 0 : i32
      %dma_wait3A_33 = tpu.memref_slice %arg3[%add3A, %dma_wait3A, %dma_wait3A_32] : memref<32x93x128xi32, #tpu.memory_space<hbm>> -> memref<1x93x128xi32, #tpu.memory_space<hbm>>
      %dma_wait3A_34 = tpu.memref_squeeze %dma_wait3A_33 : memref<1x93x128xi32, #tpu.memory_space<hbm>> -> memref<93x128xi32, #tpu.memory_space<hbm>>
      %dma_wait3A_35 = arith.constant 0 : i32
      %dma_wait3A_36 = arith.constant 0 : i32
      %dma_wait3A_37 = tpu.memref_slice %arg3[%add3A, %dma_wait3A_35, %dma_wait3A_36] : memref<32x93x128xi32, #tpu.memory_space<hbm>> -> memref<1x93x128xi32, #tpu.memory_space<hbm>>
      %dma_wait3A_38 = tpu.memref_squeeze %dma_wait3A_37 : memref<1x93x128xi32, #tpu.memory_space<hbm>> -> memref<93x128xi32, #tpu.memory_space<hbm>>
      tpu.wait_dma2 semaphore(%run_scoped3A : memref<!tpu.dma_semaphore, #tpu.memory_space<semaphore_mem>>) src(%dma_wait3A_38 : memref<93x128xi32, #tpu.memory_space<hbm>>) dst(%arg7 : memref<93x128xi32, #tpu.memory_space<vmem>>)
      tpu.yield
    }) : () -> ()
    "tpu.region"() ({
      %run_scoped3A = tpu.sem_alloc : memref<!tpu.dma_semaphore, #tpu.memory_space<semaphore_mem>>
      %dma_start3A = arith.constant 0 : i32
      %dma_start3A_25 = arith.constant 0 : i32
      %dma_start3A_26 = tpu.memref_slice %arg4[%add3A, %dma_start3A, %dma_start3A_25] : memref<32x93x128xi32, #tpu.memory_space<hbm>> -> memref<1x93x128xi32, #tpu.memory_space<hbm>>
      %dma_start3A_27 = tpu.memref_squeeze %dma_start3A_26 : memref<1x93x128xi32, #tpu.memory_space<hbm>> -> memref<93x128xi32, #tpu.memory_space<hbm>>
      %dma_start3A_28 = arith.constant 0 : i32
      %dma_start3A_29 = arith.constant 0 : i32
      %dma_start3A_30 = tpu.memref_slice %arg4[%add3A, %dma_start3A_28, %dma_start3A_29] : memref<32x93x128xi32, #tpu.memory_space<hbm>> -> memref<1x93x128xi32, #tpu.memory_space<hbm>>
      %dma_start3A_31 = tpu.memref_squeeze %dma_start3A_30 : memref<1x93x128xi32, #tpu.memory_space<hbm>> -> memref<93x128xi32, #tpu.memory_space<hbm>>
      tpu.enqueue_dma source(%dma_start3A_31 : memref<93x128xi32, #tpu.memory_space<hbm>>) target(%arg8 : memref<93x128xi32, #tpu.memory_space<vmem>>) target_semaphore(%run_scoped3A : memref<!tpu.dma_semaphore, #tpu.memory_space<semaphore_mem>>)
      %dma_wait3A = arith.constant 0 : i32
      %dma_wait3A_32 = arith.constant 0 : i32
      %dma_wait3A_33 = tpu.memref_slice %arg4[%add3A, %dma_wait3A, %dma_wait3A_32] : memref<32x93x128xi32, #tpu.memory_space<hbm>> -> memref<1x93x128xi32, #tpu.memory_space<hbm>>
      %dma_wait3A_34 = tpu.memref_squeeze %dma_wait3A_33 : memref<1x93x128xi32, #tpu.memory_space<hbm>> -> memref<93x128xi32, #tpu.memory_space<hbm>>
      %dma_wait3A_35 = arith.constant 0 : i32
      %dma_wait3A_36 = arith.constant 0 : i32
      %dma_wait3A_37 = tpu.memref_slice %arg4[%add3A, %dma_wait3A_35, %dma_wait3A_36] : memref<32x93x128xi32, #tpu.memory_space<hbm>> -> memref<1x93x128xi32, #tpu.memory_space<hbm>>
      %dma_wait3A_38 = tpu.memref_squeeze %dma_wait3A_37 : memref<1x93x128xi32, #tpu.memory_space<hbm>> -> memref<93x128xi32, #tpu.memory_space<hbm>>
      tpu.wait_dma2 semaphore(%run_scoped3A : memref<!tpu.dma_semaphore, #tpu.memory_space<semaphore_mem>>) src(%dma_wait3A_38 : memref<93x128xi32, #tpu.memory_space<hbm>>) dst(%arg8 : memref<93x128xi32, #tpu.memory_space<vmem>>)
      tpu.yield
    }) : () -> ()
    "tpu.region"() ({
      %run_scoped3A = tpu.sem_alloc : memref<!tpu.dma_semaphore, #tpu.memory_space<semaphore_mem>>
      tpu.enqueue_dma source(%arg5 : memref<128x128xf32, #tpu.memory_space<hbm>>) target(%arg9 : memref<128x128xf32, #tpu.memory_space<vmem>>) target_semaphore(%run_scoped3A : memref<!tpu.dma_semaphore, #tpu.memory_space<semaphore_mem>>)
      tpu.wait_dma2 semaphore(%run_scoped3A : memref<!tpu.dma_semaphore, #tpu.memory_space<semaphore_mem>>) src(%arg5 : memref<128x128xf32, #tpu.memory_space<hbm>>) dst(%arg9 : memref<128x128xf32, #tpu.memory_space<vmem>>)
      tpu.yield
    }) : () -> ()
    %scan3A = arith.constant 0 : i32
    %scan3A_3 = arith.constant 0 : i32
    %scan3A_4 = arith.constant 5 : i32
    %scan3A_5 = arith.addi %scan3A_3, %scan3A_4 : i32
    %scan3A_6 = arith.constant 1 : i32
    %scan3A_7 = scf.for %scan3A_25 = %scan3A_3 to %scan3A_5 step %scan3A_6 iter_args(%scan3A_26 = %scan3A) -> (i32)  : i32 {
      %mul3A_27 = arith.constant 640 : i32
      %mul3A_28 = arith.muli %arg1, %mul3A_27 : i32
      %mul3A_29 = arith.constant 128 : i32
      %mul3A_30 = arith.muli %scan3A_25, %mul3A_29 : i32
      %add3A_31 = arith.addi %mul3A_28, %mul3A_30 : i32
      "tpu.region"() ({
        %run_scoped3A = tpu.sem_alloc : memref<!tpu.dma_semaphore, #tpu.memory_space<semaphore_mem>>
        %dma_start3A = arith.constant 0 : i32
        %dma_start3A_33 = tpu.memref_slice %arg10[%add3A_31, %dma_start3A] : memref<10240x128xf32, #tpu.memory_space<vmem_shared>> -> memref<128x128xf32, #tpu.memory_space<vmem_shared>>
        %dma_start3A_34 = arith.constant 0 : i32
        %dma_start3A_35 = tpu.memref_slice %arg10[%add3A_31, %dma_start3A_34] : memref<10240x128xf32, #tpu.memory_space<vmem_shared>> -> memref<128x128xf32, #tpu.memory_space<vmem_shared>>
        tpu.enqueue_dma source(%arg9 : memref<128x128xf32, #tpu.memory_space<vmem>>) target(%dma_start3A_35 : memref<128x128xf32, #tpu.memory_space<vmem_shared>>) target_semaphore(%run_scoped3A : memref<!tpu.dma_semaphore, #tpu.memory_space<semaphore_mem>>)
        %dma_wait3A = arith.constant 0 : i32
        %dma_wait3A_36 = tpu.memref_slice %arg10[%add3A_31, %dma_wait3A] : memref<10240x128xf32, #tpu.memory_space<vmem_shared>> -> memref<128x128xf32, #tpu.memory_space<vmem_shared>>
        %dma_wait3A_37 = arith.constant 0 : i32
        %dma_wait3A_38 = tpu.memref_slice %arg10[%add3A_31, %dma_wait3A_37] : memref<10240x128xf32, #tpu.memory_space<vmem_shared>> -> memref<128x128xf32, #tpu.memory_space<vmem_shared>>
        tpu.wait_dma2 semaphore(%run_scoped3A : memref<!tpu.dma_semaphore, #tpu.memory_space<semaphore_mem>>) src(%arg9 : memref<128x128xf32, #tpu.memory_space<vmem>>) dst(%dma_wait3A_38 : memref<128x128xf32, #tpu.memory_space<vmem_shared>>)
        tpu.yield
      }) : () -> ()
      %scan3A_32 = arith.constant 0 : i32
      scf.yield %scan3A_32 : i32
    }
    %scan3A_8 = arith.constant 5 : i32
    %barrier3A = arith.constant 0 : index
    tpu.barrier barrier_id(%barrier3A)
    %while3A = arith.constant 0 : i32
    %while3A_9 = arith.constant 0 : i32
    %while3A_10 = arith.subi %select_n3A, %while3A : i32
    %while3A_11 = arith.addi %while3A, %while3A_10 : i32
    %while3A_12 = arith.constant 1 : i32
    %while3A_13 = arith.divsi %while3A_10, %while3A_12 : i32
    %while3A_14 = arith.muli %while3A_13, %while3A_12 : i32
    %while3A_15 = arith.addi %while3A, %while3A_14 : i32
    %while3A_16 = arith.constant 1 : i32
    %while3A_17 = scf.for %while3A_25 = %while3A to %while3A_15 step %while3A_16 iter_args(%while3A_26 = %while3A_9) -> (i32)  : i32 {
      "tpu.region"() ({
        %run_scoped3A = tpu.sem_alloc : memref<!tpu.dma_semaphore, #tpu.memory_space<semaphore_mem>>
        %dma_start3A = arith.constant 0 : i32
        %dma_start3A_28 = tpu.memref_slice %arg7[%while3A_25, %dma_start3A] : memref<93x128xi32, #tpu.memory_space<vmem>> -> memref<1x128xi32, #tpu.memory_space<vmem>>
        %dma_start3A_29 = tpu.memref_squeeze %dma_start3A_28 : memref<1x128xi32, #tpu.memory_space<vmem>> -> memref<128xi32, #tpu.memory_space<vmem>>
        %dma_start3A_30 = arith.constant 0 : i32
        %dma_start3A_31 = arith.constant 0 : i32
        %dma_start3A_32 = tpu.memref_slice %arg2[%dma_start3A_30, %dma_start3A_31] : memref<10240x128xf32, #tpu.memory_space<hbm>> -> memref<10240x128xf32, #tpu.memory_space<hbm>>
        tpu.enqueue_indirect_dma source(%dma_start3A_32 : memref<10240x128xf32, #tpu.memory_space<hbm>>) target(%arg9 : memref<128x128xf32, #tpu.memory_space<vmem>>) offsets(%dma_start3A_29 : memref<128xi32, #tpu.memory_space<vmem>>) semaphore(%run_scoped3A : memref<!tpu.dma_semaphore, #tpu.memory_space<semaphore_mem>>)
        %dma_wait3A = arith.constant 0 : i32
        %dma_wait3A_33 = tpu.memref_slice %arg7[%while3A_25, %dma_wait3A] : memref<93x128xi32, #tpu.memory_space<vmem>> -> memref<1x128xi32, #tpu.memory_space<vmem>>
        %dma_wait3A_34 = tpu.memref_squeeze %dma_wait3A_33 : memref<1x128xi32, #tpu.memory_space<vmem>> -> memref<128xi32, #tpu.memory_space<vmem>>
        %dma_wait3A_35 = arith.constant 0 : i32
        %dma_wait3A_36 = arith.constant 0 : i32
        %dma_wait3A_37 = tpu.memref_slice %arg2[%dma_wait3A_35, %dma_wait3A_36] : memref<10240x128xf32, #tpu.memory_space<hbm>> -> memref<10240x128xf32, #tpu.memory_space<hbm>>
        tpu.wait_indirect_dma semaphore(%run_scoped3A : memref<!tpu.dma_semaphore, #tpu.memory_space<semaphore_mem>>) src(%dma_wait3A_37 : memref<10240x128xf32, #tpu.memory_space<hbm>>) dst(%arg9 : memref<128x128xf32, #tpu.memory_space<vmem>>)
        tpu.yield
      }) : () -> ()
      "tpu.region"() ({
        %run_scoped3A = tpu.sem_alloc : memref<!tpu.dma_semaphore, #tpu.memory_space<semaphore_mem>>
        %dma_start3A = arith.constant 0 : i32
        %dma_start3A_28 = tpu.memref_slice %arg8[%while3A_25, %dma_start3A] : memref<93x128xi32, #tpu.memory_space<vmem>> -> memref<1x128xi32, #tpu.memory_space<vmem>>
        %dma_start3A_29 = tpu.memref_squeeze %dma_start3A_28 : memref<1x128xi32, #tpu.memory_space<vmem>> -> memref<128xi32, #tpu.memory_space<vmem>>
        %dma_start3A_30 = arith.constant 0 : i32
        %dma_start3A_31 = arith.constant 0 : i32
        %dma_start3A_32 = tpu.memref_slice %arg10[%dma_start3A_30, %dma_start3A_31] : memref<10240x128xf32, #tpu.memory_space<vmem_shared>> -> memref<10240x128xf32, #tpu.memory_space<vmem_shared>>
        tpu.enqueue_indirect_dma source(%arg9 : memref<128x128xf32, #tpu.memory_space<vmem>>) target(%dma_start3A_32 : memref<10240x128xf32, #tpu.memory_space<vmem_shared>>) offsets(%dma_start3A_29 : memref<128xi32, #tpu.memory_space<vmem>>) semaphore(%run_scoped3A : memref<!tpu.dma_semaphore, #tpu.memory_space<semaphore_mem>>) {add = true}
        %dma_wait3A = arith.constant 0 : i32
        %dma_wait3A_33 = tpu.memref_slice %arg8[%while3A_25, %dma_wait3A] : memref<93x128xi32, #tpu.memory_space<vmem>> -> memref<1x128xi32, #tpu.memory_space<vmem>>
        %dma_wait3A_34 = tpu.memref_squeeze %dma_wait3A_33 : memref<1x128xi32, #tpu.memory_space<vmem>> -> memref<128xi32, #tpu.memory_space<vmem>>
        %dma_wait3A_35 = arith.constant 0 : i32
        %dma_wait3A_36 = arith.constant 0 : i32
        %dma_wait3A_37 = tpu.memref_slice %arg10[%dma_wait3A_35, %dma_wait3A_36] : memref<10240x128xf32, #tpu.memory_space<vmem_shared>> -> memref<10240x128xf32, #tpu.memory_space<vmem_shared>>
        tpu.wait_indirect_dma semaphore(%run_scoped3A : memref<!tpu.dma_semaphore, #tpu.memory_space<semaphore_mem>>) src(%arg9 : memref<128x128xf32, #tpu.memory_space<vmem>>) dst(%dma_wait3A_37 : memref<10240x128xf32, #tpu.memory_space<vmem_shared>>)
        tpu.yield
      }) : () -> ()
      %while3A_27 = arith.constant 0 : i32
      scf.yield %while3A_27 : i32
    }
    %while3A_18 = arith.constant 1 : i32
    %while3A_19 = scf.for %while3A_25 = %while3A_15 to %while3A_11 step %while3A_18 iter_args(%while3A_26 = %while3A_17) -> (i32)  : i32 {
      "tpu.region"() ({
        %run_scoped3A = tpu.sem_alloc : memref<!tpu.dma_semaphore, #tpu.memory_space<semaphore_mem>>
        %dma_start3A = arith.constant 0 : i32
        %dma_start3A_28 = tpu.memref_slice %arg7[%while3A_25, %dma_start3A] : memref<93x128xi32, #tpu.memory_space<vmem>> -> memref<1x128xi32, #tpu.memory_space<vmem>>
        %dma_start3A_29 = tpu.memref_squeeze %dma_start3A_28 : memref<1x128xi32, #tpu.memory_space<vmem>> -> memref<128xi32, #tpu.memory_space<vmem>>
        %dma_start3A_30 = arith.constant 0 : i32
        %dma_start3A_31 = arith.constant 0 : i32
        %dma_start3A_32 = tpu.memref_slice %arg2[%dma_start3A_30, %dma_start3A_31] : memref<10240x128xf32, #tpu.memory_space<hbm>> -> memref<10240x128xf32, #tpu.memory_space<hbm>>
        tpu.enqueue_indirect_dma source(%dma_start3A_32 : memref<10240x128xf32, #tpu.memory_space<hbm>>) target(%arg9 : memref<128x128xf32, #tpu.memory_space<vmem>>) offsets(%dma_start3A_29 : memref<128xi32, #tpu.memory_space<vmem>>) semaphore(%run_scoped3A : memref<!tpu.dma_semaphore, #tpu.memory_space<semaphore_mem>>)
        %dma_wait3A = arith.constant 0 : i32
        %dma_wait3A_33 = tpu.memref_slice %arg7[%while3A_25, %dma_wait3A] : memref<93x128xi32, #tpu.memory_space<vmem>> -> memref<1x128xi32, #tpu.memory_space<vmem>>
        %dma_wait3A_34 = tpu.memref_squeeze %dma_wait3A_33 : memref<1x128xi32, #tpu.memory_space<vmem>> -> memref<128xi32, #tpu.memory_space<vmem>>
        %dma_wait3A_35 = arith.constant 0 : i32
        %dma_wait3A_36 = arith.constant 0 : i32
        %dma_wait3A_37 = tpu.memref_slice %arg2[%dma_wait3A_35, %dma_wait3A_36] : memref<10240x128xf32, #tpu.memory_space<hbm>> -> memref<10240x128xf32, #tpu.memory_space<hbm>>
        tpu.wait_indirect_dma semaphore(%run_scoped3A : memref<!tpu.dma_semaphore, #tpu.memory_space<semaphore_mem>>) src(%dma_wait3A_37 : memref<10240x128xf32, #tpu.memory_space<hbm>>) dst(%arg9 : memref<128x128xf32, #tpu.memory_space<vmem>>)
        tpu.yield
      }) : () -> ()
      "tpu.region"() ({
        %run_scoped3A = tpu.sem_alloc : memref<!tpu.dma_semaphore, #tpu.memory_space<semaphore_mem>>
        %dma_start3A = arith.constant 0 : i32
        %dma_start3A_28 = tpu.memref_slice %arg8[%while3A_25, %dma_start3A] : memref<93x128xi32, #tpu.memory_space<vmem>> -> memref<1x128xi32, #tpu.memory_space<vmem>>
        %dma_start3A_29 = tpu.memref_squeeze %dma_start3A_28 : memref<1x128xi32, #tpu.memory_space<vmem>> -> memref<128xi32, #tpu.memory_space<vmem>>
        %dma_start3A_30 = arith.constant 0 : i32
        %dma_start3A_31 = arith.constant 0 : i32
        %dma_start3A_32 = tpu.memref_slice %arg10[%dma_start3A_30, %dma_start3A_31] : memref<10240x128xf32, #tpu.memory_space<vmem_shared>> -> memref<10240x128xf32, #tpu.memory_space<vmem_shared>>
        tpu.enqueue_indirect_dma source(%arg9 : memref<128x128xf32, #tpu.memory_space<vmem>>) target(%dma_start3A_32 : memref<10240x128xf32, #tpu.memory_space<vmem_shared>>) offsets(%dma_start3A_29 : memref<128xi32, #tpu.memory_space<vmem>>) semaphore(%run_scoped3A : memref<!tpu.dma_semaphore, #tpu.memory_space<semaphore_mem>>) {add = true}
        %dma_wait3A = arith.constant 0 : i32
        %dma_wait3A_33 = tpu.memref_slice %arg8[%while3A_25, %dma_wait3A] : memref<93x128xi32, #tpu.memory_space<vmem>> -> memref<1x128xi32, #tpu.memory_space<vmem>>
        %dma_wait3A_34 = tpu.memref_squeeze %dma_wait3A_33 : memref<1x128xi32, #tpu.memory_space<vmem>> -> memref<128xi32, #tpu.memory_space<vmem>>
        %dma_wait3A_35 = arith.constant 0 : i32
        %dma_wait3A_36 = arith.constant 0 : i32
        %dma_wait3A_37 = tpu.memref_slice %arg10[%dma_wait3A_35, %dma_wait3A_36] : memref<10240x128xf32, #tpu.memory_space<vmem_shared>> -> memref<10240x128xf32, #tpu.memory_space<vmem_shared>>
        tpu.wait_indirect_dma semaphore(%run_scoped3A : memref<!tpu.dma_semaphore, #tpu.memory_space<semaphore_mem>>) src(%arg9 : memref<128x128xf32, #tpu.memory_space<vmem>>) dst(%dma_wait3A_37 : memref<10240x128xf32, #tpu.memory_space<vmem_shared>>)
        tpu.yield
      }) : () -> ()
      %while3A_27 = arith.constant 0 : i32
      scf.yield %while3A_27 : i32
    }
    %barrier3A_20 = arith.constant 0 : index
    tpu.barrier barrier_id(%barrier3A_20)
    %mul3A_21 = arith.constant 640 : i32
    %mul3A_22 = arith.muli %arg1, %mul3A_21 : i32
    %mul3A_23 = arith.constant 640 : i32
    %mul3A_24 = arith.muli %arg1, %mul3A_23 : i32
    "tpu.region"() ({
      %run_scoped3A = tpu.sem_alloc : memref<!tpu.dma_semaphore, #tpu.memory_space<semaphore_mem>>
      %dma_start3A = arith.constant 0 : i32
      %dma_start3A_25 = tpu.memref_slice %arg6[%arg0, %mul3A_24, %dma_start3A] : memref<2x10240x128xf32, #tpu.memory_space<hbm>> -> memref<1x640x128xf32, #tpu.memory_space<hbm>>
      %dma_start3A_26 = tpu.memref_squeeze %dma_start3A_25 : memref<1x640x128xf32, #tpu.memory_space<hbm>> -> memref<640x128xf32, #tpu.memory_space<hbm>>
      %dma_start3A_27 = arith.constant 0 : i32
      %dma_start3A_28 = tpu.memref_slice %arg10[%mul3A_22, %dma_start3A_27] : memref<10240x128xf32, #tpu.memory_space<vmem_shared>> -> memref<640x128xf32, #tpu.memory_space<vmem_shared>>
      tpu.enqueue_dma source(%dma_start3A_28 : memref<640x128xf32, #tpu.memory_space<vmem_shared>>) target(%dma_start3A_26 : memref<640x128xf32, #tpu.memory_space<hbm>>) target_semaphore(%run_scoped3A : memref<!tpu.dma_semaphore, #tpu.memory_space<semaphore_mem>>)
      %dma_wait3A = arith.constant 0 : i32
      %dma_wait3A_29 = tpu.memref_slice %arg6[%arg0, %mul3A_24, %dma_wait3A] : memref<2x10240x128xf32, #tpu.memory_space<hbm>> -> memref<1x640x128xf32, #tpu.memory_space<hbm>>
      %dma_wait3A_30 = tpu.memref_squeeze %dma_wait3A_29 : memref<1x640x128xf32, #tpu.memory_space<hbm>> -> memref<640x128xf32, #tpu.memory_space<hbm>>
      %dma_wait3A_31 = arith.constant 0 : i32
      %dma_wait3A_32 = tpu.memref_slice %arg10[%mul3A_22, %dma_wait3A_31] : memref<10240x128xf32, #tpu.memory_space<vmem_shared>> -> memref<640x128xf32, #tpu.memory_space<vmem_shared>>
      tpu.wait_dma2 semaphore(%run_scoped3A : memref<!tpu.dma_semaphore, #tpu.memory_space<semaphore_mem>>) src(%dma_wait3A_32 : memref<640x128xf32, #tpu.memory_space<vmem_shared>>) dst(%dma_wait3A_30 : memref<640x128xf32, #tpu.memory_space<hbm>>)
      tpu.yield
    }) : () -> ()
    return
  }
}

#map = affine_map<(d0, d1) -> (0, 0)>
#map1 = affine_map<(d0, d1) -> (0, 0, 0)>
module attributes {stable_mosaic.version = 14 : i64} {
  func.func @_edge_body(%arg0: i32, %arg1: i32, %arg2: memref<10240x128xf32, #tpu.memory_space<hbm>>, %arg3: memref<32x93x128xi32, #tpu.memory_space<hbm>>, %arg4: memref<32x93x128xi32, #tpu.memory_space<hbm>>, %arg5: memref<128x128xf32, #tpu.memory_space<hbm>>, %arg6: memref<2x10240x128xf32, #tpu.memory_space<hbm>>, %arg7: memref<93x128xi32, #tpu.memory_space<vmem>>, %arg8: memref<93x128xi32, #tpu.memory_space<vmem>>, %arg9: memref<128x128xf32, #tpu.memory_space<vmem>>, %arg10: memref<10240x128xf32, #tpu.memory_space<vmem_shared>>) attributes {dimension_semantics = [#tpu.dimension_semantics<core_parallel>, #tpu.dimension_semantics<subcore_parallel>], iteration_bounds = array<i64: 2, 16>, scalar_prefetch = 0 : i64, scratch_operands = 4 : i64, tpu.core_type = #tpu.core_type<sc_vector_subcore>, window_params = [{transform_indices = #map}, {transform_indices = #map1}, {transform_indices = #map1}, {transform_indices = #map}, {transform_indices = #map1}]} {
    %mul3A = arith.constant 16 : i32
    %mul3A_0 = arith.muli %arg0, %mul3A : i32
    %add3A = arith.addi %mul3A_0, %arg1 : i32
    %eq3A = arith.constant 0 : i32
    %eq3A_1 = arith.cmpi eq, %arg0, %eq3A : i32
    %jit3A = arith.constant 93 : i32
    %jit3A_2 = arith.constant 64 : i32
    %select_n3A = arith.select %eq3A_1, %jit3A, %jit3A_2 : i32
    "tpu.region"() ({
      %run_scoped3A = tpu.sem_alloc : memref<!tpu.dma_semaphore, #tpu.memory_space<semaphore_mem>>
      %dma_start3A = arith.constant 0 : i32
      %dma_start3A_25 = arith.constant 0 : i32
      %dma_start3A_26 = tpu.memref_slice %arg3[%add3A, %dma_start3A, %dma_start3A_25] : memref<32x93x128xi32, #tpu.memory_space<hbm>> -> memref<1x93x128xi32, #tpu.memory_space<hbm>>
      %dma_start3A_27 = tpu.memref_squeeze %dma_start3A_26 : memref<1x93x128xi32, #tpu.memory_space<hbm>> -> memref<93x128xi32, #tpu.memory_space<hbm>>
      %dma_start3A_28 = arith.constant 0 : i32
      %dma_start3A_29 = arith.constant 0 : i32
      %dma_start3A_30 = tpu.memref_slice %arg3[%add3A, %dma_start3A_28, %dma_start3A_29] : memref<32x93x128xi32, #tpu.memory_space<hbm>> -> memref<1x93x128xi32, #tpu.memory_space<hbm>>
      %dma_start3A_31 = tpu.memref_squeeze %dma_start3A_30 : memref<1x93x128xi32, #tpu.memory_space<hbm>> -> memref<93x128xi32, #tpu.memory_space<hbm>>
      tpu.enqueue_dma source(%dma_start3A_31 : memref<93x128xi32, #tpu.memory_space<hbm>>) target(%arg7 : memref<93x128xi32, #tpu.memory_space<vmem>>) target_semaphore(%run_scoped3A : memref<!tpu.dma_semaphore, #tpu.memory_space<semaphore_mem>>)
      %dma_wait3A = arith.constant 0 : i32
      %dma_wait3A_32 = arith.constant 0 : i32
      %dma_wait3A_33 = tpu.memref_slice %arg3[%add3A, %dma_wait3A, %dma_wait3A_32] : memref<32x93x128xi32, #tpu.memory_space<hbm>> -> memref<1x93x128xi32, #tpu.memory_space<hbm>>
      %dma_wait3A_34 = tpu.memref_squeeze %dma_wait3A_33 : memref<1x93x128xi32, #tpu.memory_space<hbm>> -> memref<93x128xi32, #tpu.memory_space<hbm>>
      %dma_wait3A_35 = arith.constant 0 : i32
      %dma_wait3A_36 = arith.constant 0 : i32
      %dma_wait3A_37 = tpu.memref_slice %arg3[%add3A, %dma_wait3A_35, %dma_wait3A_36] : memref<32x93x128xi32, #tpu.memory_space<hbm>> -> memref<1x93x128xi32, #tpu.memory_space<hbm>>
      %dma_wait3A_38 = tpu.memref_squeeze %dma_wait3A_37 : memref<1x93x128xi32, #tpu.memory_space<hbm>> -> memref<93x128xi32, #tpu.memory_space<hbm>>
      tpu.wait_dma2 semaphore(%run_scoped3A : memref<!tpu.dma_semaphore, #tpu.memory_space<semaphore_mem>>) src(%dma_wait3A_38 : memref<93x128xi32, #tpu.memory_space<hbm>>) dst(%arg7 : memref<93x128xi32, #tpu.memory_space<vmem>>)
      tpu.yield
    }) : () -> ()
    "tpu.region"() ({
      %run_scoped3A = tpu.sem_alloc : memref<!tpu.dma_semaphore, #tpu.memory_space<semaphore_mem>>
      %dma_start3A = arith.constant 0 : i32
      %dma_start3A_25 = arith.constant 0 : i32
      %dma_start3A_26 = tpu.memref_slice %arg4[%add3A, %dma_start3A, %dma_start3A_25] : memref<32x93x128xi32, #tpu.memory_space<hbm>> -> memref<1x93x128xi32, #tpu.memory_space<hbm>>
      %dma_start3A_27 = tpu.memref_squeeze %dma_start3A_26 : memref<1x93x128xi32, #tpu.memory_space<hbm>> -> memref<93x128xi32, #tpu.memory_space<hbm>>
      %dma_start3A_28 = arith.constant 0 : i32
      %dma_start3A_29 = arith.constant 0 : i32
      %dma_start3A_30 = tpu.memref_slice %arg4[%add3A, %dma_start3A_28, %dma_start3A_29] : memref<32x93x128xi32, #tpu.memory_space<hbm>> -> memref<1x93x128xi32, #tpu.memory_space<hbm>>
      %dma_start3A_31 = tpu.memref_squeeze %dma_start3A_30 : memref<1x93x128xi32, #tpu.memory_space<hbm>> -> memref<93x128xi32, #tpu.memory_space<hbm>>
      tpu.enqueue_dma source(%dma_start3A_31 : memref<93x128xi32, #tpu.memory_space<hbm>>) target(%arg8 : memref<93x128xi32, #tpu.memory_space<vmem>>) target_semaphore(%run_scoped3A : memref<!tpu.dma_semaphore, #tpu.memory_space<semaphore_mem>>)
      %dma_wait3A = arith.constant 0 : i32
      %dma_wait3A_32 = arith.constant 0 : i32
      %dma_wait3A_33 = tpu.memref_slice %arg4[%add3A, %dma_wait3A, %dma_wait3A_32] : memref<32x93x128xi32, #tpu.memory_space<hbm>> -> memref<1x93x128xi32, #tpu.memory_space<hbm>>
      %dma_wait3A_34 = tpu.memref_squeeze %dma_wait3A_33 : memref<1x93x128xi32, #tpu.memory_space<hbm>> -> memref<93x128xi32, #tpu.memory_space<hbm>>
      %dma_wait3A_35 = arith.constant 0 : i32
      %dma_wait3A_36 = arith.constant 0 : i32
      %dma_wait3A_37 = tpu.memref_slice %arg4[%add3A, %dma_wait3A_35, %dma_wait3A_36] : memref<32x93x128xi32, #tpu.memory_space<hbm>> -> memref<1x93x128xi32, #tpu.memory_space<hbm>>
      %dma_wait3A_38 = tpu.memref_squeeze %dma_wait3A_37 : memref<1x93x128xi32, #tpu.memory_space<hbm>> -> memref<93x128xi32, #tpu.memory_space<hbm>>
      tpu.wait_dma2 semaphore(%run_scoped3A : memref<!tpu.dma_semaphore, #tpu.memory_space<semaphore_mem>>) src(%dma_wait3A_38 : memref<93x128xi32, #tpu.memory_space<hbm>>) dst(%arg8 : memref<93x128xi32, #tpu.memory_space<vmem>>)
      tpu.yield
    }) : () -> ()
    "tpu.region"() ({
      %run_scoped3A = tpu.sem_alloc : memref<!tpu.dma_semaphore, #tpu.memory_space<semaphore_mem>>
      tpu.enqueue_dma source(%arg5 : memref<128x128xf32, #tpu.memory_space<hbm>>) target(%arg9 : memref<128x128xf32, #tpu.memory_space<vmem>>) target_semaphore(%run_scoped3A : memref<!tpu.dma_semaphore, #tpu.memory_space<semaphore_mem>>)
      tpu.wait_dma2 semaphore(%run_scoped3A : memref<!tpu.dma_semaphore, #tpu.memory_space<semaphore_mem>>) src(%arg5 : memref<128x128xf32, #tpu.memory_space<hbm>>) dst(%arg9 : memref<128x128xf32, #tpu.memory_space<vmem>>)
      tpu.yield
    }) : () -> ()
    %scan3A = arith.constant 0 : i32
    %scan3A_3 = arith.constant 0 : i32
    %scan3A_4 = arith.constant 5 : i32
    %scan3A_5 = arith.addi %scan3A_3, %scan3A_4 : i32
    %scan3A_6 = arith.constant 1 : i32
    %scan3A_7 = scf.for %scan3A_25 = %scan3A_3 to %scan3A_5 step %scan3A_6 iter_args(%scan3A_26 = %scan3A) -> (i32)  : i32 {
      %mul3A_27 = arith.constant 640 : i32
      %mul3A_28 = arith.muli %arg1, %mul3A_27 : i32
      %mul3A_29 = arith.constant 128 : i32
      %mul3A_30 = arith.muli %scan3A_25, %mul3A_29 : i32
      %add3A_31 = arith.addi %mul3A_28, %mul3A_30 : i32
      "tpu.region"() ({
        %run_scoped3A = tpu.sem_alloc : memref<!tpu.dma_semaphore, #tpu.memory_space<semaphore_mem>>
        %dma_start3A = arith.constant 0 : i32
        %dma_start3A_33 = tpu.memref_slice %arg10[%add3A_31, %dma_start3A] : memref<10240x128xf32, #tpu.memory_space<vmem_shared>> -> memref<128x128xf32, #tpu.memory_space<vmem_shared>>
        %dma_start3A_34 = arith.constant 0 : i32
        %dma_start3A_35 = tpu.memref_slice %arg10[%add3A_31, %dma_start3A_34] : memref<10240x128xf32, #tpu.memory_space<vmem_shared>> -> memref<128x128xf32, #tpu.memory_space<vmem_shared>>
        tpu.enqueue_dma source(%arg9 : memref<128x128xf32, #tpu.memory_space<vmem>>) target(%dma_start3A_35 : memref<128x128xf32, #tpu.memory_space<vmem_shared>>) target_semaphore(%run_scoped3A : memref<!tpu.dma_semaphore, #tpu.memory_space<semaphore_mem>>)
        %dma_wait3A = arith.constant 0 : i32
        %dma_wait3A_36 = tpu.memref_slice %arg10[%add3A_31, %dma_wait3A] : memref<10240x128xf32, #tpu.memory_space<vmem_shared>> -> memref<128x128xf32, #tpu.memory_space<vmem_shared>>
        %dma_wait3A_37 = arith.constant 0 : i32
        %dma_wait3A_38 = tpu.memref_slice %arg10[%add3A_31, %dma_wait3A_37] : memref<10240x128xf32, #tpu.memory_space<vmem_shared>> -> memref<128x128xf32, #tpu.memory_space<vmem_shared>>
        tpu.wait_dma2 semaphore(%run_scoped3A : memref<!tpu.dma_semaphore, #tpu.memory_space<semaphore_mem>>) src(%arg9 : memref<128x128xf32, #tpu.memory_space<vmem>>) dst(%dma_wait3A_38 : memref<128x128xf32, #tpu.memory_space<vmem_shared>>)
        tpu.yield
      }) : () -> ()
      %scan3A_32 = arith.constant 0 : i32
      scf.yield %scan3A_32 : i32
    }
    %scan3A_8 = arith.constant 5 : i32
    %barrier3A = arith.constant 0 : index
    tpu.barrier barrier_id(%barrier3A)
    %while3A = arith.constant 0 : i32
    %while3A_9 = arith.constant 0 : i32
    %while3A_10 = arith.subi %select_n3A, %while3A : i32
    %while3A_11 = arith.addi %while3A, %while3A_10 : i32
    %while3A_12 = arith.constant 1 : i32
    %while3A_13 = arith.divsi %while3A_10, %while3A_12 : i32
    %while3A_14 = arith.muli %while3A_13, %while3A_12 : i32
    %while3A_15 = arith.addi %while3A, %while3A_14 : i32
    %while3A_16 = arith.constant 1 : i32
    %while3A_17 = scf.for %while3A_25 = %while3A to %while3A_15 step %while3A_16 iter_args(%while3A_26 = %while3A_9) -> (i32)  : i32 {
      "tpu.region"() ({
        %run_scoped3A = tpu.sem_alloc : memref<!tpu.dma_semaphore, #tpu.memory_space<semaphore_mem>>
        %dma_start3A = arith.constant 0 : i32
        %dma_start3A_28 = tpu.memref_slice %arg7[%while3A_25, %dma_start3A] : memref<93x128xi32, #tpu.memory_space<vmem>> -> memref<1x128xi32, #tpu.memory_space<vmem>>
        %dma_start3A_29 = tpu.memref_squeeze %dma_start3A_28 : memref<1x128xi32, #tpu.memory_space<vmem>> -> memref<128xi32, #tpu.memory_space<vmem>>
        %dma_start3A_30 = arith.constant 0 : i32
        %dma_start3A_31 = arith.constant 0 : i32
        %dma_start3A_32 = tpu.memref_slice %arg2[%dma_start3A_30, %dma_start3A_31] : memref<10240x128xf32, #tpu.memory_space<hbm>> -> memref<10240x128xf32, #tpu.memory_space<hbm>>
        tpu.enqueue_indirect_dma source(%dma_start3A_32 : memref<10240x128xf32, #tpu.memory_space<hbm>>) target(%arg9 : memref<128x128xf32, #tpu.memory_space<vmem>>) offsets(%dma_start3A_29 : memref<128xi32, #tpu.memory_space<vmem>>) semaphore(%run_scoped3A : memref<!tpu.dma_semaphore, #tpu.memory_space<semaphore_mem>>)
        %dma_wait3A = arith.constant 0 : i32
        %dma_wait3A_33 = tpu.memref_slice %arg7[%while3A_25, %dma_wait3A] : memref<93x128xi32, #tpu.memory_space<vmem>> -> memref<1x128xi32, #tpu.memory_space<vmem>>
        %dma_wait3A_34 = tpu.memref_squeeze %dma_wait3A_33 : memref<1x128xi32, #tpu.memory_space<vmem>> -> memref<128xi32, #tpu.memory_space<vmem>>
        %dma_wait3A_35 = arith.constant 0 : i32
        %dma_wait3A_36 = arith.constant 0 : i32
        %dma_wait3A_37 = tpu.memref_slice %arg2[%dma_wait3A_35, %dma_wait3A_36] : memref<10240x128xf32, #tpu.memory_space<hbm>> -> memref<10240x128xf32, #tpu.memory_space<hbm>>
        tpu.wait_indirect_dma semaphore(%run_scoped3A : memref<!tpu.dma_semaphore, #tpu.memory_space<semaphore_mem>>) src(%dma_wait3A_37 : memref<10240x128xf32, #tpu.memory_space<hbm>>) dst(%arg9 : memref<128x128xf32, #tpu.memory_space<vmem>>)
        tpu.yield
      }) : () -> ()
      "tpu.region"() ({
        %run_scoped3A = tpu.sem_alloc : memref<!tpu.dma_semaphore, #tpu.memory_space<semaphore_mem>>
        %dma_start3A = arith.constant 0 : i32
        %dma_start3A_28 = tpu.memref_slice %arg8[%while3A_25, %dma_start3A] : memref<93x128xi32, #tpu.memory_space<vmem>> -> memref<1x128xi32, #tpu.memory_space<vmem>>
        %dma_start3A_29 = tpu.memref_squeeze %dma_start3A_28 : memref<1x128xi32, #tpu.memory_space<vmem>> -> memref<128xi32, #tpu.memory_space<vmem>>
        %dma_start3A_30 = arith.constant 0 : i32
        %dma_start3A_31 = arith.constant 0 : i32
        %dma_start3A_32 = tpu.memref_slice %arg10[%dma_start3A_30, %dma_start3A_31] : memref<10240x128xf32, #tpu.memory_space<vmem_shared>> -> memref<10240x128xf32, #tpu.memory_space<vmem_shared>>
        tpu.enqueue_indirect_dma source(%arg9 : memref<128x128xf32, #tpu.memory_space<vmem>>) target(%dma_start3A_32 : memref<10240x128xf32, #tpu.memory_space<vmem_shared>>) offsets(%dma_start3A_29 : memref<128xi32, #tpu.memory_space<vmem>>) semaphore(%run_scoped3A : memref<!tpu.dma_semaphore, #tpu.memory_space<semaphore_mem>>) {add = true}
        %dma_wait3A = arith.constant 0 : i32
        %dma_wait3A_33 = tpu.memref_slice %arg8[%while3A_25, %dma_wait3A] : memref<93x128xi32, #tpu.memory_space<vmem>> -> memref<1x128xi32, #tpu.memory_space<vmem>>
        %dma_wait3A_34 = tpu.memref_squeeze %dma_wait3A_33 : memref<1x128xi32, #tpu.memory_space<vmem>> -> memref<128xi32, #tpu.memory_space<vmem>>
        %dma_wait3A_35 = arith.constant 0 : i32
        %dma_wait3A_36 = arith.constant 0 : i32
        %dma_wait3A_37 = tpu.memref_slice %arg10[%dma_wait3A_35, %dma_wait3A_36] : memref<10240x128xf32, #tpu.memory_space<vmem_shared>> -> memref<10240x128xf32, #tpu.memory_space<vmem_shared>>
        tpu.wait_indirect_dma semaphore(%run_scoped3A : memref<!tpu.dma_semaphore, #tpu.memory_space<semaphore_mem>>) src(%arg9 : memref<128x128xf32, #tpu.memory_space<vmem>>) dst(%dma_wait3A_37 : memref<10240x128xf32, #tpu.memory_space<vmem_shared>>)
        tpu.yield
      }) : () -> ()
      %while3A_27 = arith.constant 0 : i32
      scf.yield %while3A_27 : i32
    }
    %while3A_18 = arith.constant 1 : i32
    %while3A_19 = scf.for %while3A_25 = %while3A_15 to %while3A_11 step %while3A_18 iter_args(%while3A_26 = %while3A_17) -> (i32)  : i32 {
      "tpu.region"() ({
        %run_scoped3A = tpu.sem_alloc : memref<!tpu.dma_semaphore, #tpu.memory_space<semaphore_mem>>
        %dma_start3A = arith.constant 0 : i32
        %dma_start3A_28 = tpu.memref_slice %arg7[%while3A_25, %dma_start3A] : memref<93x128xi32, #tpu.memory_space<vmem>> -> memref<1x128xi32, #tpu.memory_space<vmem>>
        %dma_start3A_29 = tpu.memref_squeeze %dma_start3A_28 : memref<1x128xi32, #tpu.memory_space<vmem>> -> memref<128xi32, #tpu.memory_space<vmem>>
        %dma_start3A_30 = arith.constant 0 : i32
        %dma_start3A_31 = arith.constant 0 : i32
        %dma_start3A_32 = tpu.memref_slice %arg2[%dma_start3A_30, %dma_start3A_31] : memref<10240x128xf32, #tpu.memory_space<hbm>> -> memref<10240x128xf32, #tpu.memory_space<hbm>>
        tpu.enqueue_indirect_dma source(%dma_start3A_32 : memref<10240x128xf32, #tpu.memory_space<hbm>>) target(%arg9 : memref<128x128xf32, #tpu.memory_space<vmem>>) offsets(%dma_start3A_29 : memref<128xi32, #tpu.memory_space<vmem>>) semaphore(%run_scoped3A : memref<!tpu.dma_semaphore, #tpu.memory_space<semaphore_mem>>)
        %dma_wait3A = arith.constant 0 : i32
        %dma_wait3A_33 = tpu.memref_slice %arg7[%while3A_25, %dma_wait3A] : memref<93x128xi32, #tpu.memory_space<vmem>> -> memref<1x128xi32, #tpu.memory_space<vmem>>
        %dma_wait3A_34 = tpu.memref_squeeze %dma_wait3A_33 : memref<1x128xi32, #tpu.memory_space<vmem>> -> memref<128xi32, #tpu.memory_space<vmem>>
        %dma_wait3A_35 = arith.constant 0 : i32
        %dma_wait3A_36 = arith.constant 0 : i32
        %dma_wait3A_37 = tpu.memref_slice %arg2[%dma_wait3A_35, %dma_wait3A_36] : memref<10240x128xf32, #tpu.memory_space<hbm>> -> memref<10240x128xf32, #tpu.memory_space<hbm>>
        tpu.wait_indirect_dma semaphore(%run_scoped3A : memref<!tpu.dma_semaphore, #tpu.memory_space<semaphore_mem>>) src(%dma_wait3A_37 : memref<10240x128xf32, #tpu.memory_space<hbm>>) dst(%arg9 : memref<128x128xf32, #tpu.memory_space<vmem>>)
        tpu.yield
      }) : () -> ()
      "tpu.region"() ({
        %run_scoped3A = tpu.sem_alloc : memref<!tpu.dma_semaphore, #tpu.memory_space<semaphore_mem>>
        %dma_start3A = arith.constant 0 : i32
        %dma_start3A_28 = tpu.memref_slice %arg8[%while3A_25, %dma_start3A] : memref<93x128xi32, #tpu.memory_space<vmem>> -> memref<1x128xi32, #tpu.memory_space<vmem>>
        %dma_start3A_29 = tpu.memref_squeeze %dma_start3A_28 : memref<1x128xi32, #tpu.memory_space<vmem>> -> memref<128xi32, #tpu.memory_space<vmem>>
        %dma_start3A_30 = arith.constant 0 : i32
        %dma_start3A_31 = arith.constant 0 : i32
        %dma_start3A_32 = tpu.memref_slice %arg10[%dma_start3A_30, %dma_start3A_31] : memref<10240x128xf32, #tpu.memory_space<vmem_shared>> -> memref<10240x128xf32, #tpu.memory_space<vmem_shared>>
        tpu.enqueue_indirect_dma source(%arg9 : memref<128x128xf32, #tpu.memory_space<vmem>>) target(%dma_start3A_32 : memref<10240x128xf32, #tpu.memory_space<vmem_shared>>) offsets(%dma_start3A_29 : memref<128xi32, #tpu.memory_space<vmem>>) semaphore(%run_scoped3A : memref<!tpu.dma_semaphore, #tpu.memory_space<semaphore_mem>>) {add = true}
        %dma_wait3A = arith.constant 0 : i32
        %dma_wait3A_33 = tpu.memref_slice %arg8[%while3A_25, %dma_wait3A] : memref<93x128xi32, #tpu.memory_space<vmem>> -> memref<1x128xi32, #tpu.memory_space<vmem>>
        %dma_wait3A_34 = tpu.memref_squeeze %dma_wait3A_33 : memref<1x128xi32, #tpu.memory_space<vmem>> -> memref<128xi32, #tpu.memory_space<vmem>>
        %dma_wait3A_35 = arith.constant 0 : i32
        %dma_wait3A_36 = arith.constant 0 : i32
        %dma_wait3A_37 = tpu.memref_slice %arg10[%dma_wait3A_35, %dma_wait3A_36] : memref<10240x128xf32, #tpu.memory_space<vmem_shared>> -> memref<10240x128xf32, #tpu.memory_space<vmem_shared>>
        tpu.wait_indirect_dma semaphore(%run_scoped3A : memref<!tpu.dma_semaphore, #tpu.memory_space<semaphore_mem>>) src(%arg9 : memref<128x128xf32, #tpu.memory_space<vmem>>) dst(%dma_wait3A_37 : memref<10240x128xf32, #tpu.memory_space<vmem_shared>>)
        tpu.yield
      }) : () -> ()
      %while3A_27 = arith.constant 0 : i32
      scf.yield %while3A_27 : i32
    }
    %barrier3A_20 = arith.constant 0 : index
    tpu.barrier barrier_id(%barrier3A_20)
    %mul3A_21 = arith.constant 640 : i32
    %mul3A_22 = arith.muli %arg1, %mul3A_21 : i32
    %mul3A_23 = arith.constant 640 : i32
    %mul3A_24 = arith.muli %arg1, %mul3A_23 : i32
    "tpu.region"() ({
      %run_scoped3A = tpu.sem_alloc : memref<!tpu.dma_semaphore, #tpu.memory_space<semaphore_mem>>
      %dma_start3A = arith.constant 0 : i32
      %dma_start3A_25 = tpu.memref_slice %arg6[%arg0, %mul3A_24, %dma_start3A] : memref<2x10240x128xf32, #tpu.memory_space<hbm>> -> memref<1x640x128xf32, #tpu.memory_space<hbm>>
      %dma_start3A_26 = tpu.memref_squeeze %dma_start3A_25 : memref<1x640x128xf32, #tpu.memory_space<hbm>> -> memref<640x128xf32, #tpu.memory_space<hbm>>
      %dma_start3A_27 = arith.constant 0 : i32
      %dma_start3A_28 = tpu.memref_slice %arg10[%mul3A_22, %dma_start3A_27] : memref<10240x128xf32, #tpu.memory_space<vmem_shared>> -> memref<640x128xf32, #tpu.memory_space<vmem_shared>>
      tpu.enqueue_dma source(%dma_start3A_28 : memref<640x128xf32, #tpu.memory_space<vmem_shared>>) target(%dma_start3A_26 : memref<640x128xf32, #tpu.memory_space<hbm>>) target_semaphore(%run_scoped3A : memref<!tpu.dma_semaphore, #tpu.memory_space<semaphore_mem>>)
      %dma_wait3A = arith.constant 0 : i32
      %dma_wait3A_29 = tpu.memref_slice %arg6[%arg0, %mul3A_24, %dma_wait3A] : memref<2x10240x128xf32, #tpu.memory_space<hbm>> -> memref<1x640x128xf32, #tpu.memory_space<hbm>>
      %dma_wait3A_30 = tpu.memref_squeeze %dma_wait3A_29 : memref<1x640x128xf32, #tpu.memory_space<hbm>> -> memref<640x128xf32, #tpu.memory_space<hbm>>
      %dma_wait3A_31 = arith.constant 0 : i32
      %dma_wait3A_32 = tpu.memref_slice %arg10[%mul3A_22, %dma_wait3A_31] : memref<10240x128xf32, #tpu.memory_space<vmem_shared>> -> memref<640x128xf32, #tpu.memory_space<vmem_shared>>
      tpu.wait_dma2 semaphore(%run_scoped3A : memref<!tpu.dma_semaphore, #tpu.memory_space<semaphore_mem>>) src(%dma_wait3A_32 : memref<640x128xf32, #tpu.memory_space<vmem_shared>>) dst(%dma_wait3A_30 : memref<640x128xf32, #tpu.memory_space<hbm>>)
      tpu.yield
    }) : () -> ()
    return
  }
}

#map = affine_map<(d0, d1) -> (0, 0)>
#map1 = affine_map<(d0, d1) -> (0, 0, 0)>
module attributes {stable_mosaic.version = 14 : i64} {
  func.func @_edge_body(%arg0: i32, %arg1: i32, %arg2: memref<10240x128xf32, #tpu.memory_space<hbm>>, %arg3: memref<32x93x128xi32, #tpu.memory_space<hbm>>, %arg4: memref<32x93x128xi32, #tpu.memory_space<hbm>>, %arg5: memref<128x128xf32, #tpu.memory_space<hbm>>, %arg6: memref<2x10240x128xf32, #tpu.memory_space<hbm>>, %arg7: memref<93x128xi32, #tpu.memory_space<vmem>>, %arg8: memref<93x128xi32, #tpu.memory_space<vmem>>, %arg9: memref<128x128xf32, #tpu.memory_space<vmem>>, %arg10: memref<10240x128xf32, #tpu.memory_space<vmem_shared>>) attributes {dimension_semantics = [#tpu.dimension_semantics<core_parallel>, #tpu.dimension_semantics<subcore_parallel>], iteration_bounds = array<i64: 2, 16>, scalar_prefetch = 0 : i64, scratch_operands = 4 : i64, tpu.core_type = #tpu.core_type<sc_vector_subcore>, window_params = [{transform_indices = #map}, {transform_indices = #map1}, {transform_indices = #map1}, {transform_indices = #map}, {transform_indices = #map1}]} {
    %mul3A = arith.constant 16 : i32
    %mul3A_0 = arith.muli %arg0, %mul3A : i32
    %add3A = arith.addi %mul3A_0, %arg1 : i32
    %eq3A = arith.constant 0 : i32
    %eq3A_1 = arith.cmpi eq, %arg0, %eq3A : i32
    %jit3A = arith.constant 93 : i32
    %jit3A_2 = arith.constant 64 : i32
    %select_n3A = arith.select %eq3A_1, %jit3A, %jit3A_2 : i32
    "tpu.region"() ({
      %run_scoped3A = tpu.sem_alloc : memref<!tpu.dma_semaphore, #tpu.memory_space<semaphore_mem>>
      %dma_start3A = arith.constant 0 : i32
      %dma_start3A_25 = arith.constant 0 : i32
      %dma_start3A_26 = tpu.memref_slice %arg3[%add3A, %dma_start3A, %dma_start3A_25] : memref<32x93x128xi32, #tpu.memory_space<hbm>> -> memref<1x93x128xi32, #tpu.memory_space<hbm>>
      %dma_start3A_27 = tpu.memref_squeeze %dma_start3A_26 : memref<1x93x128xi32, #tpu.memory_space<hbm>> -> memref<93x128xi32, #tpu.memory_space<hbm>>
      %dma_start3A_28 = arith.constant 0 : i32
      %dma_start3A_29 = arith.constant 0 : i32
      %dma_start3A_30 = tpu.memref_slice %arg3[%add3A, %dma_start3A_28, %dma_start3A_29] : memref<32x93x128xi32, #tpu.memory_space<hbm>> -> memref<1x93x128xi32, #tpu.memory_space<hbm>>
      %dma_start3A_31 = tpu.memref_squeeze %dma_start3A_30 : memref<1x93x128xi32, #tpu.memory_space<hbm>> -> memref<93x128xi32, #tpu.memory_space<hbm>>
      tpu.enqueue_dma source(%dma_start3A_31 : memref<93x128xi32, #tpu.memory_space<hbm>>) target(%arg7 : memref<93x128xi32, #tpu.memory_space<vmem>>) target_semaphore(%run_scoped3A : memref<!tpu.dma_semaphore, #tpu.memory_space<semaphore_mem>>)
      %dma_wait3A = arith.constant 0 : i32
      %dma_wait3A_32 = arith.constant 0 : i32
      %dma_wait3A_33 = tpu.memref_slice %arg3[%add3A, %dma_wait3A, %dma_wait3A_32] : memref<32x93x128xi32, #tpu.memory_space<hbm>> -> memref<1x93x128xi32, #tpu.memory_space<hbm>>
      %dma_wait3A_34 = tpu.memref_squeeze %dma_wait3A_33 : memref<1x93x128xi32, #tpu.memory_space<hbm>> -> memref<93x128xi32, #tpu.memory_space<hbm>>
      %dma_wait3A_35 = arith.constant 0 : i32
      %dma_wait3A_36 = arith.constant 0 : i32
      %dma_wait3A_37 = tpu.memref_slice %arg3[%add3A, %dma_wait3A_35, %dma_wait3A_36] : memref<32x93x128xi32, #tpu.memory_space<hbm>> -> memref<1x93x128xi32, #tpu.memory_space<hbm>>
      %dma_wait3A_38 = tpu.memref_squeeze %dma_wait3A_37 : memref<1x93x128xi32, #tpu.memory_space<hbm>> -> memref<93x128xi32, #tpu.memory_space<hbm>>
      tpu.wait_dma2 semaphore(%run_scoped3A : memref<!tpu.dma_semaphore, #tpu.memory_space<semaphore_mem>>) src(%dma_wait3A_38 : memref<93x128xi32, #tpu.memory_space<hbm>>) dst(%arg7 : memref<93x128xi32, #tpu.memory_space<vmem>>)
      tpu.yield
    }) : () -> ()
    "tpu.region"() ({
      %run_scoped3A = tpu.sem_alloc : memref<!tpu.dma_semaphore, #tpu.memory_space<semaphore_mem>>
      %dma_start3A = arith.constant 0 : i32
      %dma_start3A_25 = arith.constant 0 : i32
      %dma_start3A_26 = tpu.memref_slice %arg4[%add3A, %dma_start3A, %dma_start3A_25] : memref<32x93x128xi32, #tpu.memory_space<hbm>> -> memref<1x93x128xi32, #tpu.memory_space<hbm>>
      %dma_start3A_27 = tpu.memref_squeeze %dma_start3A_26 : memref<1x93x128xi32, #tpu.memory_space<hbm>> -> memref<93x128xi32, #tpu.memory_space<hbm>>
      %dma_start3A_28 = arith.constant 0 : i32
      %dma_start3A_29 = arith.constant 0 : i32
      %dma_start3A_30 = tpu.memref_slice %arg4[%add3A, %dma_start3A_28, %dma_start3A_29] : memref<32x93x128xi32, #tpu.memory_space<hbm>> -> memref<1x93x128xi32, #tpu.memory_space<hbm>>
      %dma_start3A_31 = tpu.memref_squeeze %dma_start3A_30 : memref<1x93x128xi32, #tpu.memory_space<hbm>> -> memref<93x128xi32, #tpu.memory_space<hbm>>
      tpu.enqueue_dma source(%dma_start3A_31 : memref<93x128xi32, #tpu.memory_space<hbm>>) target(%arg8 : memref<93x128xi32, #tpu.memory_space<vmem>>) target_semaphore(%run_scoped3A : memref<!tpu.dma_semaphore, #tpu.memory_space<semaphore_mem>>)
      %dma_wait3A = arith.constant 0 : i32
      %dma_wait3A_32 = arith.constant 0 : i32
      %dma_wait3A_33 = tpu.memref_slice %arg4[%add3A, %dma_wait3A, %dma_wait3A_32] : memref<32x93x128xi32, #tpu.memory_space<hbm>> -> memref<1x93x128xi32, #tpu.memory_space<hbm>>
      %dma_wait3A_34 = tpu.memref_squeeze %dma_wait3A_33 : memref<1x93x128xi32, #tpu.memory_space<hbm>> -> memref<93x128xi32, #tpu.memory_space<hbm>>
      %dma_wait3A_35 = arith.constant 0 : i32
      %dma_wait3A_36 = arith.constant 0 : i32
      %dma_wait3A_37 = tpu.memref_slice %arg4[%add3A, %dma_wait3A_35, %dma_wait3A_36] : memref<32x93x128xi32, #tpu.memory_space<hbm>> -> memref<1x93x128xi32, #tpu.memory_space<hbm>>
      %dma_wait3A_38 = tpu.memref_squeeze %dma_wait3A_37 : memref<1x93x128xi32, #tpu.memory_space<hbm>> -> memref<93x128xi32, #tpu.memory_space<hbm>>
      tpu.wait_dma2 semaphore(%run_scoped3A : memref<!tpu.dma_semaphore, #tpu.memory_space<semaphore_mem>>) src(%dma_wait3A_38 : memref<93x128xi32, #tpu.memory_space<hbm>>) dst(%arg8 : memref<93x128xi32, #tpu.memory_space<vmem>>)
      tpu.yield
    }) : () -> ()
    "tpu.region"() ({
      %run_scoped3A = tpu.sem_alloc : memref<!tpu.dma_semaphore, #tpu.memory_space<semaphore_mem>>
      tpu.enqueue_dma source(%arg5 : memref<128x128xf32, #tpu.memory_space<hbm>>) target(%arg9 : memref<128x128xf32, #tpu.memory_space<vmem>>) target_semaphore(%run_scoped3A : memref<!tpu.dma_semaphore, #tpu.memory_space<semaphore_mem>>)
      tpu.wait_dma2 semaphore(%run_scoped3A : memref<!tpu.dma_semaphore, #tpu.memory_space<semaphore_mem>>) src(%arg5 : memref<128x128xf32, #tpu.memory_space<hbm>>) dst(%arg9 : memref<128x128xf32, #tpu.memory_space<vmem>>)
      tpu.yield
    }) : () -> ()
    %scan3A = arith.constant 0 : i32
    %scan3A_3 = arith.constant 0 : i32
    %scan3A_4 = arith.constant 5 : i32
    %scan3A_5 = arith.addi %scan3A_3, %scan3A_4 : i32
    %scan3A_6 = arith.constant 1 : i32
    %scan3A_7 = scf.for %scan3A_25 = %scan3A_3 to %scan3A_5 step %scan3A_6 iter_args(%scan3A_26 = %scan3A) -> (i32)  : i32 {
      %mul3A_27 = arith.constant 640 : i32
      %mul3A_28 = arith.muli %arg1, %mul3A_27 : i32
      %mul3A_29 = arith.constant 128 : i32
      %mul3A_30 = arith.muli %scan3A_25, %mul3A_29 : i32
      %add3A_31 = arith.addi %mul3A_28, %mul3A_30 : i32
      "tpu.region"() ({
        %run_scoped3A = tpu.sem_alloc : memref<!tpu.dma_semaphore, #tpu.memory_space<semaphore_mem>>
        %dma_start3A = arith.constant 0 : i32
        %dma_start3A_33 = tpu.memref_slice %arg10[%add3A_31, %dma_start3A] : memref<10240x128xf32, #tpu.memory_space<vmem_shared>> -> memref<128x128xf32, #tpu.memory_space<vmem_shared>>
        %dma_start3A_34 = arith.constant 0 : i32
        %dma_start3A_35 = tpu.memref_slice %arg10[%add3A_31, %dma_start3A_34] : memref<10240x128xf32, #tpu.memory_space<vmem_shared>> -> memref<128x128xf32, #tpu.memory_space<vmem_shared>>
        tpu.enqueue_dma source(%arg9 : memref<128x128xf32, #tpu.memory_space<vmem>>) target(%dma_start3A_35 : memref<128x128xf32, #tpu.memory_space<vmem_shared>>) target_semaphore(%run_scoped3A : memref<!tpu.dma_semaphore, #tpu.memory_space<semaphore_mem>>)
        %dma_wait3A = arith.constant 0 : i32
        %dma_wait3A_36 = tpu.memref_slice %arg10[%add3A_31, %dma_wait3A] : memref<10240x128xf32, #tpu.memory_space<vmem_shared>> -> memref<128x128xf32, #tpu.memory_space<vmem_shared>>
        %dma_wait3A_37 = arith.constant 0 : i32
        %dma_wait3A_38 = tpu.memref_slice %arg10[%add3A_31, %dma_wait3A_37] : memref<10240x128xf32, #tpu.memory_space<vmem_shared>> -> memref<128x128xf32, #tpu.memory_space<vmem_shared>>
        tpu.wait_dma2 semaphore(%run_scoped3A : memref<!tpu.dma_semaphore, #tpu.memory_space<semaphore_mem>>) src(%arg9 : memref<128x128xf32, #tpu.memory_space<vmem>>) dst(%dma_wait3A_38 : memref<128x128xf32, #tpu.memory_space<vmem_shared>>)
        tpu.yield
      }) : () -> ()
      %scan3A_32 = arith.constant 0 : i32
      scf.yield %scan3A_32 : i32
    }
    %scan3A_8 = arith.constant 5 : i32
    %barrier3A = arith.constant 0 : index
    tpu.barrier barrier_id(%barrier3A)
    %while3A = arith.constant 0 : i32
    %while3A_9 = arith.constant 0 : i32
    %while3A_10 = arith.subi %select_n3A, %while3A : i32
    %while3A_11 = arith.addi %while3A, %while3A_10 : i32
    %while3A_12 = arith.constant 1 : i32
    %while3A_13 = arith.divsi %while3A_10, %while3A_12 : i32
    %while3A_14 = arith.muli %while3A_13, %while3A_12 : i32
    %while3A_15 = arith.addi %while3A, %while3A_14 : i32
    %while3A_16 = arith.constant 1 : i32
    %while3A_17 = scf.for %while3A_25 = %while3A to %while3A_15 step %while3A_16 iter_args(%while3A_26 = %while3A_9) -> (i32)  : i32 {
      "tpu.region"() ({
        %run_scoped3A = tpu.sem_alloc : memref<!tpu.dma_semaphore, #tpu.memory_space<semaphore_mem>>
        %dma_start3A = arith.constant 0 : i32
        %dma_start3A_28 = tpu.memref_slice %arg7[%while3A_25, %dma_start3A] : memref<93x128xi32, #tpu.memory_space<vmem>> -> memref<1x128xi32, #tpu.memory_space<vmem>>
        %dma_start3A_29 = tpu.memref_squeeze %dma_start3A_28 : memref<1x128xi32, #tpu.memory_space<vmem>> -> memref<128xi32, #tpu.memory_space<vmem>>
        %dma_start3A_30 = arith.constant 0 : i32
        %dma_start3A_31 = arith.constant 0 : i32
        %dma_start3A_32 = tpu.memref_slice %arg2[%dma_start3A_30, %dma_start3A_31] : memref<10240x128xf32, #tpu.memory_space<hbm>> -> memref<10240x128xf32, #tpu.memory_space<hbm>>
        tpu.enqueue_indirect_dma source(%dma_start3A_32 : memref<10240x128xf32, #tpu.memory_space<hbm>>) target(%arg9 : memref<128x128xf32, #tpu.memory_space<vmem>>) offsets(%dma_start3A_29 : memref<128xi32, #tpu.memory_space<vmem>>) semaphore(%run_scoped3A : memref<!tpu.dma_semaphore, #tpu.memory_space<semaphore_mem>>)
        %dma_wait3A = arith.constant 0 : i32
        %dma_wait3A_33 = tpu.memref_slice %arg7[%while3A_25, %dma_wait3A] : memref<93x128xi32, #tpu.memory_space<vmem>> -> memref<1x128xi32, #tpu.memory_space<vmem>>
        %dma_wait3A_34 = tpu.memref_squeeze %dma_wait3A_33 : memref<1x128xi32, #tpu.memory_space<vmem>> -> memref<128xi32, #tpu.memory_space<vmem>>
        %dma_wait3A_35 = arith.constant 0 : i32
        %dma_wait3A_36 = arith.constant 0 : i32
        %dma_wait3A_37 = tpu.memref_slice %arg2[%dma_wait3A_35, %dma_wait3A_36] : memref<10240x128xf32, #tpu.memory_space<hbm>> -> memref<10240x128xf32, #tpu.memory_space<hbm>>
        tpu.wait_indirect_dma semaphore(%run_scoped3A : memref<!tpu.dma_semaphore, #tpu.memory_space<semaphore_mem>>) src(%dma_wait3A_37 : memref<10240x128xf32, #tpu.memory_space<hbm>>) dst(%arg9 : memref<128x128xf32, #tpu.memory_space<vmem>>)
        tpu.yield
      }) : () -> ()
      "tpu.region"() ({
        %run_scoped3A = tpu.sem_alloc : memref<!tpu.dma_semaphore, #tpu.memory_space<semaphore_mem>>
        %dma_start3A = arith.constant 0 : i32
        %dma_start3A_28 = tpu.memref_slice %arg8[%while3A_25, %dma_start3A] : memref<93x128xi32, #tpu.memory_space<vmem>> -> memref<1x128xi32, #tpu.memory_space<vmem>>
        %dma_start3A_29 = tpu.memref_squeeze %dma_start3A_28 : memref<1x128xi32, #tpu.memory_space<vmem>> -> memref<128xi32, #tpu.memory_space<vmem>>
        %dma_start3A_30 = arith.constant 0 : i32
        %dma_start3A_31 = arith.constant 0 : i32
        %dma_start3A_32 = tpu.memref_slice %arg10[%dma_start3A_30, %dma_start3A_31] : memref<10240x128xf32, #tpu.memory_space<vmem_shared>> -> memref<10240x128xf32, #tpu.memory_space<vmem_shared>>
        tpu.enqueue_indirect_dma source(%arg9 : memref<128x128xf32, #tpu.memory_space<vmem>>) target(%dma_start3A_32 : memref<10240x128xf32, #tpu.memory_space<vmem_shared>>) offsets(%dma_start3A_29 : memref<128xi32, #tpu.memory_space<vmem>>) semaphore(%run_scoped3A : memref<!tpu.dma_semaphore, #tpu.memory_space<semaphore_mem>>) {add = true}
        %dma_wait3A = arith.constant 0 : i32
        %dma_wait3A_33 = tpu.memref_slice %arg8[%while3A_25, %dma_wait3A] : memref<93x128xi32, #tpu.memory_space<vmem>> -> memref<1x128xi32, #tpu.memory_space<vmem>>
        %dma_wait3A_34 = tpu.memref_squeeze %dma_wait3A_33 : memref<1x128xi32, #tpu.memory_space<vmem>> -> memref<128xi32, #tpu.memory_space<vmem>>
        %dma_wait3A_35 = arith.constant 0 : i32
        %dma_wait3A_36 = arith.constant 0 : i32
        %dma_wait3A_37 = tpu.memref_slice %arg10[%dma_wait3A_35, %dma_wait3A_36] : memref<10240x128xf32, #tpu.memory_space<vmem_shared>> -> memref<10240x128xf32, #tpu.memory_space<vmem_shared>>
        tpu.wait_indirect_dma semaphore(%run_scoped3A : memref<!tpu.dma_semaphore, #tpu.memory_space<semaphore_mem>>) src(%arg9 : memref<128x128xf32, #tpu.memory_space<vmem>>) dst(%dma_wait3A_37 : memref<10240x128xf32, #tpu.memory_space<vmem_shared>>)
        tpu.yield
      }) : () -> ()
      %while3A_27 = arith.constant 0 : i32
      scf.yield %while3A_27 : i32
    }
    %while3A_18 = arith.constant 1 : i32
    %while3A_19 = scf.for %while3A_25 = %while3A_15 to %while3A_11 step %while3A_18 iter_args(%while3A_26 = %while3A_17) -> (i32)  : i32 {
      "tpu.region"() ({
        %run_scoped3A = tpu.sem_alloc : memref<!tpu.dma_semaphore, #tpu.memory_space<semaphore_mem>>
        %dma_start3A = arith.constant 0 : i32
        %dma_start3A_28 = tpu.memref_slice %arg7[%while3A_25, %dma_start3A] : memref<93x128xi32, #tpu.memory_space<vmem>> -> memref<1x128xi32, #tpu.memory_space<vmem>>
        %dma_start3A_29 = tpu.memref_squeeze %dma_start3A_28 : memref<1x128xi32, #tpu.memory_space<vmem>> -> memref<128xi32, #tpu.memory_space<vmem>>
        %dma_start3A_30 = arith.constant 0 : i32
        %dma_start3A_31 = arith.constant 0 : i32
        %dma_start3A_32 = tpu.memref_slice %arg2[%dma_start3A_30, %dma_start3A_31] : memref<10240x128xf32, #tpu.memory_space<hbm>> -> memref<10240x128xf32, #tpu.memory_space<hbm>>
        tpu.enqueue_indirect_dma source(%dma_start3A_32 : memref<10240x128xf32, #tpu.memory_space<hbm>>) target(%arg9 : memref<128x128xf32, #tpu.memory_space<vmem>>) offsets(%dma_start3A_29 : memref<128xi32, #tpu.memory_space<vmem>>) semaphore(%run_scoped3A : memref<!tpu.dma_semaphore, #tpu.memory_space<semaphore_mem>>)
        %dma_wait3A = arith.constant 0 : i32
        %dma_wait3A_33 = tpu.memref_slice %arg7[%while3A_25, %dma_wait3A] : memref<93x128xi32, #tpu.memory_space<vmem>> -> memref<1x128xi32, #tpu.memory_space<vmem>>
        %dma_wait3A_34 = tpu.memref_squeeze %dma_wait3A_33 : memref<1x128xi32, #tpu.memory_space<vmem>> -> memref<128xi32, #tpu.memory_space<vmem>>
        %dma_wait3A_35 = arith.constant 0 : i32
        %dma_wait3A_36 = arith.constant 0 : i32
        %dma_wait3A_37 = tpu.memref_slice %arg2[%dma_wait3A_35, %dma_wait3A_36] : memref<10240x128xf32, #tpu.memory_space<hbm>> -> memref<10240x128xf32, #tpu.memory_space<hbm>>
        tpu.wait_indirect_dma semaphore(%run_scoped3A : memref<!tpu.dma_semaphore, #tpu.memory_space<semaphore_mem>>) src(%dma_wait3A_37 : memref<10240x128xf32, #tpu.memory_space<hbm>>) dst(%arg9 : memref<128x128xf32, #tpu.memory_space<vmem>>)
        tpu.yield
      }) : () -> ()
      "tpu.region"() ({
        %run_scoped3A = tpu.sem_alloc : memref<!tpu.dma_semaphore, #tpu.memory_space<semaphore_mem>>
        %dma_start3A = arith.constant 0 : i32
        %dma_start3A_28 = tpu.memref_slice %arg8[%while3A_25, %dma_start3A] : memref<93x128xi32, #tpu.memory_space<vmem>> -> memref<1x128xi32, #tpu.memory_space<vmem>>
        %dma_start3A_29 = tpu.memref_squeeze %dma_start3A_28 : memref<1x128xi32, #tpu.memory_space<vmem>> -> memref<128xi32, #tpu.memory_space<vmem>>
        %dma_start3A_30 = arith.constant 0 : i32
        %dma_start3A_31 = arith.constant 0 : i32
        %dma_start3A_32 = tpu.memref_slice %arg10[%dma_start3A_30, %dma_start3A_31] : memref<10240x128xf32, #tpu.memory_space<vmem_shared>> -> memref<10240x128xf32, #tpu.memory_space<vmem_shared>>
        tpu.enqueue_indirect_dma source(%arg9 : memref<128x128xf32, #tpu.memory_space<vmem>>) target(%dma_start3A_32 : memref<10240x128xf32, #tpu.memory_space<vmem_shared>>) offsets(%dma_start3A_29 : memref<128xi32, #tpu.memory_space<vmem>>) semaphore(%run_scoped3A : memref<!tpu.dma_semaphore, #tpu.memory_space<semaphore_mem>>) {add = true}
        %dma_wait3A = arith.constant 0 : i32
        %dma_wait3A_33 = tpu.memref_slice %arg8[%while3A_25, %dma_wait3A] : memref<93x128xi32, #tpu.memory_space<vmem>> -> memref<1x128xi32, #tpu.memory_space<vmem>>
        %dma_wait3A_34 = tpu.memref_squeeze %dma_wait3A_33 : memref<1x128xi32, #tpu.memory_space<vmem>> -> memref<128xi32, #tpu.memory_space<vmem>>
        %dma_wait3A_35 = arith.constant 0 : i32
        %dma_wait3A_36 = arith.constant 0 : i32
        %dma_wait3A_37 = tpu.memref_slice %arg10[%dma_wait3A_35, %dma_wait3A_36] : memref<10240x128xf32, #tpu.memory_space<vmem_shared>> -> memref<10240x128xf32, #tpu.memory_space<vmem_shared>>
        tpu.wait_indirect_dma semaphore(%run_scoped3A : memref<!tpu.dma_semaphore, #tpu.memory_space<semaphore_mem>>) src(%arg9 : memref<128x128xf32, #tpu.memory_space<vmem>>) dst(%dma_wait3A_37 : memref<10240x128xf32, #tpu.memory_space<vmem_shared>>)
        tpu.yield
      }) : () -> ()
      %while3A_27 = arith.constant 0 : i32
      scf.yield %while3A_27 : i32
    }
    %barrier3A_20 = arith.constant 0 : index
    tpu.barrier barrier_id(%barrier3A_20)
    %mul3A_21 = arith.constant 640 : i32
    %mul3A_22 = arith.muli %arg1, %mul3A_21 : i32
    %mul3A_23 = arith.constant 640 : i32
    %mul3A_24 = arith.muli %arg1, %mul3A_23 : i32
    "tpu.region"() ({
      %run_scoped3A = tpu.sem_alloc : memref<!tpu.dma_semaphore, #tpu.memory_space<semaphore_mem>>
      %dma_start3A = arith.constant 0 : i32
      %dma_start3A_25 = tpu.memref_slice %arg6[%arg0, %mul3A_24, %dma_start3A] : memref<2x10240x128xf32, #tpu.memory_space<hbm>> -> memref<1x640x128xf32, #tpu.memory_space<hbm>>
      %dma_start3A_26 = tpu.memref_squeeze %dma_start3A_25 : memref<1x640x128xf32, #tpu.memory_space<hbm>> -> memref<640x128xf32, #tpu.memory_space<hbm>>
      %dma_start3A_27 = arith.constant 0 : i32
      %dma_start3A_28 = tpu.memref_slice %arg10[%mul3A_22, %dma_start3A_27] : memref<10240x128xf32, #tpu.memory_space<vmem_shared>> -> memref<640x128xf32, #tpu.memory_space<vmem_shared>>
      tpu.enqueue_dma source(%dma_start3A_28 : memref<640x128xf32, #tpu.memory_space<vmem_shared>>) target(%dma_start3A_26 : memref<640x128xf32, #tpu.memory_space<hbm>>) target_semaphore(%run_scoped3A : memref<!tpu.dma_semaphore, #tpu.memory_space<semaphore_mem>>)
      %dma_wait3A = arith.constant 0 : i32
      %dma_wait3A_29 = tpu.memref_slice %arg6[%arg0, %mul3A_24, %dma_wait3A] : memref<2x10240x128xf32, #tpu.memory_space<hbm>> -> memref<1x640x128xf32, #tpu.memory_space<hbm>>
      %dma_wait3A_30 = tpu.memref_squeeze %dma_wait3A_29 : memref<1x640x128xf32, #tpu.memory_space<hbm>> -> memref<640x128xf32, #tpu.memory_space<hbm>>
      %dma_wait3A_31 = arith.constant 0 : i32
      %dma_wait3A_32 = tpu.memref_slice %arg10[%mul3A_22, %dma_wait3A_31] : memref<10240x128xf32, #tpu.memory_space<vmem_shared>> -> memref<640x128xf32, #tpu.memory_space<vmem_shared>>
      tpu.wait_dma2 semaphore(%run_scoped3A : memref<!tpu.dma_semaphore, #tpu.memory_space<semaphore_mem>>) src(%dma_wait3A_32 : memref<640x128xf32, #tpu.memory_space<vmem_shared>>) dst(%dma_wait3A_30 : memref<640x128xf32, #tpu.memory_space<hbm>>)
      tpu.yield
    }) : () -> ()
    return
  }
}

#map = affine_map<(d0, d1) -> (0, 0)>
#map1 = affine_map<(d0, d1) -> (0, 0, 0)>
module attributes {stable_mosaic.version = 14 : i64} {
  func.func @_edge_body(%arg0: i32, %arg1: i32, %arg2: memref<10240x128xf32, #tpu.memory_space<hbm>>, %arg3: memref<32x93x128xi32, #tpu.memory_space<hbm>>, %arg4: memref<32x93x128xi32, #tpu.memory_space<hbm>>, %arg5: memref<128x128xf32, #tpu.memory_space<hbm>>, %arg6: memref<2x10240x128xf32, #tpu.memory_space<hbm>>, %arg7: memref<93x128xi32, #tpu.memory_space<vmem>>, %arg8: memref<93x128xi32, #tpu.memory_space<vmem>>, %arg9: memref<128x128xf32, #tpu.memory_space<vmem>>, %arg10: memref<10240x128xf32, #tpu.memory_space<vmem_shared>>) attributes {dimension_semantics = [#tpu.dimension_semantics<core_parallel>, #tpu.dimension_semantics<subcore_parallel>], iteration_bounds = array<i64: 2, 16>, scalar_prefetch = 0 : i64, scratch_operands = 4 : i64, tpu.core_type = #tpu.core_type<sc_vector_subcore>, window_params = [{transform_indices = #map}, {transform_indices = #map1}, {transform_indices = #map1}, {transform_indices = #map}, {transform_indices = #map1}]} {
    %mul3A = arith.constant 16 : i32
    %mul3A_0 = arith.muli %arg0, %mul3A : i32
    %add3A = arith.addi %mul3A_0, %arg1 : i32
    %eq3A = arith.constant 0 : i32
    %eq3A_1 = arith.cmpi eq, %arg0, %eq3A : i32
    %jit3A = arith.constant 93 : i32
    %jit3A_2 = arith.constant 64 : i32
    %select_n3A = arith.select %eq3A_1, %jit3A, %jit3A_2 : i32
    "tpu.region"() ({
      %run_scoped3A = tpu.sem_alloc : memref<!tpu.dma_semaphore, #tpu.memory_space<semaphore_mem>>
      %dma_start3A = arith.constant 0 : i32
      %dma_start3A_25 = arith.constant 0 : i32
      %dma_start3A_26 = tpu.memref_slice %arg3[%add3A, %dma_start3A, %dma_start3A_25] : memref<32x93x128xi32, #tpu.memory_space<hbm>> -> memref<1x93x128xi32, #tpu.memory_space<hbm>>
      %dma_start3A_27 = tpu.memref_squeeze %dma_start3A_26 : memref<1x93x128xi32, #tpu.memory_space<hbm>> -> memref<93x128xi32, #tpu.memory_space<hbm>>
      %dma_start3A_28 = arith.constant 0 : i32
      %dma_start3A_29 = arith.constant 0 : i32
      %dma_start3A_30 = tpu.memref_slice %arg3[%add3A, %dma_start3A_28, %dma_start3A_29] : memref<32x93x128xi32, #tpu.memory_space<hbm>> -> memref<1x93x128xi32, #tpu.memory_space<hbm>>
      %dma_start3A_31 = tpu.memref_squeeze %dma_start3A_30 : memref<1x93x128xi32, #tpu.memory_space<hbm>> -> memref<93x128xi32, #tpu.memory_space<hbm>>
      tpu.enqueue_dma source(%dma_start3A_31 : memref<93x128xi32, #tpu.memory_space<hbm>>) target(%arg7 : memref<93x128xi32, #tpu.memory_space<vmem>>) target_semaphore(%run_scoped3A : memref<!tpu.dma_semaphore, #tpu.memory_space<semaphore_mem>>)
      %dma_wait3A = arith.constant 0 : i32
      %dma_wait3A_32 = arith.constant 0 : i32
      %dma_wait3A_33 = tpu.memref_slice %arg3[%add3A, %dma_wait3A, %dma_wait3A_32] : memref<32x93x128xi32, #tpu.memory_space<hbm>> -> memref<1x93x128xi32, #tpu.memory_space<hbm>>
      %dma_wait3A_34 = tpu.memref_squeeze %dma_wait3A_33 : memref<1x93x128xi32, #tpu.memory_space<hbm>> -> memref<93x128xi32, #tpu.memory_space<hbm>>
      %dma_wait3A_35 = arith.constant 0 : i32
      %dma_wait3A_36 = arith.constant 0 : i32
      %dma_wait3A_37 = tpu.memref_slice %arg3[%add3A, %dma_wait3A_35, %dma_wait3A_36] : memref<32x93x128xi32, #tpu.memory_space<hbm>> -> memref<1x93x128xi32, #tpu.memory_space<hbm>>
      %dma_wait3A_38 = tpu.memref_squeeze %dma_wait3A_37 : memref<1x93x128xi32, #tpu.memory_space<hbm>> -> memref<93x128xi32, #tpu.memory_space<hbm>>
      tpu.wait_dma2 semaphore(%run_scoped3A : memref<!tpu.dma_semaphore, #tpu.memory_space<semaphore_mem>>) src(%dma_wait3A_38 : memref<93x128xi32, #tpu.memory_space<hbm>>) dst(%arg7 : memref<93x128xi32, #tpu.memory_space<vmem>>)
      tpu.yield
    }) : () -> ()
    "tpu.region"() ({
      %run_scoped3A = tpu.sem_alloc : memref<!tpu.dma_semaphore, #tpu.memory_space<semaphore_mem>>
      %dma_start3A = arith.constant 0 : i32
      %dma_start3A_25 = arith.constant 0 : i32
      %dma_start3A_26 = tpu.memref_slice %arg4[%add3A, %dma_start3A, %dma_start3A_25] : memref<32x93x128xi32, #tpu.memory_space<hbm>> -> memref<1x93x128xi32, #tpu.memory_space<hbm>>
      %dma_start3A_27 = tpu.memref_squeeze %dma_start3A_26 : memref<1x93x128xi32, #tpu.memory_space<hbm>> -> memref<93x128xi32, #tpu.memory_space<hbm>>
      %dma_start3A_28 = arith.constant 0 : i32
      %dma_start3A_29 = arith.constant 0 : i32
      %dma_start3A_30 = tpu.memref_slice %arg4[%add3A, %dma_start3A_28, %dma_start3A_29] : memref<32x93x128xi32, #tpu.memory_space<hbm>> -> memref<1x93x128xi32, #tpu.memory_space<hbm>>
      %dma_start3A_31 = tpu.memref_squeeze %dma_start3A_30 : memref<1x93x128xi32, #tpu.memory_space<hbm>> -> memref<93x128xi32, #tpu.memory_space<hbm>>
      tpu.enqueue_dma source(%dma_start3A_31 : memref<93x128xi32, #tpu.memory_space<hbm>>) target(%arg8 : memref<93x128xi32, #tpu.memory_space<vmem>>) target_semaphore(%run_scoped3A : memref<!tpu.dma_semaphore, #tpu.memory_space<semaphore_mem>>)
      %dma_wait3A = arith.constant 0 : i32
      %dma_wait3A_32 = arith.constant 0 : i32
      %dma_wait3A_33 = tpu.memref_slice %arg4[%add3A, %dma_wait3A, %dma_wait3A_32] : memref<32x93x128xi32, #tpu.memory_space<hbm>> -> memref<1x93x128xi32, #tpu.memory_space<hbm>>
      %dma_wait3A_34 = tpu.memref_squeeze %dma_wait3A_33 : memref<1x93x128xi32, #tpu.memory_space<hbm>> -> memref<93x128xi32, #tpu.memory_space<hbm>>
      %dma_wait3A_35 = arith.constant 0 : i32
      %dma_wait3A_36 = arith.constant 0 : i32
      %dma_wait3A_37 = tpu.memref_slice %arg4[%add3A, %dma_wait3A_35, %dma_wait3A_36] : memref<32x93x128xi32, #tpu.memory_space<hbm>> -> memref<1x93x128xi32, #tpu.memory_space<hbm>>
      %dma_wait3A_38 = tpu.memref_squeeze %dma_wait3A_37 : memref<1x93x128xi32, #tpu.memory_space<hbm>> -> memref<93x128xi32, #tpu.memory_space<hbm>>
      tpu.wait_dma2 semaphore(%run_scoped3A : memref<!tpu.dma_semaphore, #tpu.memory_space<semaphore_mem>>) src(%dma_wait3A_38 : memref<93x128xi32, #tpu.memory_space<hbm>>) dst(%arg8 : memref<93x128xi32, #tpu.memory_space<vmem>>)
      tpu.yield
    }) : () -> ()
    "tpu.region"() ({
      %run_scoped3A = tpu.sem_alloc : memref<!tpu.dma_semaphore, #tpu.memory_space<semaphore_mem>>
      tpu.enqueue_dma source(%arg5 : memref<128x128xf32, #tpu.memory_space<hbm>>) target(%arg9 : memref<128x128xf32, #tpu.memory_space<vmem>>) target_semaphore(%run_scoped3A : memref<!tpu.dma_semaphore, #tpu.memory_space<semaphore_mem>>)
      tpu.wait_dma2 semaphore(%run_scoped3A : memref<!tpu.dma_semaphore, #tpu.memory_space<semaphore_mem>>) src(%arg5 : memref<128x128xf32, #tpu.memory_space<hbm>>) dst(%arg9 : memref<128x128xf32, #tpu.memory_space<vmem>>)
      tpu.yield
    }) : () -> ()
    %scan3A = arith.constant 0 : i32
    %scan3A_3 = arith.constant 0 : i32
    %scan3A_4 = arith.constant 5 : i32
    %scan3A_5 = arith.addi %scan3A_3, %scan3A_4 : i32
    %scan3A_6 = arith.constant 1 : i32
    %scan3A_7 = scf.for %scan3A_25 = %scan3A_3 to %scan3A_5 step %scan3A_6 iter_args(%scan3A_26 = %scan3A) -> (i32)  : i32 {
      %mul3A_27 = arith.constant 640 : i32
      %mul3A_28 = arith.muli %arg1, %mul3A_27 : i32
      %mul3A_29 = arith.constant 128 : i32
      %mul3A_30 = arith.muli %scan3A_25, %mul3A_29 : i32
      %add3A_31 = arith.addi %mul3A_28, %mul3A_30 : i32
      "tpu.region"() ({
        %run_scoped3A = tpu.sem_alloc : memref<!tpu.dma_semaphore, #tpu.memory_space<semaphore_mem>>
        %dma_start3A = arith.constant 0 : i32
        %dma_start3A_33 = tpu.memref_slice %arg10[%add3A_31, %dma_start3A] : memref<10240x128xf32, #tpu.memory_space<vmem_shared>> -> memref<128x128xf32, #tpu.memory_space<vmem_shared>>
        %dma_start3A_34 = arith.constant 0 : i32
        %dma_start3A_35 = tpu.memref_slice %arg10[%add3A_31, %dma_start3A_34] : memref<10240x128xf32, #tpu.memory_space<vmem_shared>> -> memref<128x128xf32, #tpu.memory_space<vmem_shared>>
        tpu.enqueue_dma source(%arg9 : memref<128x128xf32, #tpu.memory_space<vmem>>) target(%dma_start3A_35 : memref<128x128xf32, #tpu.memory_space<vmem_shared>>) target_semaphore(%run_scoped3A : memref<!tpu.dma_semaphore, #tpu.memory_space<semaphore_mem>>)
        %dma_wait3A = arith.constant 0 : i32
        %dma_wait3A_36 = tpu.memref_slice %arg10[%add3A_31, %dma_wait3A] : memref<10240x128xf32, #tpu.memory_space<vmem_shared>> -> memref<128x128xf32, #tpu.memory_space<vmem_shared>>
        %dma_wait3A_37 = arith.constant 0 : i32
        %dma_wait3A_38 = tpu.memref_slice %arg10[%add3A_31, %dma_wait3A_37] : memref<10240x128xf32, #tpu.memory_space<vmem_shared>> -> memref<128x128xf32, #tpu.memory_space<vmem_shared>>
        tpu.wait_dma2 semaphore(%run_scoped3A : memref<!tpu.dma_semaphore, #tpu.memory_space<semaphore_mem>>) src(%arg9 : memref<128x128xf32, #tpu.memory_space<vmem>>) dst(%dma_wait3A_38 : memref<128x128xf32, #tpu.memory_space<vmem_shared>>)
        tpu.yield
      }) : () -> ()
      %scan3A_32 = arith.constant 0 : i32
      scf.yield %scan3A_32 : i32
    }
    %scan3A_8 = arith.constant 5 : i32
    %barrier3A = arith.constant 0 : index
    tpu.barrier barrier_id(%barrier3A)
    %while3A = arith.constant 0 : i32
    %while3A_9 = arith.constant 0 : i32
    %while3A_10 = arith.subi %select_n3A, %while3A : i32
    %while3A_11 = arith.addi %while3A, %while3A_10 : i32
    %while3A_12 = arith.constant 1 : i32
    %while3A_13 = arith.divsi %while3A_10, %while3A_12 : i32
    %while3A_14 = arith.muli %while3A_13, %while3A_12 : i32
    %while3A_15 = arith.addi %while3A, %while3A_14 : i32
    %while3A_16 = arith.constant 1 : i32
    %while3A_17 = scf.for %while3A_25 = %while3A to %while3A_15 step %while3A_16 iter_args(%while3A_26 = %while3A_9) -> (i32)  : i32 {
      "tpu.region"() ({
        %run_scoped3A = tpu.sem_alloc : memref<!tpu.dma_semaphore, #tpu.memory_space<semaphore_mem>>
        %dma_start3A = arith.constant 0 : i32
        %dma_start3A_28 = tpu.memref_slice %arg7[%while3A_25, %dma_start3A] : memref<93x128xi32, #tpu.memory_space<vmem>> -> memref<1x128xi32, #tpu.memory_space<vmem>>
        %dma_start3A_29 = tpu.memref_squeeze %dma_start3A_28 : memref<1x128xi32, #tpu.memory_space<vmem>> -> memref<128xi32, #tpu.memory_space<vmem>>
        %dma_start3A_30 = arith.constant 0 : i32
        %dma_start3A_31 = arith.constant 0 : i32
        %dma_start3A_32 = tpu.memref_slice %arg2[%dma_start3A_30, %dma_start3A_31] : memref<10240x128xf32, #tpu.memory_space<hbm>> -> memref<10240x128xf32, #tpu.memory_space<hbm>>
        tpu.enqueue_indirect_dma source(%dma_start3A_32 : memref<10240x128xf32, #tpu.memory_space<hbm>>) target(%arg9 : memref<128x128xf32, #tpu.memory_space<vmem>>) offsets(%dma_start3A_29 : memref<128xi32, #tpu.memory_space<vmem>>) semaphore(%run_scoped3A : memref<!tpu.dma_semaphore, #tpu.memory_space<semaphore_mem>>)
        %dma_wait3A = arith.constant 0 : i32
        %dma_wait3A_33 = tpu.memref_slice %arg7[%while3A_25, %dma_wait3A] : memref<93x128xi32, #tpu.memory_space<vmem>> -> memref<1x128xi32, #tpu.memory_space<vmem>>
        %dma_wait3A_34 = tpu.memref_squeeze %dma_wait3A_33 : memref<1x128xi32, #tpu.memory_space<vmem>> -> memref<128xi32, #tpu.memory_space<vmem>>
        %dma_wait3A_35 = arith.constant 0 : i32
        %dma_wait3A_36 = arith.constant 0 : i32
        %dma_wait3A_37 = tpu.memref_slice %arg2[%dma_wait3A_35, %dma_wait3A_36] : memref<10240x128xf32, #tpu.memory_space<hbm>> -> memref<10240x128xf32, #tpu.memory_space<hbm>>
        tpu.wait_indirect_dma semaphore(%run_scoped3A : memref<!tpu.dma_semaphore, #tpu.memory_space<semaphore_mem>>) src(%dma_wait3A_37 : memref<10240x128xf32, #tpu.memory_space<hbm>>) dst(%arg9 : memref<128x128xf32, #tpu.memory_space<vmem>>)
        tpu.yield
      }) : () -> ()
      "tpu.region"() ({
        %run_scoped3A = tpu.sem_alloc : memref<!tpu.dma_semaphore, #tpu.memory_space<semaphore_mem>>
        %dma_start3A = arith.constant 0 : i32
        %dma_start3A_28 = tpu.memref_slice %arg8[%while3A_25, %dma_start3A] : memref<93x128xi32, #tpu.memory_space<vmem>> -> memref<1x128xi32, #tpu.memory_space<vmem>>
        %dma_start3A_29 = tpu.memref_squeeze %dma_start3A_28 : memref<1x128xi32, #tpu.memory_space<vmem>> -> memref<128xi32, #tpu.memory_space<vmem>>
        %dma_start3A_30 = arith.constant 0 : i32
        %dma_start3A_31 = arith.constant 0 : i32
        %dma_start3A_32 = tpu.memref_slice %arg10[%dma_start3A_30, %dma_start3A_31] : memref<10240x128xf32, #tpu.memory_space<vmem_shared>> -> memref<10240x128xf32, #tpu.memory_space<vmem_shared>>
        tpu.enqueue_indirect_dma source(%arg9 : memref<128x128xf32, #tpu.memory_space<vmem>>) target(%dma_start3A_32 : memref<10240x128xf32, #tpu.memory_space<vmem_shared>>) offsets(%dma_start3A_29 : memref<128xi32, #tpu.memory_space<vmem>>) semaphore(%run_scoped3A : memref<!tpu.dma_semaphore, #tpu.memory_space<semaphore_mem>>) {add = true}
        %dma_wait3A = arith.constant 0 : i32
        %dma_wait3A_33 = tpu.memref_slice %arg8[%while3A_25, %dma_wait3A] : memref<93x128xi32, #tpu.memory_space<vmem>> -> memref<1x128xi32, #tpu.memory_space<vmem>>
        %dma_wait3A_34 = tpu.memref_squeeze %dma_wait3A_33 : memref<1x128xi32, #tpu.memory_space<vmem>> -> memref<128xi32, #tpu.memory_space<vmem>>
        %dma_wait3A_35 = arith.constant 0 : i32
        %dma_wait3A_36 = arith.constant 0 : i32
        %dma_wait3A_37 = tpu.memref_slice %arg10[%dma_wait3A_35, %dma_wait3A_36] : memref<10240x128xf32, #tpu.memory_space<vmem_shared>> -> memref<10240x128xf32, #tpu.memory_space<vmem_shared>>
        tpu.wait_indirect_dma semaphore(%run_scoped3A : memref<!tpu.dma_semaphore, #tpu.memory_space<semaphore_mem>>) src(%arg9 : memref<128x128xf32, #tpu.memory_space<vmem>>) dst(%dma_wait3A_37 : memref<10240x128xf32, #tpu.memory_space<vmem_shared>>)
        tpu.yield
      }) : () -> ()
      %while3A_27 = arith.constant 0 : i32
      scf.yield %while3A_27 : i32
    }
    %while3A_18 = arith.constant 1 : i32
    %while3A_19 = scf.for %while3A_25 = %while3A_15 to %while3A_11 step %while3A_18 iter_args(%while3A_26 = %while3A_17) -> (i32)  : i32 {
      "tpu.region"() ({
        %run_scoped3A = tpu.sem_alloc : memref<!tpu.dma_semaphore, #tpu.memory_space<semaphore_mem>>
        %dma_start3A = arith.constant 0 : i32
        %dma_start3A_28 = tpu.memref_slice %arg7[%while3A_25, %dma_start3A] : memref<93x128xi32, #tpu.memory_space<vmem>> -> memref<1x128xi32, #tpu.memory_space<vmem>>
        %dma_start3A_29 = tpu.memref_squeeze %dma_start3A_28 : memref<1x128xi32, #tpu.memory_space<vmem>> -> memref<128xi32, #tpu.memory_space<vmem>>
        %dma_start3A_30 = arith.constant 0 : i32
        %dma_start3A_31 = arith.constant 0 : i32
        %dma_start3A_32 = tpu.memref_slice %arg2[%dma_start3A_30, %dma_start3A_31] : memref<10240x128xf32, #tpu.memory_space<hbm>> -> memref<10240x128xf32, #tpu.memory_space<hbm>>
        tpu.enqueue_indirect_dma source(%dma_start3A_32 : memref<10240x128xf32, #tpu.memory_space<hbm>>) target(%arg9 : memref<128x128xf32, #tpu.memory_space<vmem>>) offsets(%dma_start3A_29 : memref<128xi32, #tpu.memory_space<vmem>>) semaphore(%run_scoped3A : memref<!tpu.dma_semaphore, #tpu.memory_space<semaphore_mem>>)
        %dma_wait3A = arith.constant 0 : i32
        %dma_wait3A_33 = tpu.memref_slice %arg7[%while3A_25, %dma_wait3A] : memref<93x128xi32, #tpu.memory_space<vmem>> -> memref<1x128xi32, #tpu.memory_space<vmem>>
        %dma_wait3A_34 = tpu.memref_squeeze %dma_wait3A_33 : memref<1x128xi32, #tpu.memory_space<vmem>> -> memref<128xi32, #tpu.memory_space<vmem>>
        %dma_wait3A_35 = arith.constant 0 : i32
        %dma_wait3A_36 = arith.constant 0 : i32
        %dma_wait3A_37 = tpu.memref_slice %arg2[%dma_wait3A_35, %dma_wait3A_36] : memref<10240x128xf32, #tpu.memory_space<hbm>> -> memref<10240x128xf32, #tpu.memory_space<hbm>>
        tpu.wait_indirect_dma semaphore(%run_scoped3A : memref<!tpu.dma_semaphore, #tpu.memory_space<semaphore_mem>>) src(%dma_wait3A_37 : memref<10240x128xf32, #tpu.memory_space<hbm>>) dst(%arg9 : memref<128x128xf32, #tpu.memory_space<vmem>>)
        tpu.yield
      }) : () -> ()
      "tpu.region"() ({
        %run_scoped3A = tpu.sem_alloc : memref<!tpu.dma_semaphore, #tpu.memory_space<semaphore_mem>>
        %dma_start3A = arith.constant 0 : i32
        %dma_start3A_28 = tpu.memref_slice %arg8[%while3A_25, %dma_start3A] : memref<93x128xi32, #tpu.memory_space<vmem>> -> memref<1x128xi32, #tpu.memory_space<vmem>>
        %dma_start3A_29 = tpu.memref_squeeze %dma_start3A_28 : memref<1x128xi32, #tpu.memory_space<vmem>> -> memref<128xi32, #tpu.memory_space<vmem>>
        %dma_start3A_30 = arith.constant 0 : i32
        %dma_start3A_31 = arith.constant 0 : i32
        %dma_start3A_32 = tpu.memref_slice %arg10[%dma_start3A_30, %dma_start3A_31] : memref<10240x128xf32, #tpu.memory_space<vmem_shared>> -> memref<10240x128xf32, #tpu.memory_space<vmem_shared>>
        tpu.enqueue_indirect_dma source(%arg9 : memref<128x128xf32, #tpu.memory_space<vmem>>) target(%dma_start3A_32 : memref<10240x128xf32, #tpu.memory_space<vmem_shared>>) offsets(%dma_start3A_29 : memref<128xi32, #tpu.memory_space<vmem>>) semaphore(%run_scoped3A : memref<!tpu.dma_semaphore, #tpu.memory_space<semaphore_mem>>) {add = true}
        %dma_wait3A = arith.constant 0 : i32
        %dma_wait3A_33 = tpu.memref_slice %arg8[%while3A_25, %dma_wait3A] : memref<93x128xi32, #tpu.memory_space<vmem>> -> memref<1x128xi32, #tpu.memory_space<vmem>>
        %dma_wait3A_34 = tpu.memref_squeeze %dma_wait3A_33 : memref<1x128xi32, #tpu.memory_space<vmem>> -> memref<128xi32, #tpu.memory_space<vmem>>
        %dma_wait3A_35 = arith.constant 0 : i32
        %dma_wait3A_36 = arith.constant 0 : i32
        %dma_wait3A_37 = tpu.memref_slice %arg10[%dma_wait3A_35, %dma_wait3A_36] : memref<10240x128xf32, #tpu.memory_space<vmem_shared>> -> memref<10240x128xf32, #tpu.memory_space<vmem_shared>>
        tpu.wait_indirect_dma semaphore(%run_scoped3A : memref<!tpu.dma_semaphore, #tpu.memory_space<semaphore_mem>>) src(%arg9 : memref<128x128xf32, #tpu.memory_space<vmem>>) dst(%dma_wait3A_37 : memref<10240x128xf32, #tpu.memory_space<vmem_shared>>)
        tpu.yield
      }) : () -> ()
      %while3A_27 = arith.constant 0 : i32
      scf.yield %while3A_27 : i32
    }
    %barrier3A_20 = arith.constant 0 : index
    tpu.barrier barrier_id(%barrier3A_20)
    %mul3A_21 = arith.constant 640 : i32
    %mul3A_22 = arith.muli %arg1, %mul3A_21 : i32
    %mul3A_23 = arith.constant 640 : i32
    %mul3A_24 = arith.muli %arg1, %mul3A_23 : i32
    "tpu.region"() ({
      %run_scoped3A = tpu.sem_alloc : memref<!tpu.dma_semaphore, #tpu.memory_space<semaphore_mem>>
      %dma_start3A = arith.constant 0 : i32
      %dma_start3A_25 = tpu.memref_slice %arg6[%arg0, %mul3A_24, %dma_start3A] : memref<2x10240x128xf32, #tpu.memory_space<hbm>> -> memref<1x640x128xf32, #tpu.memory_space<hbm>>
      %dma_start3A_26 = tpu.memref_squeeze %dma_start3A_25 : memref<1x640x128xf32, #tpu.memory_space<hbm>> -> memref<640x128xf32, #tpu.memory_space<hbm>>
      %dma_start3A_27 = arith.constant 0 : i32
      %dma_start3A_28 = tpu.memref_slice %arg10[%mul3A_22, %dma_start3A_27] : memref<10240x128xf32, #tpu.memory_space<vmem_shared>> -> memref<640x128xf32, #tpu.memory_space<vmem_shared>>
      tpu.enqueue_dma source(%dma_start3A_28 : memref<640x128xf32, #tpu.memory_space<vmem_shared>>) target(%dma_start3A_26 : memref<640x128xf32, #tpu.memory_space<hbm>>) target_semaphore(%run_scoped3A : memref<!tpu.dma_semaphore, #tpu.memory_space<semaphore_mem>>)
      %dma_wait3A = arith.constant 0 : i32
      %dma_wait3A_29 = tpu.memref_slice %arg6[%arg0, %mul3A_24, %dma_wait3A] : memref<2x10240x128xf32, #tpu.memory_space<hbm>> -> memref<1x640x128xf32, #tpu.memory_space<hbm>>
      %dma_wait3A_30 = tpu.memref_squeeze %dma_wait3A_29 : memref<1x640x128xf32, #tpu.memory_space<hbm>> -> memref<640x128xf32, #tpu.memory_space<hbm>>
      %dma_wait3A_31 = arith.constant 0 : i32
      %dma_wait3A_32 = tpu.memref_slice %arg10[%mul3A_22, %dma_wait3A_31] : memref<10240x128xf32, #tpu.memory_space<vmem_shared>> -> memref<640x128xf32, #tpu.memory_space<vmem_shared>>
      tpu.wait_dma2 semaphore(%run_scoped3A : memref<!tpu.dma_semaphore, #tpu.memory_space<semaphore_mem>>) src(%dma_wait3A_32 : memref<640x128xf32, #tpu.memory_space<vmem_shared>>) dst(%dma_wait3A_30 : memref<640x128xf32, #tpu.memory_space<hbm>>)
      tpu.yield
    }) : () -> ()
    return
  }
}

module attributes {stable_mosaic.version = 14 : i64} {
  func.func @_proj_body(%arg0: i32, %arg1: memref<2048x128xf32, #tpu.memory_space<vmem>>, %arg2: memref<128x128xf32, #tpu.memory_space<vmem>>, %arg3: memref<1x128xf32, #tpu.memory_space<vmem>>, %arg4: memref<2048x128xf32, #tpu.memory_space<vmem>>, %arg5: memref<2048x128xf32, #tpu.memory_space<vmem>>) attributes {dimension_semantics = [#tpu.dimension_semantics<arbitrary>], iteration_bounds = array<i64: 5>, scalar_prefetch = 0 : i64, scratch_operands = 0 : i64, tpu.core_type = #tpu.core_type<tc>, window_params = [{transform_indices = @transform_0, window_bounds = array<i64: 2048, 128>}, {pipeline_mode = #tpu.pipeline_mode<synchronous>, transform_indices = @transform_1, window_bounds = array<i64: 128, 128>}, {pipeline_mode = #tpu.pipeline_mode<synchronous>, transform_indices = @transform_2, window_bounds = array<i64: 1, 128>}, {transform_indices = @transform_3, window_bounds = array<i64: 2048, 128>}, {transform_indices = @transform_4, window_bounds = array<i64: 2048, 128>}]} {
    %get3A = arith.constant 0 : index
    %get3A_0 = arith.constant 0 : index
    %get3A_1 = vector.load %arg1[%get3A, %get3A_0] : memref<2048x128xf32, #tpu.memory_space<vmem>>, vector<2048x128xf32>
    %get3A_2 = arith.constant 0 : index
    %get3A_3 = arith.constant 0 : index
    %get3A_4 = vector.load %arg2[%get3A_2, %get3A_3] : memref<128x128xf32, #tpu.memory_space<vmem>>, vector<128x128xf32>
    %dot_general3A = arith.constant dense<0.000000e+00> : vector<2048x128xf32>
    %dot_general3A_5 = tpu.matmul %get3A_1, %get3A_4, %dot_general3A {dimension_numbers = #tpu.dot_dimension_numbers<[1], [0], [0], [1], [0, 0, 1, 1], [], []>, transpose_lhs_hint = false} : vector<2048x128xf32>, vector<128x128xf32>, vector<2048x128xf32> -> vector<2048x128xf32>
    %get3A_6 = arith.constant 0 : index
    %get3A_7 = arith.constant 0 : index
    %get3A_8 = vector.load %arg3[%get3A_6, %get3A_7] : memref<1x128xf32, #tpu.memory_space<vmem>>, vector<1x128xf32>
    %add3A = vector.broadcast %get3A_8 : vector<1x128xf32> to vector<2048x128xf32>
    %add3A_9 = arith.addf %dot_general3A_5, %add3A : vector<2048x128xf32>
    %swap3A = arith.constant 0 : index
    %swap3A_10 = arith.constant 0 : index
    %swap3A_11 = vector.load %arg4[%swap3A, %swap3A_10] : memref<2048x128xf32, #tpu.memory_space<vmem>>, vector<2048x128xf32>
    tpu.vector_store %arg4[%swap3A, %swap3A_10], %add3A_9 {strides = array<i32>} : memref<2048x128xf32, #tpu.memory_space<vmem>>, vector<2048x128xf32>,
    %max3A = arith.constant 0.000000e+00 : f32
    %max3A_12 = vector.broadcast %max3A : f32 to vector<2048x128xf32>
    %max3A_13 = arith.maximumf %add3A_9, %max3A_12 : vector<2048x128xf32>
    %swap3A_14 = arith.constant 0 : index
    %swap3A_15 = arith.constant 0 : index
    %swap3A_16 = vector.load %arg5[%swap3A_14, %swap3A_15] : memref<2048x128xf32, #tpu.memory_space<vmem>>, vector<2048x128xf32>
    tpu.vector_store %arg5[%swap3A_14, %swap3A_15], %max3A_13 {strides = array<i32>} : memref<2048x128xf32, #tpu.memory_space<vmem>>, vector<2048x128xf32>,
    return
  }
  func.func @transform_0(%arg0: i32) -> (i32, i32) {
    %c0_i32 = arith.constant 0 : i32
    %c0_i32_0 = arith.constant 0 : i32
    return %arg0, %c0_i32 : i32, i32
  }
  func.func @transform_1(%arg0: i32) -> (i32, i32) {
    %c0_i32 = arith.constant 0 : i32
    %c0_i32_0 = arith.constant 0 : i32
    %c0_i32_1 = arith.constant 0 : i32
    return %c0_i32, %c0_i32_0 : i32, i32
  }
  func.func @transform_2(%arg0: i32) -> (i32, i32) {
    %c0_i32 = arith.constant 0 : i32
    %c0_i32_0 = arith.constant 0 : i32
    %c0_i32_1 = arith.constant 0 : i32
    return %c0_i32, %c0_i32_0 : i32, i32
  }
  func.func @transform_3(%arg0: i32) -> (i32, i32) {
    %c0_i32 = arith.constant 0 : i32
    %c0_i32_0 = arith.constant 0 : i32
    return %arg0, %c0_i32 : i32, i32
  }
  func.func @transform_4(%arg0: i32) -> (i32, i32) {
    %c0_i32 = arith.constant 0 : i32
    %c0_i32_0 = arith.constant 0 : i32
    return %arg0, %c0_i32 : i32, i32
  }
}

module attributes {stable_mosaic.version = 14 : i64} {
  func.func @_vnmlp_body(%arg0: i32, %arg1: memref<2048x128xf32, #tpu.memory_space<vmem>>, %arg2: memref<2048x1xi32, #tpu.memory_space<vmem>>, %arg3: memref<640x128xf32, #tpu.memory_space<vmem>>, %arg4: memref<128x256xf32, #tpu.memory_space<vmem>>, %arg5: memref<1x256xf32, #tpu.memory_space<vmem>>, %arg6: memref<1x256xf32, #tpu.memory_space<vmem>>, %arg7: memref<1x256xf32, #tpu.memory_space<vmem>>, %arg8: memref<256x128xf32, #tpu.memory_space<vmem>>, %arg9: memref<1x128xf32, #tpu.memory_space<vmem>>, %arg10: memref<1x128xf32, #tpu.memory_space<vmem>>, %arg11: memref<1x128xf32, #tpu.memory_space<vmem>>, %arg12: memref<640x128xf32, #tpu.memory_space<vmem>>, %arg13: memref<640x128xf32, #tpu.memory_space<vmem>>, %arg14: memref<640x1xf32, #tpu.memory_space<vmem>>) attributes {dimension_semantics = [#tpu.dimension_semantics<arbitrary>], iteration_bounds = array<i64: 5>, scalar_prefetch = 0 : i64, scratch_operands = 2 : i64, tpu.core_type = #tpu.core_type<tc>, window_params = [{transform_indices = @transform_0, window_bounds = array<i64: 2048, 128>}, {transform_indices = @transform_1, window_bounds = array<i64: 2048, 1>}, {pipeline_mode = #tpu.pipeline_mode<synchronous>, transform_indices = @transform_2, window_bounds = array<i64: 640, 128>}, {pipeline_mode = #tpu.pipeline_mode<synchronous>, transform_indices = @transform_3, window_bounds = array<i64: 128, 256>}, {pipeline_mode = #tpu.pipeline_mode<synchronous>, transform_indices = @transform_4, window_bounds = array<i64: 1, 256>}, {pipeline_mode = #tpu.pipeline_mode<synchronous>, transform_indices = @transform_5, window_bounds = array<i64: 1, 256>}, {pipeline_mode = #tpu.pipeline_mode<synchronous>, transform_indices = @transform_6, window_bounds = array<i64: 1, 256>}, {pipeline_mode = #tpu.pipeline_mode<synchronous>, transform_indices = @transform_7, window_bounds = array<i64: 256, 128>}, {pipeline_mode = #tpu.pipeline_mode<synchronous>, transform_indices = @transform_8, window_bounds = array<i64: 1, 128>}, {pipeline_mode = #tpu.pipeline_mode<synchronous>, transform_indices = @transform_9, window_bounds = array<i64: 1, 128>}, {pipeline_mode = #tpu.pipeline_mode<synchronous>, transform_indices = @transform_10, window_bounds = array<i64: 1, 128>}, {pipeline_mode = #tpu.pipeline_mode<synchronous>, transform_indices = @transform_11, window_bounds = array<i64: 640, 128>}]} {
    %eq3A = arith.constant 0 : i32
    %eq3A_0 = arith.cmpi eq, %arg0, %eq3A : i32
    %convert_element_type3A = arith.extui %eq3A_0 : i1 to i32
    %cond3A = arith.constant 0 : i32
    %cond3A_1 = arith.cmpi ne, %convert_element_type3A, %cond3A : i32
    scf.if %cond3A_1 {
      %broadcast_in_dim3A_33 = arith.constant 0.000000e+00 : f32
      %broadcast_in_dim3A_34 = vector.broadcast %broadcast_in_dim3A_33 : f32 to vector<640x128xf32>
      %swap3A_35 = arith.constant 0 : index
      %swap3A_36 = arith.constant 0 : index
      %swap3A_37 = vector.load %arg13[%swap3A_35, %swap3A_36] : memref<640x128xf32, #tpu.memory_space<vmem>>, vector<640x128xf32>
      tpu.vector_store %arg13[%swap3A_35, %swap3A_36], %broadcast_in_dim3A_34 {strides = array<i32>} : memref<640x128xf32, #tpu.memory_space<vmem>>, vector<640x128xf32>,
      %broadcast_in_dim3A_38 = arith.constant 0.000000e+00 : f32
      %broadcast_in_dim3A_39 = vector.broadcast %broadcast_in_dim3A_38 : f32 to vector<640x1xf32>
      %swap3A_40 = arith.constant 0 : index
      %swap3A_41 = arith.constant 0 : index
      %swap3A_42 = vector.load %arg14[%swap3A_40, %swap3A_41] : memref<640x1xf32, #tpu.memory_space<vmem>>, vector<640x1xf32>
      tpu.vector_store %arg14[%swap3A_40, %swap3A_41], %broadcast_in_dim3A_39 {strides = array<i32>} : memref<640x1xf32, #tpu.memory_space<vmem>>, vector<640x1xf32>,
    } else {
    }
    %get3A = arith.constant 0 : index
    %get3A_2 = arith.constant 0 : index
    %get3A_3 = vector.load %arg2[%get3A, %get3A_2] : memref<2048x1xi32, #tpu.memory_space<vmem>>, vector<2048x1xi32>
    %iota3A = tpu.iota {dimensions = array<i32: 1>} : vector<1x640xi32>
    %eq3A_4 = vector.broadcast %get3A_3 : vector<2048x1xi32> to vector<2048x640xi32>
    %eq3A_5 = vector.broadcast %iota3A : vector<1x640xi32> to vector<2048x640xi32>
    %eq3A_6 = arith.cmpi eq, %eq3A_4, %eq3A_5 : vector<2048x640xi32>
    %convert_element_type3A_7 = arith.extui %eq3A_6 : vector<2048x640xi1> to vector<2048x640xi32>
    %convert_element_type3A_8 = arith.sitofp %convert_element_type3A_7 : vector<2048x640xi32> to vector<2048x640xf32>
    %get3A_9 = arith.constant 0 : index
    %get3A_10 = arith.constant 0 : index
    %get3A_11 = vector.load %arg13[%get3A_9, %get3A_10] : memref<640x128xf32, #tpu.memory_space<vmem>>, vector<640x128xf32>
    %get3A_12 = arith.constant 0 : index
    %get3A_13 = arith.constant 0 : index
    %get3A_14 = vector.load %arg1[%get3A_12, %get3A_13] : memref<2048x128xf32, #tpu.memory_space<vmem>>, vector<2048x128xf32>
    %dot_general3A = arith.constant dense<0.000000e+00> : vector<640x128xf32>
    %dot_general3A_15 = tpu.matmul %convert_element_type3A_8, %get3A_14, %dot_general3A {dimension_numbers = #tpu.dot_dimension_numbers<[0], [0], [1], [1], [0, 1, 1, 1], [], []>, transpose_lhs_hint = false} : vector<2048x640xf32>, vector<2048x128xf32>, vector<640x128xf32> -> vector<640x128xf32>
    %add3A = arith.addf %get3A_11, %dot_general3A_15 : vector<640x128xf32>
    %swap3A = arith.constant 0 : index
    %swap3A_16 = arith.constant 0 : index
    %swap3A_17 = vector.load %arg13[%swap3A, %swap3A_16] : memref<640x128xf32, #tpu.memory_space<vmem>>, vector<640x128xf32>
    tpu.vector_store %arg13[%swap3A, %swap3A_16], %add3A {strides = array<i32>} : memref<640x128xf32, #tpu.memory_space<vmem>>, vector<640x128xf32>,
    %get3A_18 = arith.constant 0 : index
    %get3A_19 = arith.constant 0 : index
    %get3A_20 = vector.load %arg14[%get3A_18, %get3A_19] : memref<640x1xf32, #tpu.memory_space<vmem>>, vector<640x1xf32>
    %broadcast_in_dim3A = arith.constant 1.000000e+00 : f32
    %broadcast_in_dim3A_21 = vector.broadcast %broadcast_in_dim3A : f32 to vector<2048x1xf32>
    %dot_general3A_22 = arith.constant dense<0.000000e+00> : vector<640x1xf32>
    %dot_general3A_23 = tpu.matmul %convert_element_type3A_8, %broadcast_in_dim3A_21, %dot_general3A_22 {dimension_numbers = #tpu.dot_dimension_numbers<[0], [0], [1], [1], [0, 1, 1, 1], [], []>, transpose_lhs_hint = false} : vector<2048x640xf32>, vector<2048x1xf32>, vector<640x1xf32> -> vector<640x1xf32>
    %add3A_24 = arith.addf %get3A_20, %dot_general3A_23 : vector<640x1xf32>
    %swap3A_25 = arith.constant 0 : index
    %swap3A_26 = arith.constant 0 : index
    %swap3A_27 = vector.load %arg14[%swap3A_25, %swap3A_26] : memref<640x1xf32, #tpu.memory_space<vmem>>, vector<640x1xf32>
    tpu.vector_store %arg14[%swap3A_25, %swap3A_26], %add3A_24 {strides = array<i32>} : memref<640x1xf32, #tpu.memory_space<vmem>>, vector<640x1xf32>,
    %eq3A_28 = arith.constant 4 : i32
    %eq3A_29 = arith.cmpi eq, %arg0, %eq3A_28 : i32
    %convert_element_type3A_30 = arith.extui %eq3A_29 : i1 to i32
    %cond3A_31 = arith.constant 0 : i32
    %cond3A_32 = arith.cmpi ne, %convert_element_type3A_30, %cond3A_31 : i32
    scf.if %cond3A_32 {
      %get3A_33 = arith.constant 0 : index
      %get3A_34 = arith.constant 0 : index
      %get3A_35 = vector.load %arg3[%get3A_33, %get3A_34] : memref<640x128xf32, #tpu.memory_space<vmem>>, vector<640x128xf32>
      %get3A_36 = arith.constant 0 : index
      %get3A_37 = arith.constant 0 : index
      %get3A_38 = vector.load %arg13[%get3A_36, %get3A_37] : memref<640x128xf32, #tpu.memory_space<vmem>>, vector<640x128xf32>
      %get3A_39 = arith.constant 0 : index
      %get3A_40 = arith.constant 0 : index
      %get3A_41 = vector.load %arg14[%get3A_39, %get3A_40] : memref<640x1xf32, #tpu.memory_space<vmem>>, vector<640x1xf32>
      %mul3A = vector.broadcast %get3A_41 : vector<640x1xf32> to vector<640x128xf32>
      %mul3A_42 = arith.mulf %mul3A, %get3A_35 : vector<640x128xf32>
      %sub3A = arith.subf %get3A_38, %mul3A_42 : vector<640x128xf32>
      %add3A_43 = arith.addf %sub3A, %get3A_35 : vector<640x128xf32>
      %get3A_44 = arith.constant 0 : index
      %get3A_45 = arith.constant 0 : index
      %get3A_46 = vector.load %arg4[%get3A_44, %get3A_45] : memref<128x256xf32, #tpu.memory_space<vmem>>, vector<128x256xf32>
      %dot_general3A_47 = arith.constant dense<0.000000e+00> : vector<640x256xf32>
      %dot_general3A_48 = tpu.matmul %add3A_43, %get3A_46, %dot_general3A_47 {dimension_numbers = #tpu.dot_dimension_numbers<[1], [0], [0], [1], [0, 0, 1, 1], [], []>, transpose_lhs_hint = false} : vector<640x128xf32>, vector<128x256xf32>, vector<640x256xf32> -> vector<640x256xf32>
      %get3A_49 = arith.constant 0 : index
      %get3A_50 = arith.constant 0 : index
      %get3A_51 = vector.load %arg5[%get3A_49, %get3A_50] : memref<1x256xf32, #tpu.memory_space<vmem>>, vector<1x256xf32>
      %add3A_52 = vector.broadcast %get3A_51 : vector<1x256xf32> to vector<640x256xf32>
      %add3A_53 = arith.addf %dot_general3A_48, %add3A_52 : vector<640x256xf32>
      %get3A_54 = arith.constant 0 : index
      %get3A_55 = arith.constant 0 : index
      %get3A_56 = vector.load %arg6[%get3A_54, %get3A_55] : memref<1x256xf32, #tpu.memory_space<vmem>>, vector<1x256xf32>
      %mul3A_57 = vector.broadcast %get3A_56 : vector<1x256xf32> to vector<640x256xf32>
      %mul3A_58 = arith.mulf %add3A_53, %mul3A_57 : vector<640x256xf32>
      %get3A_59 = arith.constant 0 : index
      %get3A_60 = arith.constant 0 : index
      %get3A_61 = vector.load %arg7[%get3A_59, %get3A_60] : memref<1x256xf32, #tpu.memory_space<vmem>>, vector<1x256xf32>
      %add3A_62 = vector.broadcast %get3A_61 : vector<1x256xf32> to vector<640x256xf32>
      %add3A_63 = arith.addf %mul3A_58, %add3A_62 : vector<640x256xf32>
      %max3A = arith.constant 0.000000e+00 : f32
      %max3A_64 = vector.broadcast %max3A : f32 to vector<640x256xf32>
      %max3A_65 = arith.maximumf %add3A_63, %max3A_64 : vector<640x256xf32>
      %get3A_66 = arith.constant 0 : index
      %get3A_67 = arith.constant 0 : index
      %get3A_68 = vector.load %arg8[%get3A_66, %get3A_67] : memref<256x128xf32, #tpu.memory_space<vmem>>, vector<256x128xf32>
      %dot_general3A_69 = arith.constant dense<0.000000e+00> : vector<640x128xf32>
      %dot_general3A_70 = tpu.matmul %max3A_65, %get3A_68, %dot_general3A_69 {dimension_numbers = #tpu.dot_dimension_numbers<[1], [0], [0], [1], [0, 0, 1, 1], [], []>, transpose_lhs_hint = false} : vector<640x256xf32>, vector<256x128xf32>, vector<640x128xf32> -> vector<640x128xf32>
      %get3A_71 = arith.constant 0 : index
      %get3A_72 = arith.constant 0 : index
      %get3A_73 = vector.load %arg9[%get3A_71, %get3A_72] : memref<1x128xf32, #tpu.memory_space<vmem>>, vector<1x128xf32>
      %add3A_74 = vector.broadcast %get3A_73 : vector<1x128xf32> to vector<640x128xf32>
      %add3A_75 = arith.addf %dot_general3A_70, %add3A_74 : vector<640x128xf32>
      %get3A_76 = arith.constant 0 : index
      %get3A_77 = arith.constant 0 : index
      %get3A_78 = vector.load %arg10[%get3A_76, %get3A_77] : memref<1x128xf32, #tpu.memory_space<vmem>>, vector<1x128xf32>
      %mul3A_79 = vector.broadcast %get3A_78 : vector<1x128xf32> to vector<640x128xf32>
      %mul3A_80 = arith.mulf %add3A_75, %mul3A_79 : vector<640x128xf32>
      %get3A_81 = arith.constant 0 : index
      %get3A_82 = arith.constant 0 : index
      %get3A_83 = vector.load %arg11[%get3A_81, %get3A_82] : memref<1x128xf32, #tpu.memory_space<vmem>>, vector<1x128xf32>
      %add3A_84 = vector.broadcast %get3A_83 : vector<1x128xf32> to vector<640x128xf32>
      %add3A_85 = arith.addf %mul3A_80, %add3A_84 : vector<640x128xf32>
      %max3A_86 = arith.constant 0.000000e+00 : f32
      %max3A_87 = vector.broadcast %max3A_86 : f32 to vector<640x128xf32>
      %max3A_88 = arith.maximumf %add3A_85, %max3A_87 : vector<640x128xf32>
      %swap3A_89 = arith.constant 0 : index
      %swap3A_90 = arith.constant 0 : index
      %swap3A_91 = vector.load %arg12[%swap3A_89, %swap3A_90] : memref<640x128xf32, #tpu.memory_space<vmem>>, vector<640x128xf32>
      tpu.vector_store %arg12[%swap3A_89, %swap3A_90], %max3A_88 {strides = array<i32>} : memref<640x128xf32, #tpu.memory_space<vmem>>, vector<640x128xf32>,
    } else {
    }
    return
  }
  func.func @transform_0(%arg0: i32) -> (i32, i32) {
    %c0_i32 = arith.constant 0 : i32
    %c0_i32_0 = arith.constant 0 : i32
    return %arg0, %c0_i32 : i32, i32
  }
  func.func @transform_1(%arg0: i32) -> (i32, i32) {
    %c0_i32 = arith.constant 0 : i32
    %c0_i32_0 = arith.constant 0 : i32
    return %arg0, %c0_i32 : i32, i32
  }
  func.func @transform_2(%arg0: i32) -> (i32, i32) {
    %c0_i32 = arith.constant 0 : i32
    %c0_i32_0 = arith.constant 0 : i32
    %c0_i32_1 = arith.constant 0 : i32
    return %c0_i32, %c0_i32_0 : i32, i32
  }
  func.func @transform_3(%arg0: i32) -> (i32, i32) {
    %c0_i32 = arith.constant 0 : i32
    %c0_i32_0 = arith.constant 0 : i32
    %c0_i32_1 = arith.constant 0 : i32
    return %c0_i32, %c0_i32_0 : i32, i32
  }
  func.func @transform_4(%arg0: i32) -> (i32, i32) {
    %c0_i32 = arith.constant 0 : i32
    %c0_i32_0 = arith.constant 0 : i32
    %c0_i32_1 = arith.constant 0 : i32
    return %c0_i32, %c0_i32_0 : i32, i32
  }
  func.func @transform_5(%arg0: i32) -> (i32, i32) {
    %c0_i32 = arith.constant 0 : i32
    %c0_i32_0 = arith.constant 0 : i32
    %c0_i32_1 = arith.constant 0 : i32
    return %c0_i32, %c0_i32_0 : i32, i32
  }
  func.func @transform_6(%arg0: i32) -> (i32, i32) {
    %c0_i32 = arith.constant 0 : i32
    %c0_i32_0 = arith.constant 0 : i32
    %c0_i32_1 = arith.constant 0 : i32
    return %c0_i32, %c0_i32_0 : i32, i32
  }
  func.func @transform_7(%arg0: i32) -> (i32, i32) {
    %c0_i32 = arith.constant 0 : i32
    %c0_i32_0 = arith.constant 0 : i32
    %c0_i32_1 = arith.constant 0 : i32
    return %c0_i32, %c0_i32_0 : i32, i32
  }
  func.func @transform_8(%arg0: i32) -> (i32, i32) {
    %c0_i32 = arith.constant 0 : i32
    %c0_i32_0 = arith.constant 0 : i32
    %c0_i32_1 = arith.constant 0 : i32
    return %c0_i32, %c0_i32_0 : i32, i32
  }
  func.func @transform_9(%arg0: i32) -> (i32, i32) {
    %c0_i32 = arith.constant 0 : i32
    %c0_i32_0 = arith.constant 0 : i32
    %c0_i32_1 = arith.constant 0 : i32
    return %c0_i32, %c0_i32_0 : i32, i32
  }
  func.func @transform_10(%arg0: i32) -> (i32, i32) {
    %c0_i32 = arith.constant 0 : i32
    %c0_i32_0 = arith.constant 0 : i32
    %c0_i32_1 = arith.constant 0 : i32
    return %c0_i32, %c0_i32_0 : i32, i32
  }
  func.func @transform_11(%arg0: i32) -> (i32, i32) {
    %c0_i32 = arith.constant 0 : i32
    %c0_i32_0 = arith.constant 0 : i32
    %c0_i32_1 = arith.constant 0 : i32
    return %c0_i32, %c0_i32_0 : i32, i32
  }
}

module attributes {stable_mosaic.version = 14 : i64} {
  func.func @_mlp_mid_body(%arg0: i32, %arg1: memref<2048x128xf32, #tpu.memory_space<vmem>>, %arg2: memref<2048x128xf32, #tpu.memory_space<vmem>>, %arg3: memref<2048x128xf32, #tpu.memory_space<vmem>>, %arg4: memref<1x128xf32, #tpu.memory_space<vmem>>, %arg5: memref<128x256xf32, #tpu.memory_space<vmem>>, %arg6: memref<1x256xf32, #tpu.memory_space<vmem>>, %arg7: memref<1x256xf32, #tpu.memory_space<vmem>>, %arg8: memref<1x256xf32, #tpu.memory_space<vmem>>, %arg9: memref<256x128xf32, #tpu.memory_space<vmem>>, %arg10: memref<1x128xf32, #tpu.memory_space<vmem>>, %arg11: memref<1x128xf32, #tpu.memory_space<vmem>>, %arg12: memref<1x128xf32, #tpu.memory_space<vmem>>, %arg13: memref<2048x1xi32, #tpu.memory_space<vmem>>, %arg14: memref<640x128xf32, #tpu.memory_space<vmem>>, %arg15: memref<2048x128xf32, #tpu.memory_space<vmem>>, %arg16: memref<2048x128xf32, #tpu.memory_space<vmem>>) attributes {dimension_semantics = [#tpu.dimension_semantics<arbitrary>], iteration_bounds = array<i64: 5>, scalar_prefetch = 0 : i64, scratch_operands = 0 : i64, tpu.core_type = #tpu.core_type<tc>, window_params = [{transform_indices = @transform_0, window_bounds = array<i64: 2048, 128>}, {transform_indices = @transform_1, window_bounds = array<i64: 2048, 128>}, {transform_indices = @transform_2, window_bounds = array<i64: 2048, 128>}, {pipeline_mode = #tpu.pipeline_mode<synchronous>, transform_indices = @transform_3, window_bounds = array<i64: 1, 128>}, {pipeline_mode = #tpu.pipeline_mode<synchronous>, transform_indices = @transform_4, window_bounds = array<i64: 128, 256>}, {pipeline_mode = #tpu.pipeline_mode<synchronous>, transform_indices = @transform_5, window_bounds = array<i64: 1, 256>}, {pipeline_mode = #tpu.pipeline_mode<synchronous>, transform_indices = @transform_6, window_bounds = array<i64: 1, 256>}, {pipeline_mode = #tpu.pipeline_mode<synchronous>, transform_indices = @transform_7, window_bounds = array<i64: 1, 256>}, {pipeline_mode = #tpu.pipeline_mode<synchronous>, transform_indices = @transform_8, window_bounds = array<i64: 256, 128>}, {pipeline_mode = #tpu.pipeline_mode<synchronous>, transform_indices = @transform_9, window_bounds = array<i64: 1, 128>}, {pipeline_mode = #tpu.pipeline_mode<synchronous>, transform_indices = @transform_10, window_bounds = array<i64: 1, 128>}, {pipeline_mode = #tpu.pipeline_mode<synchronous>, transform_indices = @transform_11, window_bounds = array<i64: 1, 128>}, {transform_indices = @transform_12, window_bounds = array<i64: 2048, 1>}, {pipeline_mode = #tpu.pipeline_mode<synchronous>, transform_indices = @transform_13, window_bounds = array<i64: 640, 128>}, {transform_indices = @transform_14, window_bounds = array<i64: 2048, 128>}, {transform_indices = @transform_15, window_bounds = array<i64: 2048, 128>}]} {
    %get3A = arith.constant 0 : index
    %get3A_0 = arith.constant 0 : index
    %get3A_1 = vector.load %arg1[%get3A, %get3A_0] : memref<2048x128xf32, #tpu.memory_space<vmem>>, vector<2048x128xf32>
    %get3A_2 = arith.constant 0 : index
    %get3A_3 = arith.constant 0 : index
    %get3A_4 = vector.load %arg4[%get3A_2, %get3A_3] : memref<1x128xf32, #tpu.memory_space<vmem>>, vector<1x128xf32>
    %mul3A = vector.broadcast %get3A_4 : vector<1x128xf32> to vector<2048x128xf32>
    %mul3A_5 = arith.mulf %get3A_1, %mul3A : vector<2048x128xf32>
    %get3A_6 = arith.constant 0 : index
    %get3A_7 = arith.constant 0 : index
    %get3A_8 = vector.load %arg2[%get3A_6, %get3A_7] : memref<2048x128xf32, #tpu.memory_space<vmem>>, vector<2048x128xf32>
    %get3A_9 = arith.constant 0 : index
    %get3A_10 = arith.constant 0 : index
    %get3A_11 = vector.load %arg3[%get3A_9, %get3A_10] : memref<2048x128xf32, #tpu.memory_space<vmem>>, vector<2048x128xf32>
    %add3A = arith.addf %get3A_8, %get3A_11 : vector<2048x128xf32>
    %add3A_12 = arith.addf %mul3A_5, %add3A : vector<2048x128xf32>
    %get3A_13 = arith.constant 0 : index
    %get3A_14 = arith.constant 0 : index
    %get3A_15 = vector.load %arg5[%get3A_13, %get3A_14] : memref<128x256xf32, #tpu.memory_space<vmem>>, vector<128x256xf32>
    %dot_general3A = arith.constant dense<0.000000e+00> : vector<2048x256xf32>
    %dot_general3A_16 = tpu.matmul %add3A_12, %get3A_15, %dot_general3A {dimension_numbers = #tpu.dot_dimension_numbers<[1], [0], [0], [1], [0, 0, 1, 1], [], []>, transpose_lhs_hint = false} : vector<2048x128xf32>, vector<128x256xf32>, vector<2048x256xf32> -> vector<2048x256xf32>
    %get3A_17 = arith.constant 0 : index
    %get3A_18 = arith.constant 0 : index
    %get3A_19 = vector.load %arg6[%get3A_17, %get3A_18] : memref<1x256xf32, #tpu.memory_space<vmem>>, vector<1x256xf32>
    %add3A_20 = vector.broadcast %get3A_19 : vector<1x256xf32> to vector<2048x256xf32>
    %add3A_21 = arith.addf %dot_general3A_16, %add3A_20 : vector<2048x256xf32>
    %get3A_22 = arith.constant 0 : index
    %get3A_23 = arith.constant 0 : index
    %get3A_24 = vector.load %arg7[%get3A_22, %get3A_23] : memref<1x256xf32, #tpu.memory_space<vmem>>, vector<1x256xf32>
    %mul3A_25 = vector.broadcast %get3A_24 : vector<1x256xf32> to vector<2048x256xf32>
    %mul3A_26 = arith.mulf %add3A_21, %mul3A_25 : vector<2048x256xf32>
    %get3A_27 = arith.constant 0 : index
    %get3A_28 = arith.constant 0 : index
    %get3A_29 = vector.load %arg8[%get3A_27, %get3A_28] : memref<1x256xf32, #tpu.memory_space<vmem>>, vector<1x256xf32>
    %add3A_30 = vector.broadcast %get3A_29 : vector<1x256xf32> to vector<2048x256xf32>
    %add3A_31 = arith.addf %mul3A_26, %add3A_30 : vector<2048x256xf32>
    %max3A = arith.constant 0.000000e+00 : f32
    %max3A_32 = vector.broadcast %max3A : f32 to vector<2048x256xf32>
    %max3A_33 = arith.maximumf %add3A_31, %max3A_32 : vector<2048x256xf32>
    %get3A_34 = arith.constant 0 : index
    %get3A_35 = arith.constant 0 : index
    %get3A_36 = vector.load %arg9[%get3A_34, %get3A_35] : memref<256x128xf32, #tpu.memory_space<vmem>>, vector<256x128xf32>
    %dot_general3A_37 = arith.constant dense<0.000000e+00> : vector<2048x128xf32>
    %dot_general3A_38 = tpu.matmul %max3A_33, %get3A_36, %dot_general3A_37 {dimension_numbers = #tpu.dot_dimension_numbers<[1], [0], [0], [1], [0, 0, 1, 1], [], []>, transpose_lhs_hint = false} : vector<2048x256xf32>, vector<256x128xf32>, vector<2048x128xf32> -> vector<2048x128xf32>
    %get3A_39 = arith.constant 0 : index
    %get3A_40 = arith.constant 0 : index
    %get3A_41 = vector.load %arg10[%get3A_39, %get3A_40] : memref<1x128xf32, #tpu.memory_space<vmem>>, vector<1x128xf32>
    %add3A_42 = vector.broadcast %get3A_41 : vector<1x128xf32> to vector<2048x128xf32>
    %add3A_43 = arith.addf %dot_general3A_38, %add3A_42 : vector<2048x128xf32>
    %get3A_44 = arith.constant 0 : index
    %get3A_45 = arith.constant 0 : index
    %get3A_46 = vector.load %arg11[%get3A_44, %get3A_45] : memref<1x128xf32, #tpu.memory_space<vmem>>, vector<1x128xf32>
    %mul3A_47 = vector.broadcast %get3A_46 : vector<1x128xf32> to vector<2048x128xf32>
    %mul3A_48 = arith.mulf %add3A_43, %mul3A_47 : vector<2048x128xf32>
    %get3A_49 = arith.constant 0 : index
    %get3A_50 = arith.constant 0 : index
    %get3A_51 = vector.load %arg12[%get3A_49, %get3A_50] : memref<1x128xf32, #tpu.memory_space<vmem>>, vector<1x128xf32>
    %add3A_52 = vector.broadcast %get3A_51 : vector<1x128xf32> to vector<2048x128xf32>
    %add3A_53 = arith.addf %mul3A_48, %add3A_52 : vector<2048x128xf32>
    %max3A_54 = arith.constant 0.000000e+00 : f32
    %max3A_55 = vector.broadcast %max3A_54 : f32 to vector<2048x128xf32>
    %max3A_56 = arith.maximumf %add3A_53, %max3A_55 : vector<2048x128xf32>
    %get3A_57 = arith.constant 0 : index
    %get3A_58 = arith.constant 0 : index
    %get3A_59 = vector.load %arg13[%get3A_57, %get3A_58] : memref<2048x1xi32, #tpu.memory_space<vmem>>, vector<2048x1xi32>
    %iota3A = tpu.iota {dimensions = array<i32: 1>} : vector<1x640xi32>
    %eq3A = vector.broadcast %get3A_59 : vector<2048x1xi32> to vector<2048x640xi32>
    %eq3A_60 = vector.broadcast %iota3A : vector<1x640xi32> to vector<2048x640xi32>
    %eq3A_61 = arith.cmpi eq, %eq3A, %eq3A_60 : vector<2048x640xi32>
    %convert_element_type3A = arith.extui %eq3A_61 : vector<2048x640xi1> to vector<2048x640xi32>
    %convert_element_type3A_62 = arith.sitofp %convert_element_type3A : vector<2048x640xi32> to vector<2048x640xf32>
    %get3A_63 = arith.constant 0 : index
    %get3A_64 = arith.constant 0 : index
    %get3A_65 = vector.load %arg14[%get3A_63, %get3A_64] : memref<640x128xf32, #tpu.memory_space<vmem>>, vector<640x128xf32>
    %dot_general3A_66 = arith.constant dense<0.000000e+00> : vector<2048x128xf32>
    %dot_general3A_67 = tpu.matmul %convert_element_type3A_62, %get3A_65, %dot_general3A_66 {dimension_numbers = #tpu.dot_dimension_numbers<[1], [0], [0], [1], [0, 0, 1, 1], [], []>, transpose_lhs_hint = false} : vector<2048x640xf32>, vector<640x128xf32>, vector<2048x128xf32> -> vector<2048x128xf32>
    %add3A_68 = arith.addf %max3A_56, %dot_general3A_67 : vector<2048x128xf32>
    %swap3A = arith.constant 0 : index
    %swap3A_69 = arith.constant 0 : index
    %swap3A_70 = vector.load %arg15[%swap3A, %swap3A_69] : memref<2048x128xf32, #tpu.memory_space<vmem>>, vector<2048x128xf32>
    tpu.vector_store %arg15[%swap3A, %swap3A_69], %add3A_68 {strides = array<i32>} : memref<2048x128xf32, #tpu.memory_space<vmem>>, vector<2048x128xf32>,
    %max3A_71 = arith.constant 0.000000e+00 : f32
    %max3A_72 = vector.broadcast %max3A_71 : f32 to vector<2048x128xf32>
    %max3A_73 = arith.maximumf %add3A_68, %max3A_72 : vector<2048x128xf32>
    %swap3A_74 = arith.constant 0 : index
    %swap3A_75 = arith.constant 0 : index
    %swap3A_76 = vector.load %arg16[%swap3A_74, %swap3A_75] : memref<2048x128xf32, #tpu.memory_space<vmem>>, vector<2048x128xf32>
    tpu.vector_store %arg16[%swap3A_74, %swap3A_75], %max3A_73 {strides = array<i32>} : memref<2048x128xf32, #tpu.memory_space<vmem>>, vector<2048x128xf32>,
    return
  }
  func.func @transform_0(%arg0: i32) -> (i32, i32) {
    %c0_i32 = arith.constant 0 : i32
    %c0_i32_0 = arith.constant 0 : i32
    return %arg0, %c0_i32 : i32, i32
  }
  func.func @transform_1(%arg0: i32) -> (i32, i32) {
    %c0_i32 = arith.constant 0 : i32
    %c0_i32_0 = arith.constant 0 : i32
    return %arg0, %c0_i32 : i32, i32
  }
  func.func @transform_2(%arg0: i32) -> (i32, i32) {
    %c0_i32 = arith.constant 0 : i32
    %c0_i32_0 = arith.constant 0 : i32
    return %arg0, %c0_i32 : i32, i32
  }
  func.func @transform_3(%arg0: i32) -> (i32, i32) {
    %c0_i32 = arith.constant 0 : i32
    %c0_i32_0 = arith.constant 0 : i32
    %c0_i32_1 = arith.constant 0 : i32
    return %c0_i32, %c0_i32_0 : i32, i32
  }
  func.func @transform_4(%arg0: i32) -> (i32, i32) {
    %c0_i32 = arith.constant 0 : i32
    %c0_i32_0 = arith.constant 0 : i32
    %c0_i32_1 = arith.constant 0 : i32
    return %c0_i32, %c0_i32_0 : i32, i32
  }
  func.func @transform_5(%arg0: i32) -> (i32, i32) {
    %c0_i32 = arith.constant 0 : i32
    %c0_i32_0 = arith.constant 0 : i32
    %c0_i32_1 = arith.constant 0 : i32
    return %c0_i32, %c0_i32_0 : i32, i32
  }
  func.func @transform_6(%arg0: i32) -> (i32, i32) {
    %c0_i32 = arith.constant 0 : i32
    %c0_i32_0 = arith.constant 0 : i32
    %c0_i32_1 = arith.constant 0 : i32
    return %c0_i32, %c0_i32_0 : i32, i32
  }
  func.func @transform_7(%arg0: i32) -> (i32, i32) {
    %c0_i32 = arith.constant 0 : i32
    %c0_i32_0 = arith.constant 0 : i32
    %c0_i32_1 = arith.constant 0 : i32
    return %c0_i32, %c0_i32_0 : i32, i32
  }
  func.func @transform_8(%arg0: i32) -> (i32, i32) {
    %c0_i32 = arith.constant 0 : i32
    %c0_i32_0 = arith.constant 0 : i32
    %c0_i32_1 = arith.constant 0 : i32
    return %c0_i32, %c0_i32_0 : i32, i32
  }
  func.func @transform_9(%arg0: i32) -> (i32, i32) {
    %c0_i32 = arith.constant 0 : i32
    %c0_i32_0 = arith.constant 0 : i32
    %c0_i32_1 = arith.constant 0 : i32
    return %c0_i32, %c0_i32_0 : i32, i32
  }
  func.func @transform_10(%arg0: i32) -> (i32, i32) {
    %c0_i32 = arith.constant 0 : i32
    %c0_i32_0 = arith.constant 0 : i32
    %c0_i32_1 = arith.constant 0 : i32
    return %c0_i32, %c0_i32_0 : i32, i32
  }
  func.func @transform_11(%arg0: i32) -> (i32, i32) {
    %c0_i32 = arith.constant 0 : i32
    %c0_i32_0 = arith.constant 0 : i32
    %c0_i32_1 = arith.constant 0 : i32
    return %c0_i32, %c0_i32_0 : i32, i32
  }
  func.func @transform_12(%arg0: i32) -> (i32, i32) {
    %c0_i32 = arith.constant 0 : i32
    %c0_i32_0 = arith.constant 0 : i32
    return %arg0, %c0_i32 : i32, i32
  }
  func.func @transform_13(%arg0: i32) -> (i32, i32) {
    %c0_i32 = arith.constant 0 : i32
    %c0_i32_0 = arith.constant 0 : i32
    %c0_i32_1 = arith.constant 0 : i32
    return %c0_i32, %c0_i32_0 : i32, i32
  }
  func.func @transform_14(%arg0: i32) -> (i32, i32) {
    %c0_i32 = arith.constant 0 : i32
    %c0_i32_0 = arith.constant 0 : i32
    return %arg0, %c0_i32 : i32, i32
  }
  func.func @transform_15(%arg0: i32) -> (i32, i32) {
    %c0_i32 = arith.constant 0 : i32
    %c0_i32_0 = arith.constant 0 : i32
    return %arg0, %c0_i32 : i32, i32
  }
}

module attributes {stable_mosaic.version = 14 : i64} {
  func.func @_mlp_head_body(%arg0: i32, %arg1: memref<2048x128xf32, #tpu.memory_space<vmem>>, %arg2: memref<2048x128xf32, #tpu.memory_space<vmem>>, %arg3: memref<2048x128xf32, #tpu.memory_space<vmem>>, %arg4: memref<1x128xf32, #tpu.memory_space<vmem>>, %arg5: memref<128x256xf32, #tpu.memory_space<vmem>>, %arg6: memref<1x256xf32, #tpu.memory_space<vmem>>, %arg7: memref<1x256xf32, #tpu.memory_space<vmem>>, %arg8: memref<1x256xf32, #tpu.memory_space<vmem>>, %arg9: memref<256x128xf32, #tpu.memory_space<vmem>>, %arg10: memref<1x128xf32, #tpu.memory_space<vmem>>, %arg11: memref<1x128xf32, #tpu.memory_space<vmem>>, %arg12: memref<1x128xf32, #tpu.memory_space<vmem>>, %arg13: memref<2048x1xi32, #tpu.memory_space<vmem>>, %arg14: memref<1x128xf32, #tpu.memory_space<vmem>>, %arg15: memref<1x128xf32, #tpu.memory_space<vmem>>, %arg16: memref<128x128xf32, #tpu.memory_space<vmem>>, %arg17: memref<1x128xf32, #tpu.memory_space<vmem>>, %arg18: memref<512x128xf32, #tpu.memory_space<vmem>>, %arg19: memref<512x128xf32, #tpu.memory_space<vmem>>, %arg20: memref<512x128xf32, #tpu.memory_space<vmem>>, %arg21: memref<512x1xf32, #tpu.memory_space<vmem>>) attributes {dimension_semantics = [#tpu.dimension_semantics<arbitrary>], iteration_bounds = array<i64: 5>, scalar_prefetch = 0 : i64, scratch_operands = 2 : i64, tpu.core_type = #tpu.core_type<tc>, window_params = [{transform_indices = @transform_0, window_bounds = array<i64: 2048, 128>}, {transform_indices = @transform_1, window_bounds = array<i64: 2048, 128>}, {transform_indices = @transform_2, window_bounds = array<i64: 2048, 128>}, {pipeline_mode = #tpu.pipeline_mode<synchronous>, transform_indices = @transform_3, window_bounds = array<i64: 1, 128>}, {pipeline_mode = #tpu.pipeline_mode<synchronous>, transform_indices = @transform_4, window_bounds = array<i64: 128, 256>}, {pipeline_mode = #tpu.pipeline_mode<synchronous>, transform_indices = @transform_5, window_bounds = array<i64: 1, 256>}, {pipeline_mode = #tpu.pipeline_mode<synchronous>, transform_indices = @transform_6, window_bounds = array<i64: 1, 256>}, {pipeline_mode = #tpu.pipeline_mode<synchronous>, transform_indices = @transform_7, window_bounds = array<i64: 1, 256>}, {pipeline_mode = #tpu.pipeline_mode<synchronous>, transform_indices = @transform_8, window_bounds = array<i64: 256, 128>}, {pipeline_mode = #tpu.pipeline_mode<synchronous>, transform_indices = @transform_9, window_bounds = array<i64: 1, 128>}, {pipeline_mode = #tpu.pipeline_mode<synchronous>, transform_indices = @transform_10, window_bounds = array<i64: 1, 128>}, {pipeline_mode = #tpu.pipeline_mode<synchronous>, transform_indices = @transform_11, window_bounds = array<i64: 1, 128>}, {transform_indices = @transform_12, window_bounds = array<i64: 2048, 1>}, {pipeline_mode = #tpu.pipeline_mode<synchronous>, transform_indices = @transform_13, window_bounds = array<i64: 1, 128>}, {pipeline_mode = #tpu.pipeline_mode<synchronous>, transform_indices = @transform_14, window_bounds = array<i64: 1, 128>}, {pipeline_mode = #tpu.pipeline_mode<synchronous>, transform_indices = @transform_15, window_bounds = array<i64: 128, 128>}, {pipeline_mode = #tpu.pipeline_mode<synchronous>, transform_indices = @transform_16, window_bounds = array<i64: 1, 128>}, {pipeline_mode = #tpu.pipeline_mode<synchronous>, transform_indices = @transform_17, window_bounds = array<i64: 512, 128>}, {pipeline_mode = #tpu.pipeline_mode<synchronous>, transform_indices = @transform_18, window_bounds = array<i64: 512, 128>}]} {
    %eq3A = arith.constant 0 : i32
    %eq3A_0 = arith.cmpi eq, %arg0, %eq3A : i32
    %convert_element_type3A = arith.extui %eq3A_0 : i1 to i32
    %cond3A = arith.constant 0 : i32
    %cond3A_1 = arith.cmpi ne, %convert_element_type3A, %cond3A : i32
    scf.if %cond3A_1 {
      %broadcast_in_dim3A_87 = arith.constant 0.000000e+00 : f32
      %broadcast_in_dim3A_88 = vector.broadcast %broadcast_in_dim3A_87 : f32 to vector<512x128xf32>
      %swap3A_89 = arith.constant 0 : index
      %swap3A_90 = arith.constant 0 : index
      %swap3A_91 = vector.load %arg20[%swap3A_89, %swap3A_90] : memref<512x128xf32, #tpu.memory_space<vmem>>, vector<512x128xf32>
      tpu.vector_store %arg20[%swap3A_89, %swap3A_90], %broadcast_in_dim3A_88 {strides = array<i32>} : memref<512x128xf32, #tpu.memory_space<vmem>>, vector<512x128xf32>,
      %broadcast_in_dim3A_92 = arith.constant 0.000000e+00 : f32
      %broadcast_in_dim3A_93 = vector.broadcast %broadcast_in_dim3A_92 : f32 to vector<512x1xf32>
      %swap3A_94 = arith.constant 0 : index
      %swap3A_95 = arith.constant 0 : index
      %swap3A_96 = vector.load %arg21[%swap3A_94, %swap3A_95] : memref<512x1xf32, #tpu.memory_space<vmem>>, vector<512x1xf32>
      tpu.vector_store %arg21[%swap3A_94, %swap3A_95], %broadcast_in_dim3A_93 {strides = array<i32>} : memref<512x1xf32, #tpu.memory_space<vmem>>, vector<512x1xf32>,
    } else {
    }
    %get3A = arith.constant 0 : index
    %get3A_2 = arith.constant 0 : index
    %get3A_3 = vector.load %arg1[%get3A, %get3A_2] : memref<2048x128xf32, #tpu.memory_space<vmem>>, vector<2048x128xf32>
    %get3A_4 = arith.constant 0 : index
    %get3A_5 = arith.constant 0 : index
    %get3A_6 = vector.load %arg4[%get3A_4, %get3A_5] : memref<1x128xf32, #tpu.memory_space<vmem>>, vector<1x128xf32>
    %mul3A = vector.broadcast %get3A_6 : vector<1x128xf32> to vector<2048x128xf32>
    %mul3A_7 = arith.mulf %get3A_3, %mul3A : vector<2048x128xf32>
    %get3A_8 = arith.constant 0 : index
    %get3A_9 = arith.constant 0 : index
    %get3A_10 = vector.load %arg2[%get3A_8, %get3A_9] : memref<2048x128xf32, #tpu.memory_space<vmem>>, vector<2048x128xf32>
    %get3A_11 = arith.constant 0 : index
    %get3A_12 = arith.constant 0 : index
    %get3A_13 = vector.load %arg3[%get3A_11, %get3A_12] : memref<2048x128xf32, #tpu.memory_space<vmem>>, vector<2048x128xf32>
    %add3A = arith.addf %get3A_10, %get3A_13 : vector<2048x128xf32>
    %add3A_14 = arith.addf %mul3A_7, %add3A : vector<2048x128xf32>
    %get3A_15 = arith.constant 0 : index
    %get3A_16 = arith.constant 0 : index
    %get3A_17 = vector.load %arg5[%get3A_15, %get3A_16] : memref<128x256xf32, #tpu.memory_space<vmem>>, vector<128x256xf32>
    %dot_general3A = arith.constant dense<0.000000e+00> : vector<2048x256xf32>
    %dot_general3A_18 = tpu.matmul %add3A_14, %get3A_17, %dot_general3A {dimension_numbers = #tpu.dot_dimension_numbers<[1], [0], [0], [1], [0, 0, 1, 1], [], []>, transpose_lhs_hint = false} : vector<2048x128xf32>, vector<128x256xf32>, vector<2048x256xf32> -> vector<2048x256xf32>
    %get3A_19 = arith.constant 0 : index
    %get3A_20 = arith.constant 0 : index
    %get3A_21 = vector.load %arg6[%get3A_19, %get3A_20] : memref<1x256xf32, #tpu.memory_space<vmem>>, vector<1x256xf32>
    %add3A_22 = vector.broadcast %get3A_21 : vector<1x256xf32> to vector<2048x256xf32>
    %add3A_23 = arith.addf %dot_general3A_18, %add3A_22 : vector<2048x256xf32>
    %get3A_24 = arith.constant 0 : index
    %get3A_25 = arith.constant 0 : index
    %get3A_26 = vector.load %arg7[%get3A_24, %get3A_25] : memref<1x256xf32, #tpu.memory_space<vmem>>, vector<1x256xf32>
    %mul3A_27 = vector.broadcast %get3A_26 : vector<1x256xf32> to vector<2048x256xf32>
    %mul3A_28 = arith.mulf %add3A_23, %mul3A_27 : vector<2048x256xf32>
    %get3A_29 = arith.constant 0 : index
    %get3A_30 = arith.constant 0 : index
    %get3A_31 = vector.load %arg8[%get3A_29, %get3A_30] : memref<1x256xf32, #tpu.memory_space<vmem>>, vector<1x256xf32>
    %add3A_32 = vector.broadcast %get3A_31 : vector<1x256xf32> to vector<2048x256xf32>
    %add3A_33 = arith.addf %mul3A_28, %add3A_32 : vector<2048x256xf32>
    %max3A = arith.constant 0.000000e+00 : f32
    %max3A_34 = vector.broadcast %max3A : f32 to vector<2048x256xf32>
    %max3A_35 = arith.maximumf %add3A_33, %max3A_34 : vector<2048x256xf32>
    %get3A_36 = arith.constant 0 : index
    %get3A_37 = arith.constant 0 : index
    %get3A_38 = vector.load %arg9[%get3A_36, %get3A_37] : memref<256x128xf32, #tpu.memory_space<vmem>>, vector<256x128xf32>
    %dot_general3A_39 = arith.constant dense<0.000000e+00> : vector<2048x128xf32>
    %dot_general3A_40 = tpu.matmul %max3A_35, %get3A_38, %dot_general3A_39 {dimension_numbers = #tpu.dot_dimension_numbers<[1], [0], [0], [1], [0, 0, 1, 1], [], []>, transpose_lhs_hint = false} : vector<2048x256xf32>, vector<256x128xf32>, vector<2048x128xf32> -> vector<2048x128xf32>
    %get3A_41 = arith.constant 0 : index
    %get3A_42 = arith.constant 0 : index
    %get3A_43 = vector.load %arg10[%get3A_41, %get3A_42] : memref<1x128xf32, #tpu.memory_space<vmem>>, vector<1x128xf32>
    %add3A_44 = vector.broadcast %get3A_43 : vector<1x128xf32> to vector<2048x128xf32>
    %add3A_45 = arith.addf %dot_general3A_40, %add3A_44 : vector<2048x128xf32>
    %get3A_46 = arith.constant 0 : index
    %get3A_47 = arith.constant 0 : index
    %get3A_48 = vector.load %arg11[%get3A_46, %get3A_47] : memref<1x128xf32, #tpu.memory_space<vmem>>, vector<1x128xf32>
    %mul3A_49 = vector.broadcast %get3A_48 : vector<1x128xf32> to vector<2048x128xf32>
    %mul3A_50 = arith.mulf %add3A_45, %mul3A_49 : vector<2048x128xf32>
    %get3A_51 = arith.constant 0 : index
    %get3A_52 = arith.constant 0 : index
    %get3A_53 = vector.load %arg12[%get3A_51, %get3A_52] : memref<1x128xf32, #tpu.memory_space<vmem>>, vector<1x128xf32>
    %add3A_54 = vector.broadcast %get3A_53 : vector<1x128xf32> to vector<2048x128xf32>
    %add3A_55 = arith.addf %mul3A_50, %add3A_54 : vector<2048x128xf32>
    %get3A_56 = arith.constant 0 : index
    %get3A_57 = arith.constant 0 : index
    %get3A_58 = vector.load %arg13[%get3A_56, %get3A_57] : memref<2048x1xi32, #tpu.memory_space<vmem>>, vector<2048x1xi32>
    %iota3A = tpu.iota {dimensions = array<i32: 1>} : vector<1x512xi32>
    %eq3A_59 = vector.broadcast %get3A_58 : vector<2048x1xi32> to vector<2048x512xi32>
    %eq3A_60 = vector.broadcast %iota3A : vector<1x512xi32> to vector<2048x512xi32>
    %eq3A_61 = arith.cmpi eq, %eq3A_59, %eq3A_60 : vector<2048x512xi32>
    %convert_element_type3A_62 = arith.extui %eq3A_61 : vector<2048x512xi1> to vector<2048x512xi32>
    %convert_element_type3A_63 = arith.sitofp %convert_element_type3A_62 : vector<2048x512xi32> to vector<2048x512xf32>
    %get3A_64 = arith.constant 0 : index
    %get3A_65 = arith.constant 0 : index
    %get3A_66 = vector.load %arg20[%get3A_64, %get3A_65] : memref<512x128xf32, #tpu.memory_space<vmem>>, vector<512x128xf32>
    %dot_general3A_67 = arith.constant dense<0.000000e+00> : vector<512x128xf32>
    %dot_general3A_68 = tpu.matmul %convert_element_type3A_63, %add3A_55, %dot_general3A_67 {dimension_numbers = #tpu.dot_dimension_numbers<[0], [0], [1], [1], [0, 1, 1, 1], [], []>, transpose_lhs_hint = false} : vector<2048x512xf32>, vector<2048x128xf32>, vector<512x128xf32> -> vector<512x128xf32>
    %add3A_69 = arith.addf %get3A_66, %dot_general3A_68 : vector<512x128xf32>
    %swap3A = arith.constant 0 : index
    %swap3A_70 = arith.constant 0 : index
    %swap3A_71 = vector.load %arg20[%swap3A, %swap3A_70] : memref<512x128xf32, #tpu.memory_space<vmem>>, vector<512x128xf32>
    tpu.vector_store %arg20[%swap3A, %swap3A_70], %add3A_69 {strides = array<i32>} : memref<512x128xf32, #tpu.memory_space<vmem>>, vector<512x128xf32>,
    %get3A_72 = arith.constant 0 : index
    %get3A_73 = arith.constant 0 : index
    %get3A_74 = vector.load %arg21[%get3A_72, %get3A_73] : memref<512x1xf32, #tpu.memory_space<vmem>>, vector<512x1xf32>
    %broadcast_in_dim3A = arith.constant 1.000000e+00 : f32
    %broadcast_in_dim3A_75 = vector.broadcast %broadcast_in_dim3A : f32 to vector<2048x1xf32>
    %dot_general3A_76 = arith.constant dense<0.000000e+00> : vector<512x1xf32>
    %dot_general3A_77 = tpu.matmul %convert_element_type3A_63, %broadcast_in_dim3A_75, %dot_general3A_76 {dimension_numbers = #tpu.dot_dimension_numbers<[0], [0], [1], [1], [0, 1, 1, 1], [], []>, transpose_lhs_hint = false} : vector<2048x512xf32>, vector<2048x1xf32>, vector<512x1xf32> -> vector<512x1xf32>
    %add3A_78 = arith.addf %get3A_74, %dot_general3A_77 : vector<512x1xf32>
    %swap3A_79 = arith.constant 0 : index
    %swap3A_80 = arith.constant 0 : index
    %swap3A_81 = vector.load %arg21[%swap3A_79, %swap3A_80] : memref<512x1xf32, #tpu.memory_space<vmem>>, vector<512x1xf32>
    tpu.vector_store %arg21[%swap3A_79, %swap3A_80], %add3A_78 {strides = array<i32>} : memref<512x1xf32, #tpu.memory_space<vmem>>, vector<512x1xf32>,
    %eq3A_82 = arith.constant 4 : i32
    %eq3A_83 = arith.cmpi eq, %arg0, %eq3A_82 : i32
    %convert_element_type3A_84 = arith.extui %eq3A_83 : i1 to i32
    %cond3A_85 = arith.constant 0 : i32
    %cond3A_86 = arith.cmpi ne, %convert_element_type3A_84, %cond3A_85 : i32
    scf.if %cond3A_86 {
      %get3A_87 = arith.constant 0 : index
      %get3A_88 = arith.constant 0 : index
      %get3A_89 = vector.load %arg20[%get3A_87, %get3A_88] : memref<512x128xf32, #tpu.memory_space<vmem>>, vector<512x128xf32>
      %get3A_90 = arith.constant 0 : index
      %get3A_91 = arith.constant 0 : index
      %get3A_92 = vector.load %arg21[%get3A_90, %get3A_91] : memref<512x1xf32, #tpu.memory_space<vmem>>, vector<512x1xf32>
      %max3A_93 = arith.constant 1.000000e+00 : f32
      %max3A_94 = vector.broadcast %max3A_93 : f32 to vector<512x1xf32>
      %max3A_95 = arith.maximumf %get3A_92, %max3A_94 : vector<512x1xf32>
      %div3A = vector.broadcast %max3A_95 : vector<512x1xf32> to vector<512x128xf32>
      %div3A_96 = arith.divf %get3A_89, %div3A : vector<512x128xf32>
      %reduce_sum3A = arith.constant dense<0.000000e+00> : vector<512xf32>
      %reduce_sum3A_97 = vector.multi_reduction <add>, %div3A_96, %reduce_sum3A [1] : vector<512x128xf32> to vector<512xf32>
      %broadcast_in_dim3A_98 = vector.shape_cast %reduce_sum3A_97 : vector<512xf32> to vector<512x1xf32>
      %div3A_99 = arith.constant 1.280000e+02 : f32
      %div3A_100 = vector.broadcast %div3A_99 : f32 to vector<512x1xf32>
      %div3A_101 = arith.divf %broadcast_in_dim3A_98, %div3A_100 : vector<512x1xf32>
      %sub3A = vector.broadcast %div3A_101 : vector<512x1xf32> to vector<512x128xf32>
      %sub3A_102 = arith.subf %div3A_96, %sub3A : vector<512x128xf32>
      %integer_pow3A = arith.mulf %sub3A_102, %sub3A_102 : vector<512x128xf32>
      %reduce_sum3A_103 = arith.constant dense<0.000000e+00> : vector<512xf32>
      %reduce_sum3A_104 = vector.multi_reduction <add>, %integer_pow3A, %reduce_sum3A_103 [1] : vector<512x128xf32> to vector<512xf32>
      %broadcast_in_dim3A_105 = vector.shape_cast %reduce_sum3A_104 : vector<512xf32> to vector<512x1xf32>
      %div3A_106 = arith.constant 1.280000e+02 : f32
      %div3A_107 = vector.broadcast %div3A_106 : f32 to vector<512x1xf32>
      %div3A_108 = arith.divf %broadcast_in_dim3A_105, %div3A_107 : vector<512x1xf32>
      %sub3A_109 = vector.broadcast %div3A_101 : vector<512x1xf32> to vector<512x128xf32>
      %sub3A_110 = arith.subf %div3A_96, %sub3A_109 : vector<512x128xf32>
      %add3A_111 = arith.constant 9.99999974E-6 : f32
      %add3A_112 = vector.broadcast %add3A_111 : f32 to vector<512x1xf32>
      %add3A_113 = arith.addf %div3A_108, %add3A_112 : vector<512x1xf32>
      %sqrt3A = math.sqrt %add3A_113 : vector<512x1xf32>
      %div3A_114 = vector.broadcast %sqrt3A : vector<512x1xf32> to vector<512x128xf32>
      %div3A_115 = arith.divf %sub3A_110, %div3A_114 : vector<512x128xf32>
      %get3A_116 = arith.constant 0 : index
      %get3A_117 = arith.constant 0 : index
      %get3A_118 = vector.load %arg14[%get3A_116, %get3A_117] : memref<1x128xf32, #tpu.memory_space<vmem>>, vector<1x128xf32>
      %mul3A_119 = vector.broadcast %get3A_118 : vector<1x128xf32> to vector<512x128xf32>
      %mul3A_120 = arith.mulf %div3A_115, %mul3A_119 : vector<512x128xf32>
      %get3A_121 = arith.constant 0 : index
      %get3A_122 = arith.constant 0 : index
      %get3A_123 = vector.load %arg15[%get3A_121, %get3A_122] : memref<1x128xf32, #tpu.memory_space<vmem>>, vector<1x128xf32>
      %add3A_124 = vector.broadcast %get3A_123 : vector<1x128xf32> to vector<512x128xf32>
      %add3A_125 = arith.addf %mul3A_120, %add3A_124 : vector<512x128xf32>
      %swap3A_126 = arith.constant 0 : index
      %swap3A_127 = arith.constant 0 : index
      %swap3A_128 = vector.load %arg19[%swap3A_126, %swap3A_127] : memref<512x128xf32, #tpu.memory_space<vmem>>, vector<512x128xf32>
      tpu.vector_store %arg19[%swap3A_126, %swap3A_127], %add3A_125 {strides = array<i32>} : memref<512x128xf32, #tpu.memory_space<vmem>>, vector<512x128xf32>,
      %get3A_129 = arith.constant 0 : index
      %get3A_130 = arith.constant 0 : index
      %get3A_131 = vector.load %arg16[%get3A_129, %get3A_130] : memref<128x128xf32, #tpu.memory_space<vmem>>, vector<128x128xf32>
      %dot_general3A_132 = arith.constant dense<0.000000e+00> : vector<512x128xf32>
      %dot_general3A_133 = tpu.matmul %add3A_125, %get3A_131, %dot_general3A_132 {dimension_numbers = #tpu.dot_dimension_numbers<[1], [0], [0], [1], [0, 0, 1, 1], [], []>, transpose_lhs_hint = false} : vector<512x128xf32>, vector<128x128xf32>, vector<512x128xf32> -> vector<512x128xf32>
      %get3A_134 = arith.constant 0 : index
      %get3A_135 = arith.constant 0 : index
      %get3A_136 = vector.load %arg17[%get3A_134, %get3A_135] : memref<1x128xf32, #tpu.memory_space<vmem>>, vector<1x128xf32>
      %add3A_137 = vector.broadcast %get3A_136 : vector<1x128xf32> to vector<512x128xf32>
      %add3A_138 = arith.addf %dot_general3A_133, %add3A_137 : vector<512x128xf32>
      %swap3A_139 = arith.constant 0 : index
      %swap3A_140 = arith.constant 0 : index
      %swap3A_141 = vector.load %arg18[%swap3A_139, %swap3A_140] : memref<512x128xf32, #tpu.memory_space<vmem>>, vector<512x128xf32>
      tpu.vector_store %arg18[%swap3A_139, %swap3A_140], %add3A_138 {strides = array<i32>} : memref<512x128xf32, #tpu.memory_space<vmem>>, vector<512x128xf32>,
    } else {
    }
    return
  }
  func.func @transform_0(%arg0: i32) -> (i32, i32) {
    %c0_i32 = arith.constant 0 : i32
    %c0_i32_0 = arith.constant 0 : i32
    return %arg0, %c0_i32 : i32, i32
  }
  func.func @transform_1(%arg0: i32) -> (i32, i32) {
    %c0_i32 = arith.constant 0 : i32
    %c0_i32_0 = arith.constant 0 : i32
    return %arg0, %c0_i32 : i32, i32
  }
  func.func @transform_2(%arg0: i32) -> (i32, i32) {
    %c0_i32 = arith.constant 0 : i32
    %c0_i32_0 = arith.constant 0 : i32
    return %arg0, %c0_i32 : i32, i32
  }
  func.func @transform_3(%arg0: i32) -> (i32, i32) {
    %c0_i32 = arith.constant 0 : i32
    %c0_i32_0 = arith.constant 0 : i32
    %c0_i32_1 = arith.constant 0 : i32
    return %c0_i32, %c0_i32_0 : i32, i32
  }
  func.func @transform_4(%arg0: i32) -> (i32, i32) {
    %c0_i32 = arith.constant 0 : i32
    %c0_i32_0 = arith.constant 0 : i32
    %c0_i32_1 = arith.constant 0 : i32
    return %c0_i32, %c0_i32_0 : i32, i32
  }
  func.func @transform_5(%arg0: i32) -> (i32, i32) {
    %c0_i32 = arith.constant 0 : i32
    %c0_i32_0 = arith.constant 0 : i32
    %c0_i32_1 = arith.constant 0 : i32
    return %c0_i32, %c0_i32_0 : i32, i32
  }
  func.func @transform_6(%arg0: i32) -> (i32, i32) {
    %c0_i32 = arith.constant 0 : i32
    %c0_i32_0 = arith.constant 0 : i32
    %c0_i32_1 = arith.constant 0 : i32
    return %c0_i32, %c0_i32_0 : i32, i32
  }
  func.func @transform_7(%arg0: i32) -> (i32, i32) {
    %c0_i32 = arith.constant 0 : i32
    %c0_i32_0 = arith.constant 0 : i32
    %c0_i32_1 = arith.constant 0 : i32
    return %c0_i32, %c0_i32_0 : i32, i32
  }
  func.func @transform_8(%arg0: i32) -> (i32, i32) {
    %c0_i32 = arith.constant 0 : i32
    %c0_i32_0 = arith.constant 0 : i32
    %c0_i32_1 = arith.constant 0 : i32
    return %c0_i32, %c0_i32_0 : i32, i32
  }
  func.func @transform_9(%arg0: i32) -> (i32, i32) {
    %c0_i32 = arith.constant 0 : i32
    %c0_i32_0 = arith.constant 0 : i32
    %c0_i32_1 = arith.constant 0 : i32
    return %c0_i32, %c0_i32_0 : i32, i32
  }
  func.func @transform_10(%arg0: i32) -> (i32, i32) {
    %c0_i32 = arith.constant 0 : i32
    %c0_i32_0 = arith.constant 0 : i32
    %c0_i32_1 = arith.constant 0 : i32
    return %c0_i32, %c0_i32_0 : i32, i32
  }
  func.func @transform_11(%arg0: i32) -> (i32, i32) {
    %c0_i32 = arith.constant 0 : i32
    %c0_i32_0 = arith.constant 0 : i32
    %c0_i32_1 = arith.constant 0 : i32
    return %c0_i32, %c0_i32_0 : i32, i32
  }
  func.func @transform_12(%arg0: i32) -> (i32, i32) {
    %c0_i32 = arith.constant 0 : i32
    %c0_i32_0 = arith.constant 0 : i32
    return %arg0, %c0_i32 : i32, i32
  }
  func.func @transform_13(%arg0: i32) -> (i32, i32) {
    %c0_i32 = arith.constant 0 : i32
    %c0_i32_0 = arith.constant 0 : i32
    %c0_i32_1 = arith.constant 0 : i32
    return %c0_i32, %c0_i32_0 : i32, i32
  }
  func.func @transform_14(%arg0: i32) -> (i32, i32) {
    %c0_i32 = arith.constant 0 : i32
    %c0_i32_0 = arith.constant 0 : i32
    %c0_i32_1 = arith.constant 0 : i32
    return %c0_i32, %c0_i32_0 : i32, i32
  }
  func.func @transform_15(%arg0: i32) -> (i32, i32) {
    %c0_i32 = arith.constant 0 : i32
    %c0_i32_0 = arith.constant 0 : i32
    %c0_i32_1 = arith.constant 0 : i32
    return %c0_i32, %c0_i32_0 : i32, i32
  }
  func.func @transform_16(%arg0: i32) -> (i32, i32) {
    %c0_i32 = arith.constant 0 : i32
    %c0_i32_0 = arith.constant 0 : i32
    %c0_i32_1 = arith.constant 0 : i32
    return %c0_i32, %c0_i32_0 : i32, i32
  }
  func.func @transform_17(%arg0: i32) -> (i32, i32) {
    %c0_i32 = arith.constant 0 : i32
    %c0_i32_0 = arith.constant 0 : i32
    %c0_i32_1 = arith.constant 0 : i32
    return %c0_i32, %c0_i32_0 : i32, i32
  }
  func.func @transform_18(%arg0: i32) -> (i32, i32) {
    %c0_i32 = arith.constant 0 : i32
    %c0_i32_0 = arith.constant 0 : i32
    %c0_i32_1 = arith.constant 0 : i32
    return %c0_i32, %c0_i32_0 : i32, i32
  }
}

</mosaic_0001>

<sc_bundles>
// kernel: kernel.17.cloned.1.call-start
scs
__scs_entry_jumppad:
0x0: {  	(pc) =	sbr.rel $0x88, $3  }
0x1: {  	(tag) =	ssettag $0x0;
	lr =	simm.s32 $0x1  }
0x2: {  	[smem:$0x3F4B] =	sst lr;
	_ =	strace $0xD0000000  }
0x3: {  	_ = 	snop  }
0x4: {  	_ = 	snop  }
0x5: {  	_ = 	snop  }
0x6: {  	_ = 	snop  }
0x7: {  	_ = 	snop  }
__scs_overlays_trampoline_lowered:
0x8: {  	[smem:$0x3F5A] =	sst s0  }
0x9: {  	[smem:$0x3F5B] =	sst s1  }
0xa: {  	[smem:$0x3F5C] =	sst s2  }
0xb: {  	[smem:$0x3F5D] =	sst s3  }
0xc: {  	[smem:$0x3F5E] =	sst s4  }
0xd: {  	[smem:$0x3F5F] =	sst s5  }
0xe: {  	[smem:$0x3F60] =	sst s6  }
0xf: {  	[smem:$0x3F61] =	sst s7  }
0x10: {  	[smem:$0x3F62] =	sst s8  }
0x11: {  	[smem:$0x3F63] =	sst s9;
	s0 =	simm.s32 @!p0 $0x0  }
0x12: {  	s1 =	sld [smem:$0x3F49];
	s0 =	simm.s32 @p0 $0x1  }
0x13: {  	[smem:$0x3F64] =	sst s0;
	s0 =	simm.s32 @!p1 $0x0  }
0x14: {  	s2 =	sld [smem:$0x3F48];
	s0 =	simm.s32 @p1 $0x1  }
0x15: {  	[smem:$0x3F65] =	sst s0;
	s0 =	simm.s32 @!p2 $0x0  }
0x16: {  	s3 =	sld [smem:$0x3FDB];
	s0 =	simm.s32 @p2 $0x1  }
0x17: {  	s4 =	simm.s32 $0x1BF5;
	[smem:$0x3F67] =	sst s0  }
0x18: {  	s0 =	sld [smem:$0x3F4A];
	_ =	swait.ge [sflag:s4], $0x0  }
0x19: {  	s7 =	sld [smem:$0x3F4B]  }
0x1a: {  	s8 =	sadd.s32 $0xFFFFE003, lr  }
0x1b: {  	s9 =	sadd.s32 $0xFFFFFEF7, lr;
	s5 =	simm.s32 $0xFFFFFFFF;
	p2 =	slt.u32 s8, $0xFFFFF086  }
0x1c: {  	p1 =	slt.u32 s9, $0xF7A;
	s5 =	simm.s32 @!p2 $0x0  }
0x1d: {  	s5 =	simm.s32 @p1 $0x1;
	p0 =	seq.s32 s7, s2  }
0x1e: {  	s7 =	smul.u32 @!p0 $0xF7A, s2;
	p2 =	seq.s32 @!p0 s5, $0x0  }
0x1f: {  	s9 =	smul.u32 $0xF7A, s1;
	s8 =	simm.s32 @!p0 $0x1BF5;
	p2 =	por !p2, p0  }
0x20: {  	[sflag:s8] =	ssyncset.s32 @!p0 $0xFFFFF086;
	s6 =	sadd.s32 @!p0 s3, s7;
	s7 =	simm.s32 @!p0 $0x108  }
0x21: {  	s3 =	sadd.s32 s3, s9;
	s6 =	sadd.s32 @!p0 $0x88, s6;
	s7 =	simm.s32 @p2 $0x1082  }
0x22: {  	[simem:s7], [sflag:s8] =	dma.local @!p0 [hbm:s6], $0xF7A  }
0x23: {  	s9 =	sor.u32 $0xD0000000, s2;
	s6 =	simm.s32 $0x108;
	_ =	swait.ge @!p0 [sflag:s8], $0x0  }
0x24: {  	s3 =	sadd.s32 $0x88, s3;
	s6 =	simm.s32 @!p1 $0x1082;
	[sflag:s4] =	ssyncset.s32 $0xFFFFF086  }
0x25: {  	[simem:s6], [sflag:s4] =	dma.local [hbm:s3], $0xF7A  }
0x26: {  	[smem:$0x3F4B] =	sst s1;
	(tag) =	ssettag s2;
	_ =	strace s9  }
0x27: {  	s1 =	sld [smem:$0x3F5B]  }
0x28: {  	s2 =	sld [smem:$0x3F5C]  }
0x29: {  	s4 =	sld [smem:$0x3F5E]  }
0x2a: {  	p0 =	seq.s32 s5, $0x0;
	s5 =	sld [smem:$0x3F5F]  }
0x2b: {  	s6 =	sld [smem:$0x3F60]  }
0x2c: {  	s7 =	sld [smem:$0x3F61]  }
0x2d: {  	s3 =	simm.s32 $0x108;
	s8 =	sld [smem:$0x3F62]  }
0x2e: {  	s3 =	simm.s32 @!p0 $0x1082;
	s9 =	sld [smem:$0x3F63]  }
0x2f: {  	lr =	sadd.s32 s0, s3;
	s0 =	sld [smem:$0x3F5A]  }
0x30: {  	s3 =	sld [smem:$0x3F5D]  }
0x31: {  	[smem:$0x3F66] =	sst s10  }
0x32: {  	s10 =	sld [smem:$0x3F64];
	_ =	sdelay $0x3  }
0x33: {  	p0 =	seq.s32 s10, $0x1;
	s10 =	sld [smem:$0x3F66];
	_ =	sdelay $0x3  }
0x34: {  	[smem:$0x3F66] =	sst s10  }
0x35: {  	s10 =	sld [smem:$0x3F65];
	_ =	sdelay $0x3  }
0x36: {  	p1 =	seq.s32 s10, $0x1;
	s10 =	sld [smem:$0x3F66];
	_ =	sdelay $0x3  }
0x37: {  	[smem:$0x3F66] =	sst s10  }
0x38: {  	s10 =	sld [smem:$0x3F67]  }
0x39: {  	_ = 	snop;
	(pc) =	sbr.ind lr, $3  }
0x3a: {  	_ = 	snop  }
0x3b: {  	_ = 	snop  }
0x3c: {  	p2 =	seq.s32 s10, $0x1;
	s10 =	sld [smem:$0x3F66]  }
0x3d: {  	_ =	shalt  }
0x3e: {  	_ =	shalt  }
0x3f: {  	_ =	shalt  }
0x40: {  	_ =	shalt  }
0x41: {  	_ =	shalt  }
0x42: {  	_ =	shalt  }
0x43: {  	_ =	shalt  }
0x44: {  	_ =	shalt  }
0x45: {  	_ =	shalt  }
0x46: {  	_ =	shalt  }
0x47: {  	_ =	shalt  }
0x48: {  	_ =	shalt  }
0x49: {  	_ =	shalt  }
0x4a: {  	_ =	shalt  }
0x4b: {  	_ =	shalt  }
0x4c: {  	_ =	shalt  }
0x4d: {  	_ =	shalt  }
0x4e: {  	_ =	shalt  }
0x4f: {  	_ =	shalt  }
0x50: {  	_ =	shalt  }
0x51: {  	_ =	shalt  }
0x52: {  	_ =	shalt  }
0x53: {  	_ =	shalt  }
0x54: {  	_ =	shalt  }
0x55: {  	_ =	shalt  }
0x56: {  	_ =	shalt  }
0x57: {  	_ =	shalt  }
0x58: {  	_ =	shalt  }
0x59: {  	_ =	shalt  }
0x5a: {  	_ =	shalt  }
0x5b: {  	_ =	shalt  }
0x5c: {  	_ =	shalt  }
0x5d: {  	_ =	shalt  }
0x5e: {  	_ =	shalt  }
0x5f: {  	_ =	shalt  }
0x60: {  	_ =	shalt  }
0x61: {  	_ =	shalt  }
0x62: {  	_ =	shalt  }
0x63: {  	_ =	shalt  }
0x64: {  	_ =	shalt  }
0x65: {  	_ =	shalt  }
0x66: {  	_ =	shalt  }
0x67: {  	_ =	shalt  }
0x68: {  	_ =	shalt  }
0x69: {  	_ =	shalt  }
0x6a: {  	_ =	shalt  }
0x6b: {  	_ =	shalt  }
0x6c: {  	_ =	shalt  }
0x6d: {  	_ =	shalt  }
0x6e: {  	_ =	shalt  }
0x6f: {  	_ =	shalt  }
0x70: {  	_ =	shalt  }
0x71: {  	_ =	shalt  }
0x72: {  	_ =	shalt  }
0x73: {  	_ =	shalt  }
0x74: {  	_ =	shalt  }
0x75: {  	_ =	shalt  }
0x76: {  	_ =	shalt  }
0x77: {  	_ =	shalt  }
0x78: {  	_ =	shalt  }
0x79: {  	_ =	shalt  }
0x7a: {  	_ =	shalt  }
0x7b: {  	_ =	shalt  }
0x7c: {  	_ =	shalt  }
0x7d: {  	_ =	shalt  }
0x7e: {  	_ =	shalt  }
0x7f: {  	_ =	shalt  }
0x80: {  	_ =	shalt  }
0x81: {  	_ =	shalt  }
0x82: {  	_ =	shalt  }
0x83: {  	_ =	shalt  }
0x84: {  	_ =	shalt  }
0x85: {  	_ =	shalt  }
0x86: {  	_ =	shalt  }
0x87: {  	_ =	shalt  }
.Lfunc_end0:
.L_simem_size_0:
called_computation_lowered:
.L_overlay_start_0:
0x88: {  	s2 =	sld [smem:$0x3FD9]  }
0x89: {  	s3 =	sld [smem:$0x3FFE];
	_ =	sdelay $0x1  }
0x8a: {  	s1 =	srdreg.scid  }
0x8b: {  	s0 =	sand.u32 $0x1, s1  }
0x8c: {  	s14 =	sshll.u32 s0, $0xA;
	s2 =	sadd.s32 s3, s2  }
0x8d: {  	s2 =	sadd.s32 s2, s14  }
0x8e: {  	[smem:$0x3F72] =	sst s2  }
0x8f: {  	_ = 	snop  }
0x90: {  	s2 =	sld [smem:$0x3FD0];
	_ =	sdelay $0x2  }
0x91: {  	s15 =	simm.s32 $0xA;
	s4 =	simm.s32 $0x10  }
0x92: {  	[smem:s4], [sflag:s15] =	dma.local [hbm:s2], $0x1  }
0x93: {  	_ =	swait.eq [sflag:s15], $0x1  }
0x94: {  	[sflag:s15] =	ssyncset.done $0x0  }
0x95: {  	[sflag:s15] =	ssyncadd.s32 $0xFFFFFFFF  }
0x96: {  	s16 =	sld [smem:$0x11];
	(tm) =	ssettm $0x1  }
0x97: {  	s17 =	sld [smem:$0x3FFB];
	_ =	sdelay $0x3  }
0x98: {  	_ =	strace s17  }
0x99: {  	s3 =	sld [smem:$0x3FFC];
	_ =	sdelay $0x3  }
0x9a: {  	_ =	strace s3  }
0x9b: {  	s3 =	sld [smem:$0x3FFD];
	_ =	sdelay $0x3  }
0x9c: {  	_ =	strace s3  }
0x9d: {  	_ =	strace $0x8FFFFFFF  }
0x9e: {  	s18 =	sld [smem:$0x3FDB];
	_ =	sdelay $0x1  }
0x9f: {  	s19 =	simm.s32 $_scs_section_size  }
0xa0: {  	s5 =	simm.s32 $_size__tile_overlayer_lowered;
	s6 =	simm.s32 $_tile_overlayer_lowered  }
0xa1: {  	s22 =	simm.s32 $0x1BFF;
	s21 =	sshll.u32 s6, $0x1;
	s3 =	sadd.s32 s19, s18  }
0xa2: {  	s7 =	simm.s32 $0x0;
	s20 =	sshll.u32 s5, $0x1;
	s5 =	sadd.s32 s21, s3  }
0xa3: {  	[timem:s7], [sflag:s22] =	dma.local [hbm:s5], s20  }
0xa4: {  	_ =	swait.ge [sflag:s22], s20  }
0xa5: {  	s4 =	ssub.s32 $0x0, s20;
	[sflag:s22] =	ssyncset.done $0x0  }
0xa6: {  	[sflag:s22] =	ssyncadd.s32 s4;
	_ =	sdelay $0x1  }
0xa7: {  	s23 =	simm.s32 $0x1B8B  }
0xa8: {  	_ =	swait.ge [sflag:s23], $0x1  }
0xa9: {  	[sflag:s23] =	ssyncset.done $0x0  }
0xaa: {  	s25 =	simm.s32 $0x1B8E;
	s24 =	sld [smem:$0x3FFE];
	[sflag:s23] =	ssyncadd.s32 $0xFFFFFFFF  }
0xab: {  	s26 =	simm.s32 $execute0_lowered;
	[smem:$0x3FD2] =	sst s25  }
0xac: {  	s5 =	sshll.u32 s26, $0x1;
	_ =	strace $0x80000046;
	[dreg:$0x1] =	wrdreg $0xFFFFFFFF  }
0xad: {  	s28 =	simm.s32 $_size_execute0_lowered;
	s3 =	sadd.s32 s3, s5;
	[dreg:$0x0] =	wrdreg $0x0  }
0xae: {  	s5 =	sshll.u32 s28, $0x1;
	[dreg:$0x2] =	wrdreg s3  }
0xaf: {  	[dreg:$0x3] =	wrdreg s5  }
0xb0: {  	[dreg:$0x4] =	wrdreg $0xC0  }
0xb1: {  	_ =	task [dreg:s7], $0x5FFFF  }
0xb2: {  	[dreg:$0x1] =	wrdreg $0xFFFFFFFF  }
0xb3: {  	[dreg:$0x0] =	wrdreg $0x60  }
0xb4: {  	[dreg:$0x2] =	wrdreg s24  }
0xb5: {  	[dreg:$0x3] =	wrdreg s16  }
0xb6: {  	[dreg:$0x4] =	wrdreg $0xA0000  }
0xb7: {  	[dreg:$0x5] =	wrdreg $0x9  }
0xb8: {  	_ =	task.clear_ibuf [dreg:s7], $0x6FFFF;
	_ =	strace $0x90000046  }
0xb9: {  	s29 =	simm.s32 $0x9;
	_ =	strace $0x80000048  }
0xba: {  	_ =	swait.ge [sflag:s29], $0x1  }
0xbb: {  	[sflag:s29] =	ssyncadd.s32 $0xFFFFFFFF  }
0xbc: {  	_ =	strace $0x90000048  }
0xbd: {  	_ =	sfence  }
0xbe: {  	s30 =	sld [smem:$0x0];
	_ =	sdelay $0x2  }
0xbf: {  	s31 =	sshll.u32 s1, $0xD;
	s1 =	sshrl.u32 s1, $0x2  }
0xc0: {  	s3 =	sand.u32 $0x4000, s31;
	s1 =	sadd.s32 s1, s30  }
0xc1: {  	s0 =	sor.u32 s3, s0;
	s1 =	sshll.u32 s1, $0x11  }
0xc2: {  	s0 =	sor.u32 s1, s0  }
0xc3: {  	s0 =	sadd.s32 $0x8F2B, s0  }
0xc4: {  	[sflag:s0] =	ssyncadd.remote.s32 $0x1  }
0xc5: {  	_ =	sfence.sel $0xFFFF  }
0xc6: {  	[dreg:$0x0] =	wrdreg $0xFFFFFFFF;
	(pc) =	sbr.abs _section_cstart, $3  }
0xc7: {  	[dreg:$0x1] =	wrdreg $0xFFFFFFFF  }
0xc8: {  	_ =	task.clear_ibuf [dreg:s7], $0x2FFFF;
	_ =	strace $0x9FFFFFFF  }
0xc9: {  	(tm) =	ssettm $0x7FFFFFFF  }
tec
execute0_lowered:
.L_overlay_start_1:
0x0: {  	(tag) =	ssettag $0x1  }
0x1: {  	s6 =	rddreg [dreg:$0x0]  }
0x2: {  	s1 =	rddreg [dreg:$0x1]  }
0x3: {  	s3 =	rddreg [dreg:$0x2]  }
0x4: {  	s2 =	srdreg.scid;
	s0 =	rddreg [dreg:$0x3]  }
0x5: {  	s4 =	simm.s32 $0x0;
	s16 =	simm.s32 $0x1;
	s17 =	simm.s32 $0x6000  }
0x6: {  	s18 =	simm.s32 $0x80;
	s7 =	sand.u32 $0x1, s2;
	s2 =	stileid.u32  }
0x7: {  	s21 =	simm.s32 $0x0;
	[smem:$0x7FF] =	sst s4;
	s8 =	smul.u32 $0x140000, s7  }
0x8: {  	s5 =	sshll.u32 s7, $0x4;
	s9 =	smul.u32 $0x14000, s2;
	_ =	strace $0x80000047  }
0x9: {  	s28 =	ssub.s32 $0x2, s7;
	s30 =	smul.u32 $0x50000, s2;
	p0 =	seq.s32 s7, $0x0  }
0xa: {  	s19 =	sshll.u32 s2, $0x6;
	s5 =	sor.u32 s2, s5;
	s29 =	sshrl.u32 s28, $0x1  }
0xb: {  	s19 =	sor.u32 $0x1C01, s19;
	s10 =	smul.u32 $0x600, s5;
	s5 =	sadd.s32 $0x27400, s6  }
0xc: {  	s8 =	sadd.s32 s9, s8;
	s12 =	ssub.s32 s28, s29;
	s31 =	sshrl.u32 s30, $0x2  }
0xd: {  	s8 =	sshrl.u32 s8, $0x3;
	s9 =	sadd.s32 s31, s3;
	s26 =	sadd.s32 s10, s6  }
0xe: {  	s11 =	sadd.s32 s8, s6;
	s6 =	simm.s32 $0x5D;
	s13 =	sadd.s32 $0x8000, s9  }
0xf: {  	s14 =	sadd.s32 $0xC000, s9;
	s15 =	sadd.s32 $0x10000, s9;
	s20 =	sshrl.u32 s9, $0x3  }
0x10: {  	s6 =	simm.s32 @!p0 $0x40;
	s7 =	sadd.s32 $0xF400, s26;
	s8 =	sadd.s32 $0x1B400, s26  }
0x11: {  	s10 =	sadd.s32 $0x4F400, s11;
	s11 =	smax.u32 s12, $0x1;
	s12 =	sadd.s32 $0x4000, s9  }
.LBB2_1:
0x12: {  	[tilespmem:s4], [sflag:$0x1] =	stream.linear.gather [hbm4b:s7+s4], $0x2E80, $0x38;
	[tilespmem:$0x1E000] =	vst v63  }
0x13: {  	_ =	swait.ge [sflag:s16], $0x2E80  }
0x14: {  	[sflag:s16] =	ssyncset.done $0x0  }
0x15: {  	s22 =	simm.s32 $0x3000;
	[sflag:s16] =	ssyncadd.s32 $0xFFFFD180  }
0x16: {  	[tilespmem:s22], [sflag:$0x1] =	stream.linear.gather [hbm4b:s8+s4], $0x2E80, $0x38;
	[tilespmem:$0x1E000] =	vst v63  }
0x17: {  	_ =	swait.ge [sflag:s16], $0x2E80  }
0x18: {  	[sflag:s16] =	ssyncset.done $0x0  }
0x19: {  	[sflag:s16] =	ssyncadd.s32 $0xFFFFD180  }
0x1a: {  	[tilespmem:s17], [sflag:$0x1] =	stream.linear.gather [hbm4b:s1+s4], $0x4000, $0x38;
	[tilespmem:$0x1E000] =	vst v63  }
0x1b: {  	_ =	swait.ge [sflag:s16], $0x4000  }
0x1c: {  	[sflag:s16] =	ssyncset.done $0x0  }
0x1d: {  	[sflag:s16] =	ssyncadd.s32 $0xFFFFC000  }
0x1e: {  	[spmem:s9] =	stream.linear.scatter [tilespmem:s17], [sflag:$0x1], $0x4000, $0x38;
	[tilespmem:$0x1E000] =	vst v63  }
0x1f: {  	_ =	swait.ge [sflag:s16], $0x4000  }
0x20: {  	[sflag:s16] =	ssyncset.done $0x0  }
0x21: {  	[sflag:s16] =	ssyncadd.s32 $0xFFFFC000  }
0x22: {  	[spmem:s12] =	stream.linear.scatter [tilespmem:s17], [sflag:$0x1], $0x4000, $0x38;
	[tilespmem:$0x1E000] =	vst v63  }
0x23: {  	_ =	swait.ge [sflag:s16], $0x4000  }
0x24: {  	[sflag:s16] =	ssyncset.done $0x0  }
0x25: {  	[sflag:s16] =	ssyncadd.s32 $0xFFFFC000  }
0x26: {  	[spmem:s13] =	stream.linear.scatter [tilespmem:s17], [sflag:$0x1], $0x4000, $0x38;
	[tilespmem:$0x1E000] =	vst v63  }
0x27: {  	_ =	swait.ge [sflag:s16], $0x4000  }
0x28: {  	[sflag:s16] =	ssyncset.done $0x0  }
0x29: {  	[sflag:s16] =	ssyncadd.s32 $0xFFFFC000  }
0x2a: {  	[spmem:s14] =	stream.linear.scatter [tilespmem:s17], [sflag:$0x1], $0x4000, $0x38;
	[tilespmem:$0x1E000] =	vst v63  }
0x2b: {  	_ =	swait.ge [sflag:s16], $0x4000  }
0x2c: {  	[sflag:s16] =	ssyncset.done $0x0  }
0x2d: {  	[sflag:s16] =	ssyncadd.s32 $0xFFFFC000  }
0x2e: {  	[spmem:s15] =	stream.linear.scatter [tilespmem:s17], [sflag:$0x1], $0x4000, $0x38;
	[tilespmem:$0x1E000] =	vst v63  }
0x2f: {  	_ =	swait.ge [sflag:s16], $0x4000  }
0x30: {  	[sflag:s16] =	ssyncset.done $0x0  }
0x31: {  	[sflag:s16] =	ssyncadd.s32 $0xFFFFC000  }
0x32: {  	[bflag:$0x0] =	sbarrier.arrive $0xFFFF  }
0x33: {  	[tilespmem:s17], [sflag:$0x1] =	stream.indirect.gather [hbm4b:s5+s18], $0x80, s4, s18, $0xb8;
	[tilespmem:$0x1E000] =	vst v63  }
0x34: {  	p0 =	sne.s32 s6, $0x1;
	_ =	swait.ge [sflag:s16], $0x4000  }
.Ltmp0:
0x35: {  	[sflag:s16] =	ssyncset.done $0x0;
	(pc) =	sbr.rel @!p0 .LBB2_3-.Ltmp0, $4  }
0x36: {  	[sflag:s16] =	ssyncadd.s32 $0xFFFFC000  }
0x37: {  	[spmem:s3] =	stream.indirect.scatter.add.f32 [tilespmem:s17], [sflag:$0x1], $0x80, s22, s18, $0xb8;
	[tilespmem:$0x1E000] =	vst v63  }
0x38: {  	_ =	swait.ge [sflag:s16], $0x4000  }
0x39: {  	s23 =	sadd.s32 $0xFFFFFFFF, s6;
	s24 =	simm.s32 $0x0;
	[sflag:s16] =	ssyncset.done $0x0  }
.LBB2_2:
0x3a: {  	[sflag:s16] =	ssyncadd.s32 $0xFFFFC000;
	s24 =	sadd.s32 $0x80, s24;
	s22 =	sadd.s32 $0x80, s22  }
0x3b: {  	[tilespmem:s17], [sflag:$0x1] =	stream.indirect.gather [hbm4b:s5+s18], $0x80, s24, s18, $0xb8;
	[tilespmem:$0x1E000] =	vst v63  }
0x3c: {  	p0 =	sne.s32 s23, $0x1;
	s23 =	sadd.s32 $0xFFFFFFFF, s23;
	_ =	swait.ge [sflag:s16], $0x4000  }
.Ltmp1:
0x3d: {  	[sflag:s16] =	ssyncset.done $0x0;
	(pc) =	sbr.rel @p0 .LBB2_2-.Ltmp1, $4  }
0x3e: {  	[sflag:s16] =	ssyncadd.s32 $0xFFFFC000  }
0x3f: {  	[spmem:s3] =	stream.indirect.scatter.add.f32 [tilespmem:s17], [sflag:$0x1], $0x80, s22, s18, $0xb8;
	[tilespmem:$0x1E000] =	vst v63  }
0x40: {  	_ =	swait.ge [sflag:s16], $0x4000  }
0x41: {  	[sflag:s16] =	ssyncset.done $0x0  }
.LBB2_3:
0x42: {  	s21 =	sadd.s32 $0x1, s21  }
0x43: {  	[sflag:s16] =	ssyncadd.s32 $0xFFFFC000;
	p0 =	sne.s32 s21, s11  }
.Ltmp2:
0x44: {  	[bflag:$0x0] =	sbarrier.arrive $0xFFFF;
	(pc) =	sbr.rel @p0 .LBB2_1-.Ltmp2, $4  }
0x45: {  	[hbm:s10], [sflag:s19] =	dma.local [spmem:s20], $0x2800  }
0x46: {  	_ =	swait.ge [sflag:s16], $0x2800  }
0x47: {  	[sflag:s16] =	ssyncset.done $0x0  }
0x48: {  	[sflag:s16] =	ssyncadd.s32 $0xFFFFD800  }
0x49: {  	_ =	sfence.sel $0x180000  }
0x4a: {  	[bflag:$0x0] =	sbarrier.arrive $0xFFFF  }
0x4b: {  	p0 =	sne.s32 s2, $0x0;
	_ =	strace $0x90000047  }
0x4c: {  	s0 =	sadd.s32 @!p0 $0x100000, s0;
	[bflag:$0x2] =	sbarrier.arrive $0xFFFF  }
0x4d: {  	[sflag:s0] =	ssyncadd.tile.s32 @!p0 $0x1;
	_ =	shalt  }
.Lfunc_end2:
_tile_overlayer_lowered:
.L_overlay_start_2:
0x4e: {  	(tag) =	ssettag $0x2  }
0x4f: {  	s0 =	rddreg [dreg:$0x0];
	s2 =	stileid.u32  }
0x50: {  	s1 =	rddreg [dreg:$0x1];
	p0 =	sne.s32 s2, $0x0  }
0x51: {  	s3 =	rddreg [dreg:$0x2];
	[bflag:$0x3] =	sbarrier.arrive $0xFFFF;
	s2 =	simm.s32 @!p0 $0x1C01  }
0x52: {  	[timem:s3], [sflag:s2] =	dma.local @!p0 [hbm:s0], s1  }
0x53: {  	s0 =	simm.s32 @!p0 $0x1  }
0x54: {  	_ =	swait.ge @!p0 [sflag:s0], s1  }
0x55: {  	s1 =	ssub.s32 @!p0 $0x0, s1;
	[sflag:s0] =	ssyncset.done @!p0 $0x0  }
0x56: {  	[sflag:s0] =	ssyncadd.s32 @!p0 s1  }
0x57: {  	[bflag:$0x3] =	sbarrier.arrive $0xFFFF  }
0x58: {  	_ =	shalt  }

// kernel: kernel.20.cloned.1.call-start
scs
__scs_entry_jumppad:
0x0: {  	(pc) =	sbr.rel $0x88, $3  }
0x1: {  	(tag) =	ssettag $0x0;
	lr =	simm.s32 $0x1  }
0x2: {  	[smem:$0x3F4B] =	sst lr;
	_ =	strace $0xD0000000  }
0x3: {  	_ = 	snop  }
0x4: {  	_ = 	snop  }
0x5: {  	_ = 	snop  }
0x6: {  	_ = 	snop  }
0x7: {  	_ = 	snop  }
__scs_overlays_trampoline_lowered:
0x8: {  	[smem:$0x3F5A] =	sst s0  }
0x9: {  	[smem:$0x3F5B] =	sst s1  }
0xa: {  	[smem:$0x3F5C] =	sst s2  }
0xb: {  	[smem:$0x3F5D] =	sst s3  }
0xc: {  	[smem:$0x3F5E] =	sst s4  }
0xd: {  	[smem:$0x3F5F] =	sst s5  }
0xe: {  	[smem:$0x3F60] =	sst s6  }
0xf: {  	[smem:$0x3F61] =	sst s7  }
0x10: {  	[smem:$0x3F62] =	sst s8  }
0x11: {  	[smem:$0x3F63] =	sst s9;
	s0 =	simm.s32 @!p0 $0x0  }
0x12: {  	s1 =	sld [smem:$0x3F49];
	s0 =	simm.s32 @p0 $0x1  }
0x13: {  	[smem:$0x3F64] =	sst s0;
	s0 =	simm.s32 @!p1 $0x0  }
0x14: {  	s2 =	sld [smem:$0x3F48];
	s0 =	simm.s32 @p1 $0x1  }
0x15: {  	[smem:$0x3F65] =	sst s0;
	s0 =	simm.s32 @!p2 $0x0  }
0x16: {  	s3 =	sld [smem:$0x3FDB];
	s0 =	simm.s32 @p2 $0x1  }
0x17: {  	s4 =	simm.s32 $0x1BF5;
	[smem:$0x3F67] =	sst s0  }
0x18: {  	s0 =	sld [smem:$0x3F4A];
	_ =	swait.ge [sflag:s4], $0x0  }
0x19: {  	s7 =	sld [smem:$0x3F4B]  }
0x1a: {  	s8 =	sadd.s32 $0xFFFFE003, lr  }
0x1b: {  	s9 =	sadd.s32 $0xFFFFFEF7, lr;
	s5 =	simm.s32 $0xFFFFFFFF;
	p2 =	slt.u32 s8, $0xFFFFF086  }
0x1c: {  	p1 =	slt.u32 s9, $0xF7A;
	s5 =	simm.s32 @!p2 $0x0  }
0x1d: {  	s5 =	simm.s32 @p1 $0x1;
	p0 =	seq.s32 s7, s2  }
0x1e: {  	s7 =	smul.u32 @!p0 $0xF7A, s2;
	p2 =	seq.s32 @!p0 s5, $0x0  }
0x1f: {  	s9 =	smul.u32 $0xF7A, s1;
	s8 =	simm.s32 @!p0 $0x1BF5;
	p2 =	por !p2, p0  }
0x20: {  	[sflag:s8] =	ssyncset.s32 @!p0 $0xFFFFF086;
	s6 =	sadd.s32 @!p0 s3, s7;
	s7 =	simm.s32 @!p0 $0x108  }
0x21: {  	s3 =	sadd.s32 s3, s9;
	s6 =	sadd.s32 @!p0 $0x88, s6;
	s7 =	simm.s32 @p2 $0x1082  }
0x22: {  	[simem:s7], [sflag:s8] =	dma.local @!p0 [hbm:s6], $0xF7A  }
0x23: {  	s9 =	sor.u32 $0xD0000000, s2;
	s6 =	simm.s32 $0x108;
	_ =	swait.ge @!p0 [sflag:s8], $0x0  }
0x24: {  	s3 =	sadd.s32 $0x88, s3;
	s6 =	simm.s32 @!p1 $0x1082;
	[sflag:s4] =	ssyncset.s32 $0xFFFFF086  }
0x25: {  	[simem:s6], [sflag:s4] =	dma.local [hbm:s3], $0xF7A  }
0x26: {  	[smem:$0x3F4B] =	sst s1;
	(tag) =	ssettag s2;
	_ =	strace s9  }
0x27: {  	s1 =	sld [smem:$0x3F5B]  }
0x28: {  	s2 =	sld [smem:$0x3F5C]  }
0x29: {  	s4 =	sld [smem:$0x3F5E]  }
0x2a: {  	p0 =	seq.s32 s5, $0x0;
	s5 =	sld [smem:$0x3F5F]  }
0x2b: {  	s6 =	sld [smem:$0x3F60]  }
0x2c: {  	s7 =	sld [smem:$0x3F61]  }
0x2d: {  	s3 =	simm.s32 $0x108;
	s8 =	sld [smem:$0x3F62]  }
0x2e: {  	s3 =	simm.s32 @!p0 $0x1082;
	s9 =	sld [smem:$0x3F63]  }
0x2f: {  	lr =	sadd.s32 s0, s3;
	s0 =	sld [smem:$0x3F5A]  }
0x30: {  	s3 =	sld [smem:$0x3F5D]  }
0x31: {  	[smem:$0x3F66] =	sst s10  }
0x32: {  	s10 =	sld [smem:$0x3F64];
	_ =	sdelay $0x3  }
0x33: {  	p0 =	seq.s32 s10, $0x1;
	s10 =	sld [smem:$0x3F66];
	_ =	sdelay $0x3  }
0x34: {  	[smem:$0x3F66] =	sst s10  }
0x35: {  	s10 =	sld [smem:$0x3F65];
	_ =	sdelay $0x3  }
0x36: {  	p1 =	seq.s32 s10, $0x1;
	s10 =	sld [smem:$0x3F66];
	_ =	sdelay $0x3  }
0x37: {  	[smem:$0x3F66] =	sst s10  }
0x38: {  	s10 =	sld [smem:$0x3F67]  }
0x39: {  	_ = 	snop;
	(pc) =	sbr.ind lr, $3  }
0x3a: {  	_ = 	snop  }
0x3b: {  	_ = 	snop  }
0x3c: {  	p2 =	seq.s32 s10, $0x1;
	s10 =	sld [smem:$0x3F66]  }
0x3d: {  	_ =	shalt  }
0x3e: {  	_ =	shalt  }
0x3f: {  	_ =	shalt  }
0x40: {  	_ =	shalt  }
0x41: {  	_ =	shalt  }
0x42: {  	_ =	shalt  }
0x43: {  	_ =	shalt  }
0x44: {  	_ =	shalt  }
0x45: {  	_ =	shalt  }
0x46: {  	_ =	shalt  }
0x47: {  	_ =	shalt  }
0x48: {  	_ =	shalt  }
0x49: {  	_ =	shalt  }
0x4a: {  	_ =	shalt  }
0x4b: {  	_ =	shalt  }
0x4c: {  	_ =	shalt  }
0x4d: {  	_ =	shalt  }
0x4e: {  	_ =	shalt  }
0x4f: {  	_ =	shalt  }
0x50: {  	_ =	shalt  }
0x51: {  	_ =	shalt  }
0x52: {  	_ =	shalt  }
0x53: {  	_ =	shalt  }
0x54: {  	_ =	shalt  }
0x55: {  	_ =	shalt  }
0x56: {  	_ =	shalt  }
0x57: {  	_ =	shalt  }
0x58: {  	_ =	shalt  }
0x59: {  	_ =	shalt  }
0x5a: {  	_ =	shalt  }
0x5b: {  	_ =	shalt  }
0x5c: {  	_ =	shalt  }
0x5d: {  	_ =	shalt  }
0x5e: {  	_ =	shalt  }
0x5f: {  	_ =	shalt  }
0x60: {  	_ =	shalt  }
0x61: {  	_ =	shalt  }
0x62: {  	_ =	shalt  }
0x63: {  	_ =	shalt  }
0x64: {  	_ =	shalt  }
0x65: {  	_ =	shalt  }
0x66: {  	_ =	shalt  }
0x67: {  	_ =	shalt  }
0x68: {  	_ =	shalt  }
0x69: {  	_ =	shalt  }
0x6a: {  	_ =	shalt  }
0x6b: {  	_ =	shalt  }
0x6c: {  	_ =	shalt  }
0x6d: {  	_ =	shalt  }
0x6e: {  	_ =	shalt  }
0x6f: {  	_ =	shalt  }
0x70: {  	_ =	shalt  }
0x71: {  	_ =	shalt  }
0x72: {  	_ =	shalt  }
0x73: {  	_ =	shalt  }
0x74: {  	_ =	shalt  }
0x75: {  	_ =	shalt  }
0x76: {  	_ =	shalt  }
0x77: {  	_ =	shalt  }
0x78: {  	_ =	shalt  }
0x79: {  	_ =	shalt  }
0x7a: {  	_ =	shalt  }
0x7b: {  	_ =	shalt  }
0x7c: {  	_ =	shalt  }
0x7d: {  	_ =	shalt  }
0x7e: {  	_ =	shalt  }
0x7f: {  	_ =	shalt  }
0x80: {  	_ =	shalt  }
0x81: {  	_ =	shalt  }
0x82: {  	_ =	shalt  }
0x83: {  	_ =	shalt  }
0x84: {  	_ =	shalt  }
0x85: {  	_ =	shalt  }
0x86: {  	_ =	shalt  }
0x87: {  	_ =	shalt  }
.Lfunc_end0:
.L_simem_size_0:
called_computation.1_lowered:
.L_overlay_start_0:
0x88: {  	s2 =	sld [smem:$0x3FD9]  }
0x89: {  	s3 =	sld [smem:$0x3FFE];
	_ =	sdelay $0x1  }
0x8a: {  	s1 =	srdreg.scid  }
0x8b: {  	s0 =	sand.u32 $0x1, s1  }
0x8c: {  	s14 =	sshll.u32 s0, $0xA;
	s2 =	sadd.s32 s3, s2  }
0x8d: {  	s2 =	sadd.s32 s2, s14  }
0x8e: {  	[smem:$0x3F72] =	sst s2  }
0x8f: {  	_ = 	snop  }
0x90: {  	s2 =	sld [smem:$0x3FD0];
	_ =	sdelay $0x2  }
0x91: {  	s15 =	simm.s32 $0xA;
	s4 =	simm.s32 $0x10  }
0x92: {  	[smem:s4], [sflag:s15] =	dma.local [hbm:s2], $0x1  }
0x93: {  	_ =	swait.eq [sflag:s15], $0x1  }
0x94: {  	[sflag:s15] =	ssyncset.done $0x0  }
0x95: {  	[sflag:s15] =	ssyncadd.s32 $0xFFFFFFFF  }
0x96: {  	s16 =	sld [smem:$0x11];
	(tm) =	ssettm $0x1  }
0x97: {  	s17 =	sld [smem:$0x3FFB];
	_ =	sdelay $0x3  }
0x98: {  	_ =	strace s17  }
0x99: {  	s3 =	sld [smem:$0x3FFC];
	_ =	sdelay $0x3  }
0x9a: {  	_ =	strace s3  }
0x9b: {  	s3 =	sld [smem:$0x3FFD];
	_ =	sdelay $0x3  }
0x9c: {  	_ =	strace s3  }
0x9d: {  	_ =	strace $0x8FFFFFFF  }
0x9e: {  	s18 =	sld [smem:$0x3FDB];
	_ =	sdelay $0x1  }
0x9f: {  	s19 =	simm.s32 $_scs_section_size  }
0xa0: {  	s5 =	simm.s32 $_size__tile_overlayer_lowered;
	s6 =	simm.s32 $_tile_overlayer_lowered  }
0xa1: {  	s22 =	simm.s32 $0x1BFF;
	s21 =	sshll.u32 s6, $0x1;
	s3 =	sadd.s32 s19, s18  }
0xa2: {  	s7 =	simm.s32 $0x0;
	s20 =	sshll.u32 s5, $0x1;
	s5 =	sadd.s32 s21, s3  }
0xa3: {  	[timem:s7], [sflag:s22] =	dma.local [hbm:s5], s20  }
0xa4: {  	_ =	swait.ge [sflag:s22], s20  }
0xa5: {  	s4 =	ssub.s32 $0x0, s20;
	[sflag:s22] =	ssyncset.done $0x0  }
0xa6: {  	[sflag:s22] =	ssyncadd.s32 s4;
	_ =	sdelay $0x1  }
0xa7: {  	s23 =	simm.s32 $0x1B8B  }
0xa8: {  	_ =	swait.ge [sflag:s23], $0x1  }
0xa9: {  	[sflag:s23] =	ssyncset.done $0x0  }
0xaa: {  	s25 =	simm.s32 $0x1B8E;
	s24 =	sld [smem:$0x3FFE];
	[sflag:s23] =	ssyncadd.s32 $0xFFFFFFFF  }
0xab: {  	s26 =	simm.s32 $execute0_lowered;
	[smem:$0x3FD2] =	sst s25  }
0xac: {  	s5 =	sshll.u32 s26, $0x1;
	_ =	strace $0x80000049;
	[dreg:$0x1] =	wrdreg $0xFFFFFFFF  }
0xad: {  	s28 =	simm.s32 $_size_execute0_lowered;
	s3 =	sadd.s32 s3, s5;
	[dreg:$0x0] =	wrdreg $0x0  }
0xae: {  	s5 =	sshll.u32 s28, $0x1;
	[dreg:$0x2] =	wrdreg s3  }
0xaf: {  	[dreg:$0x3] =	wrdreg s5  }
0xb0: {  	[dreg:$0x4] =	wrdreg $0xC0  }
0xb1: {  	_ =	task [dreg:s7], $0x5FFFF  }
0xb2: {  	[dreg:$0x1] =	wrdreg $0xFFFFFFFF  }
0xb3: {  	[dreg:$0x0] =	wrdreg $0x60  }
0xb4: {  	[dreg:$0x2] =	wrdreg s24  }
0xb5: {  	[dreg:$0x3] =	wrdreg s16  }
0xb6: {  	[dreg:$0x4] =	wrdreg $0xA0000  }
0xb7: {  	[dreg:$0x5] =	wrdreg $0x9  }
0xb8: {  	_ =	task.clear_ibuf [dreg:s7], $0x6FFFF;
	_ =	strace $0x90000049  }
0xb9: {  	s29 =	simm.s32 $0x9;
	_ =	strace $0x8000004B  }
0xba: {  	_ =	swait.ge [sflag:s29], $0x1  }
0xbb: {  	[sflag:s29] =	ssyncadd.s32 $0xFFFFFFFF  }
0xbc: {  	_ =	strace $0x9000004B  }
0xbd: {  	_ =	sfence  }
0xbe: {  	s30 =	sld [smem:$0x0];
	_ =	sdelay $0x2  }
0xbf: {  	s31 =	sshll.u32 s1, $0xD;
	s1 =	sshrl.u32 s1, $0x2  }
0xc0: {  	s3 =	sand.u32 $0x4000, s31;
	s1 =	sadd.s32 s1, s30  }
0xc1: {  	s0 =	sor.u32 s3, s0;
	s1 =	sshll.u32 s1, $0x11  }
0xc2: {  	s0 =	sor.u32 s1, s0  }
0xc3: {  	s0 =	sadd.s32 $0x8F2B, s0  }
0xc4: {  	[sflag:s0] =	ssyncadd.remote.s32 $0x1  }
0xc5: {  	_ =	sfence.sel $0xFFFF  }
0xc6: {  	[dreg:$0x0] =	wrdreg $0xFFFFFFFF;
	(pc) =	sbr.abs _section_cstart, $3  }
0xc7: {  	[dreg:$0x1] =	wrdreg $0xFFFFFFFF  }
0xc8: {  	_ =	task.clear_ibuf [dreg:s7], $0x2FFFF;
	_ =	strace $0x9FFFFFFF  }
0xc9: {  	(tm) =	ssettm $0x7FFFFFFF  }
tec
execute0_lowered:
.L_overlay_start_1:
0x0: {  	(tag) =	ssettag $0x1  }
0x1: {  	s6 =	rddreg [dreg:$0x0]  }
0x2: {  	s1 =	rddreg [dreg:$0x1]  }
0x3: {  	s3 =	rddreg [dreg:$0x2]  }
0x4: {  	s2 =	srdreg.scid;
	s0 =	rddreg [dreg:$0x3]  }
0x5: {  	s4 =	simm.s32 $0x0;
	s16 =	simm.s32 $0x1;
	s17 =	simm.s32 $0x6000  }
0x6: {  	s18 =	simm.s32 $0x80;
	s7 =	sand.u32 $0x1, s2;
	s2 =	stileid.u32  }
0x7: {  	s21 =	simm.s32 $0x0;
	[smem:$0x7FF] =	sst s4;
	s8 =	smul.u32 $0x140000, s7  }
0x8: {  	s5 =	sshll.u32 s7, $0x4;
	s9 =	smul.u32 $0x14000, s2;
	_ =	strace $0x8000004A  }
0x9: {  	s28 =	ssub.s32 $0x2, s7;
	s30 =	smul.u32 $0x50000, s2;
	p0 =	seq.s32 s7, $0x0  }
0xa: {  	s19 =	sshll.u32 s2, $0x6;
	s5 =	sor.u32 s2, s5;
	s29 =	sshrl.u32 s28, $0x1  }
0xb: {  	s19 =	sor.u32 $0x1C01, s19;
	s10 =	smul.u32 $0x600, s5;
	s5 =	sadd.s32 $0x27400, s6  }
0xc: {  	s8 =	sadd.s32 s9, s8;
	s12 =	ssub.s32 s28, s29;
	s31 =	sshrl.u32 s30, $0x2  }
0xd: {  	s8 =	sshrl.u32 s8, $0x3;
	s9 =	sadd.s32 s31, s3;
	s26 =	sadd.s32 s10, s6  }
0xe: {  	s11 =	sadd.s32 s8, s6;
	s6 =	simm.s32 $0x5D;
	s13 =	sadd.s32 $0x8000, s9  }
0xf: {  	s14 =	sadd.s32 $0xC000, s9;
	s15 =	sadd.s32 $0x10000, s9;
	s20 =	sshrl.u32 s9, $0x3  }
0x10: {  	s6 =	simm.s32 @!p0 $0x40;
	s7 =	sadd.s32 $0xF400, s26;
	s8 =	sadd.s32 $0x1B400, s26  }
0x11: {  	s10 =	sadd.s32 $0xC7400, s11;
	s11 =	smax.u32 s12, $0x1;
	s12 =	sadd.s32 $0x4000, s9  }
.LBB2_1:
0x12: {  	[tilespmem:s4], [sflag:$0x1] =	stream.linear.gather [hbm4b:s7+s4], $0x2E80, $0x38;
	[tilespmem:$0x1E000] =	vst v63  }
0x13: {  	_ =	swait.ge [sflag:s16], $0x2E80  }
0x14: {  	[sflag:s16] =	ssyncset.done $0x0  }
0x15: {  	s22 =	simm.s32 $0x3000;
	[sflag:s16] =	ssyncadd.s32 $0xFFFFD180  }
0x16: {  	[tilespmem:s22], [sflag:$0x1] =	stream.linear.gather [hbm4b:s8+s4], $0x2E80, $0x38;
	[tilespmem:$0x1E000] =	vst v63  }
0x17: {  	_ =	swait.ge [sflag:s16], $0x2E80  }
0x18: {  	[sflag:s16] =	ssyncset.done $0x0  }
0x19: {  	[sflag:s16] =	ssyncadd.s32 $0xFFFFD180  }
0x1a: {  	[tilespmem:s17], [sflag:$0x1] =	stream.linear.gather [hbm4b:s1+s4], $0x4000, $0x38;
	[tilespmem:$0x1E000] =	vst v63  }
0x1b: {  	_ =	swait.ge [sflag:s16], $0x4000  }
0x1c: {  	[sflag:s16] =	ssyncset.done $0x0  }
0x1d: {  	[sflag:s16] =	ssyncadd.s32 $0xFFFFC000  }
0x1e: {  	[spmem:s9] =	stream.linear.scatter [tilespmem:s17], [sflag:$0x1], $0x4000, $0x38;
	[tilespmem:$0x1E000] =	vst v63  }
0x1f: {  	_ =	swait.ge [sflag:s16], $0x4000  }
0x20: {  	[sflag:s16] =	ssyncset.done $0x0  }
0x21: {  	[sflag:s16] =	ssyncadd.s32 $0xFFFFC000  }
0x22: {  	[spmem:s12] =	stream.linear.scatter [tilespmem:s17], [sflag:$0x1], $0x4000, $0x38;
	[tilespmem:$0x1E000] =	vst v63  }
0x23: {  	_ =	swait.ge [sflag:s16], $0x4000  }
0x24: {  	[sflag:s16] =	ssyncset.done $0x0  }
0x25: {  	[sflag:s16] =	ssyncadd.s32 $0xFFFFC000  }
0x26: {  	[spmem:s13] =	stream.linear.scatter [tilespmem:s17], [sflag:$0x1], $0x4000, $0x38;
	[tilespmem:$0x1E000] =	vst v63  }
0x27: {  	_ =	swait.ge [sflag:s16], $0x4000  }
0x28: {  	[sflag:s16] =	ssyncset.done $0x0  }
0x29: {  	[sflag:s16] =	ssyncadd.s32 $0xFFFFC000  }
0x2a: {  	[spmem:s14] =	stream.linear.scatter [tilespmem:s17], [sflag:$0x1], $0x4000, $0x38;
	[tilespmem:$0x1E000] =	vst v63  }
0x2b: {  	_ =	swait.ge [sflag:s16], $0x4000  }
0x2c: {  	[sflag:s16] =	ssyncset.done $0x0  }
0x2d: {  	[sflag:s16] =	ssyncadd.s32 $0xFFFFC000  }
0x2e: {  	[spmem:s15] =	stream.linear.scatter [tilespmem:s17], [sflag:$0x1], $0x4000, $0x38;
	[tilespmem:$0x1E000] =	vst v63  }
0x2f: {  	_ =	swait.ge [sflag:s16], $0x4000  }
0x30: {  	[sflag:s16] =	ssyncset.done $0x0  }
0x31: {  	[sflag:s16] =	ssyncadd.s32 $0xFFFFC000  }
0x32: {  	[bflag:$0x0] =	sbarrier.arrive $0xFFFF  }
0x33: {  	[tilespmem:s17], [sflag:$0x1] =	stream.indirect.gather [hbm4b:s5+s18], $0x80, s4, s18, $0xb8;
	[tilespmem:$0x1E000] =	vst v63  }
0x34: {  	p0 =	sne.s32 s6, $0x1;
	_ =	swait.ge [sflag:s16], $0x4000  }
.Ltmp0:
0x35: {  	[sflag:s16] =	ssyncset.done $0x0;
	(pc) =	sbr.rel @!p0 .LBB2_3-.Ltmp0, $4  }
0x36: {  	[sflag:s16] =	ssyncadd.s32 $0xFFFFC000  }
0x37: {  	[spmem:s3] =	stream.indirect.scatter.add.f32 [tilespmem:s17], [sflag:$0x1], $0x80, s22, s18, $0xb8;
	[tilespmem:$0x1E000] =	vst v63  }
0x38: {  	_ =	swait.ge [sflag:s16], $0x4000  }
0x39: {  	s23 =	sadd.s32 $0xFFFFFFFF, s6;
	s24 =	simm.s32 $0x0;
	[sflag:s16] =	ssyncset.done $0x0  }
.LBB2_2:
0x3a: {  	[sflag:s16] =	ssyncadd.s32 $0xFFFFC000;
	s24 =	sadd.s32 $0x80, s24;
	s22 =	sadd.s32 $0x80, s22  }
0x3b: {  	[tilespmem:s17], [sflag:$0x1] =	stream.indirect.gather [hbm4b:s5+s18], $0x80, s24, s18, $0xb8;
	[tilespmem:$0x1E000] =	vst v63  }
0x3c: {  	p0 =	sne.s32 s23, $0x1;
	s23 =	sadd.s32 $0xFFFFFFFF, s23;
	_ =	swait.ge [sflag:s16], $0x4000  }
.Ltmp1:
0x3d: {  	[sflag:s16] =	ssyncset.done $0x0;
	(pc) =	sbr.rel @p0 .LBB2_2-.Ltmp1, $4  }
0x3e: {  	[sflag:s16] =	ssyncadd.s32 $0xFFFFC000  }
0x3f: {  	[spmem:s3] =	stream.indirect.scatter.add.f32 [tilespmem:s17], [sflag:$0x1], $0x80, s22, s18, $0xb8;
	[tilespmem:$0x1E000] =	vst v63  }
0x40: {  	_ =	swait.ge [sflag:s16], $0x4000  }
0x41: {  	[sflag:s16] =	ssyncset.done $0x0  }
.LBB2_3:
0x42: {  	s21 =	sadd.s32 $0x1, s21  }
0x43: {  	[sflag:s16] =	ssyncadd.s32 $0xFFFFC000;
	p0 =	sne.s32 s21, s11  }
.Ltmp2:
0x44: {  	[bflag:$0x0] =	sbarrier.arrive $0xFFFF;
	(pc) =	sbr.rel @p0 .LBB2_1-.Ltmp2, $4  }
0x45: {  	[hbm:s10], [sflag:s19] =	dma.local [spmem:s20], $0x2800  }
0x46: {  	_ =	swait.ge [sflag:s16], $0x2800  }
0x47: {  	[sflag:s16] =	ssyncset.done $0x0  }
0x48: {  	[sflag:s16] =	ssyncadd.s32 $0xFFFFD800  }
0x49: {  	_ =	sfence.sel $0x180000  }
0x4a: {  	[bflag:$0x0] =	sbarrier.arrive $0xFFFF  }
0x4b: {  	p0 =	sne.s32 s2, $0x0;
	_ =	strace $0x9000004A  }
0x4c: {  	s0 =	sadd.s32 @!p0 $0x100000, s0;
	[bflag:$0x2] =	sbarrier.arrive $0xFFFF  }
0x4d: {  	[sflag:s0] =	ssyncadd.tile.s32 @!p0 $0x1;
	_ =	shalt  }
.Lfunc_end2:
_tile_overlayer_lowered:
.L_overlay_start_2:
0x4e: {  	(tag) =	ssettag $0x2  }
0x4f: {  	s0 =	rddreg [dreg:$0x0];
	s2 =	stileid.u32  }
0x50: {  	s1 =	rddreg [dreg:$0x1];
	p0 =	sne.s32 s2, $0x0  }
0x51: {  	s3 =	rddreg [dreg:$0x2];
	[bflag:$0x3] =	sbarrier.arrive $0xFFFF;
	s2 =	simm.s32 @!p0 $0x1C01  }
0x52: {  	[timem:s3], [sflag:s2] =	dma.local @!p0 [hbm:s0], s1  }
0x53: {  	s0 =	simm.s32 @!p0 $0x1  }
0x54: {  	_ =	swait.ge @!p0 [sflag:s0], s1  }
0x55: {  	s1 =	ssub.s32 @!p0 $0x0, s1;
	[sflag:s0] =	ssyncset.done @!p0 $0x0  }
0x56: {  	[sflag:s0] =	ssyncadd.s32 @!p0 s1  }
0x57: {  	[bflag:$0x3] =	sbarrier.arrive $0xFFFF  }
0x58: {  	_ =	shalt  }

// kernel: kernel.23.cloned.1.call-start
scs
__scs_entry_jumppad:
0x0: {  	(pc) =	sbr.rel $0x88, $3  }
0x1: {  	(tag) =	ssettag $0x0;
	lr =	simm.s32 $0x1  }
0x2: {  	[smem:$0x3F4B] =	sst lr;
	_ =	strace $0xD0000000  }
0x3: {  	_ = 	snop  }
0x4: {  	_ = 	snop  }
0x5: {  	_ = 	snop  }
0x6: {  	_ = 	snop  }
0x7: {  	_ = 	snop  }
__scs_overlays_trampoline_lowered:
0x8: {  	[smem:$0x3F5A] =	sst s0  }
0x9: {  	[smem:$0x3F5B] =	sst s1  }
0xa: {  	[smem:$0x3F5C] =	sst s2  }
0xb: {  	[smem:$0x3F5D] =	sst s3  }
0xc: {  	[smem:$0x3F5E] =	sst s4  }
0xd: {  	[smem:$0x3F5F] =	sst s5  }
0xe: {  	[smem:$0x3F60] =	sst s6  }
0xf: {  	[smem:$0x3F61] =	sst s7  }
0x10: {  	[smem:$0x3F62] =	sst s8  }
0x11: {  	[smem:$0x3F63] =	sst s9;
	s0 =	simm.s32 @!p0 $0x0  }
0x12: {  	s1 =	sld [smem:$0x3F49];
	s0 =	simm.s32 @p0 $0x1  }
0x13: {  	[smem:$0x3F64] =	sst s0;
	s0 =	simm.s32 @!p1 $0x0  }
0x14: {  	s2 =	sld [smem:$0x3F48];
	s0 =	simm.s32 @p1 $0x1  }
0x15: {  	[smem:$0x3F65] =	sst s0;
	s0 =	simm.s32 @!p2 $0x0  }
0x16: {  	s3 =	sld [smem:$0x3FDB];
	s0 =	simm.s32 @p2 $0x1  }
0x17: {  	s4 =	simm.s32 $0x1BF5;
	[smem:$0x3F67] =	sst s0  }
0x18: {  	s0 =	sld [smem:$0x3F4A];
	_ =	swait.ge [sflag:s4], $0x0  }
0x19: {  	s7 =	sld [smem:$0x3F4B]  }
0x1a: {  	s8 =	sadd.s32 $0xFFFFE003, lr  }
0x1b: {  	s9 =	sadd.s32 $0xFFFFFEF7, lr;
	s5 =	simm.s32 $0xFFFFFFFF;
	p2 =	slt.u32 s8, $0xFFFFF086  }
0x1c: {  	p1 =	slt.u32 s9, $0xF7A;
	s5 =	simm.s32 @!p2 $0x0  }
0x1d: {  	s5 =	simm.s32 @p1 $0x1;
	p0 =	seq.s32 s7, s2  }
0x1e: {  	s7 =	smul.u32 @!p0 $0xF7A, s2;
	p2 =	seq.s32 @!p0 s5, $0x0  }
0x1f: {  	s9 =	smul.u32 $0xF7A, s1;
	s8 =	simm.s32 @!p0 $0x1BF5;
	p2 =	por !p2, p0  }
0x20: {  	[sflag:s8] =	ssyncset.s32 @!p0 $0xFFFFF086;
	s6 =	sadd.s32 @!p0 s3, s7;
	s7 =	simm.s32 @!p0 $0x108  }
0x21: {  	s3 =	sadd.s32 s3, s9;
	s6 =	sadd.s32 @!p0 $0x88, s6;
	s7 =	simm.s32 @p2 $0x1082  }
0x22: {  	[simem:s7], [sflag:s8] =	dma.local @!p0 [hbm:s6], $0xF7A  }
0x23: {  	s9 =	sor.u32 $0xD0000000, s2;
	s6 =	simm.s32 $0x108;
	_ =	swait.ge @!p0 [sflag:s8], $0x0  }
0x24: {  	s3 =	sadd.s32 $0x88, s3;
	s6 =	simm.s32 @!p1 $0x1082;
	[sflag:s4] =	ssyncset.s32 $0xFFFFF086  }
0x25: {  	[simem:s6], [sflag:s4] =	dma.local [hbm:s3], $0xF7A  }
0x26: {  	[smem:$0x3F4B] =	sst s1;
	(tag) =	ssettag s2;
	_ =	strace s9  }
0x27: {  	s1 =	sld [smem:$0x3F5B]  }
0x28: {  	s2 =	sld [smem:$0x3F5C]  }
0x29: {  	s4 =	sld [smem:$0x3F5E]  }
0x2a: {  	p0 =	seq.s32 s5, $0x0;
	s5 =	sld [smem:$0x3F5F]  }
0x2b: {  	s6 =	sld [smem:$0x3F60]  }
0x2c: {  	s7 =	sld [smem:$0x3F61]  }
0x2d: {  	s3 =	simm.s32 $0x108;
	s8 =	sld [smem:$0x3F62]  }
0x2e: {  	s3 =	simm.s32 @!p0 $0x1082;
	s9 =	sld [smem:$0x3F63]  }
0x2f: {  	lr =	sadd.s32 s0, s3;
	s0 =	sld [smem:$0x3F5A]  }
0x30: {  	s3 =	sld [smem:$0x3F5D]  }
0x31: {  	[smem:$0x3F66] =	sst s10  }
0x32: {  	s10 =	sld [smem:$0x3F64];
	_ =	sdelay $0x3  }
0x33: {  	p0 =	seq.s32 s10, $0x1;
	s10 =	sld [smem:$0x3F66];
	_ =	sdelay $0x3  }
0x34: {  	[smem:$0x3F66] =	sst s10  }
0x35: {  	s10 =	sld [smem:$0x3F65];
	_ =	sdelay $0x3  }
0x36: {  	p1 =	seq.s32 s10, $0x1;
	s10 =	sld [smem:$0x3F66];
	_ =	sdelay $0x3  }
0x37: {  	[smem:$0x3F66] =	sst s10  }
0x38: {  	s10 =	sld [smem:$0x3F67]  }
0x39: {  	_ = 	snop;
	(pc) =	sbr.ind lr, $3  }
0x3a: {  	_ = 	snop  }
0x3b: {  	_ = 	snop  }
0x3c: {  	p2 =	seq.s32 s10, $0x1;
	s10 =	sld [smem:$0x3F66]  }
0x3d: {  	_ =	shalt  }
0x3e: {  	_ =	shalt  }
0x3f: {  	_ =	shalt  }
0x40: {  	_ =	shalt  }
0x41: {  	_ =	shalt  }
0x42: {  	_ =	shalt  }
0x43: {  	_ =	shalt  }
0x44: {  	_ =	shalt  }
0x45: {  	_ =	shalt  }
0x46: {  	_ =	shalt  }
0x47: {  	_ =	shalt  }
0x48: {  	_ =	shalt  }
0x49: {  	_ =	shalt  }
0x4a: {  	_ =	shalt  }
0x4b: {  	_ =	shalt  }
0x4c: {  	_ =	shalt  }
0x4d: {  	_ =	shalt  }
0x4e: {  	_ =	shalt  }
0x4f: {  	_ =	shalt  }
0x50: {  	_ =	shalt  }
0x51: {  	_ =	shalt  }
0x52: {  	_ =	shalt  }
0x53: {  	_ =	shalt  }
0x54: {  	_ =	shalt  }
0x55: {  	_ =	shalt  }
0x56: {  	_ =	shalt  }
0x57: {  	_ =	shalt  }
0x58: {  	_ =	shalt  }
0x59: {  	_ =	shalt  }
0x5a: {  	_ =	shalt  }
0x5b: {  	_ =	shalt  }
0x5c: {  	_ =	shalt  }
0x5d: {  	_ =	shalt  }
0x5e: {  	_ =	shalt  }
0x5f: {  	_ =	shalt  }
0x60: {  	_ =	shalt  }
0x61: {  	_ =	shalt  }
0x62: {  	_ =	shalt  }
0x63: {  	_ =	shalt  }
0x64: {  	_ =	shalt  }
0x65: {  	_ =	shalt  }
0x66: {  	_ =	shalt  }
0x67: {  	_ =	shalt  }
0x68: {  	_ =	shalt  }
0x69: {  	_ =	shalt  }
0x6a: {  	_ =	shalt  }
0x6b: {  	_ =	shalt  }
0x6c: {  	_ =	shalt  }
0x6d: {  	_ =	shalt  }
0x6e: {  	_ =	shalt  }
0x6f: {  	_ =	shalt  }
0x70: {  	_ =	shalt  }
0x71: {  	_ =	shalt  }
0x72: {  	_ =	shalt  }
0x73: {  	_ =	shalt  }
0x74: {  	_ =	shalt  }
0x75: {  	_ =	shalt  }
0x76: {  	_ =	shalt  }
0x77: {  	_ =	shalt  }
0x78: {  	_ =	shalt  }
0x79: {  	_ =	shalt  }
0x7a: {  	_ =	shalt  }
0x7b: {  	_ =	shalt  }
0x7c: {  	_ =	shalt  }
0x7d: {  	_ =	shalt  }
0x7e: {  	_ =	shalt  }
0x7f: {  	_ =	shalt  }
0x80: {  	_ =	shalt  }
0x81: {  	_ =	shalt  }
0x82: {  	_ =	shalt  }
0x83: {  	_ =	shalt  }
0x84: {  	_ =	shalt  }
0x85: {  	_ =	shalt  }
0x86: {  	_ =	shalt  }
0x87: {  	_ =	shalt  }
.Lfunc_end0:
.L_simem_size_0:
called_computation.2_lowered:
.L_overlay_start_0:
0x88: {  	s2 =	sld [smem:$0x3FD9]  }
0x89: {  	s3 =	sld [smem:$0x3FFE];
	_ =	sdelay $0x1  }
0x8a: {  	s1 =	srdreg.scid  }
0x8b: {  	s0 =	sand.u32 $0x1, s1  }
0x8c: {  	s14 =	sshll.u32 s0, $0xA;
	s2 =	sadd.s32 s3, s2  }
0x8d: {  	s2 =	sadd.s32 s2, s14  }
0x8e: {  	[smem:$0x3F72] =	sst s2  }
0x8f: {  	_ = 	snop  }
0x90: {  	s2 =	sld [smem:$0x3FD0];
	_ =	sdelay $0x2  }
0x91: {  	s15 =	simm.s32 $0xA;
	s4 =	simm.s32 $0x10  }
0x92: {  	[smem:s4], [sflag:s15] =	dma.local [hbm:s2], $0x1  }
0x93: {  	_ =	swait.eq [sflag:s15], $0x1  }
0x94: {  	[sflag:s15] =	ssyncset.done $0x0  }
0x95: {  	[sflag:s15] =	ssyncadd.s32 $0xFFFFFFFF  }
0x96: {  	s16 =	sld [smem:$0x11];
	(tm) =	ssettm $0x1  }
0x97: {  	s17 =	sld [smem:$0x3FFB];
	_ =	sdelay $0x3  }
0x98: {  	_ =	strace s17  }
0x99: {  	s3 =	sld [smem:$0x3FFC];
	_ =	sdelay $0x3  }
0x9a: {  	_ =	strace s3  }
0x9b: {  	s3 =	sld [smem:$0x3FFD];
	_ =	sdelay $0x3  }
0x9c: {  	_ =	strace s3  }
0x9d: {  	_ =	strace $0x8FFFFFFF  }
0x9e: {  	s18 =	sld [smem:$0x3FDB];
	_ =	sdelay $0x1  }
0x9f: {  	s19 =	simm.s32 $_scs_section_size  }
0xa0: {  	s5 =	simm.s32 $_size__tile_overlayer_lowered;
	s6 =	simm.s32 $_tile_overlayer_lowered  }
0xa1: {  	s22 =	simm.s32 $0x1BFF;
	s21 =	sshll.u32 s6, $0x1;
	s3 =	sadd.s32 s19, s18  }
0xa2: {  	s7 =	simm.s32 $0x0;
	s20 =	sshll.u32 s5, $0x1;
	s5 =	sadd.s32 s21, s3  }
0xa3: {  	[timem:s7], [sflag:s22] =	dma.local [hbm:s5], s20  }
0xa4: {  	_ =	swait.ge [sflag:s22], s20  }
0xa5: {  	s4 =	ssub.s32 $0x0, s20;
	[sflag:s22] =	ssyncset.done $0x0  }
0xa6: {  	[sflag:s22] =	ssyncadd.s32 s4;
	_ =	sdelay $0x1  }
0xa7: {  	s23 =	simm.s32 $0x1B8B  }
0xa8: {  	_ =	swait.ge [sflag:s23], $0x1  }
0xa9: {  	[sflag:s23] =	ssyncset.done $0x0  }
0xaa: {  	s25 =	simm.s32 $0x1B8E;
	s24 =	sld [smem:$0x3FFE];
	[sflag:s23] =	ssyncadd.s32 $0xFFFFFFFF  }
0xab: {  	s26 =	simm.s32 $execute0_lowered;
	[smem:$0x3FD2] =	sst s25  }
0xac: {  	s5 =	sshll.u32 s26, $0x1;
	_ =	strace $0x8000004C;
	[dreg:$0x1] =	wrdreg $0xFFFFFFFF  }
0xad: {  	s28 =	simm.s32 $_size_execute0_lowered;
	s3 =	sadd.s32 s3, s5;
	[dreg:$0x0] =	wrdreg $0x0  }
0xae: {  	s5 =	sshll.u32 s28, $0x1;
	[dreg:$0x2] =	wrdreg s3  }
0xaf: {  	[dreg:$0x3] =	wrdreg s5  }
0xb0: {  	[dreg:$0x4] =	wrdreg $0xC0  }
0xb1: {  	_ =	task [dreg:s7], $0x5FFFF  }
0xb2: {  	[dreg:$0x1] =	wrdreg $0xFFFFFFFF  }
0xb3: {  	[dreg:$0x0] =	wrdreg $0x60  }
0xb4: {  	[dreg:$0x2] =	wrdreg s24  }
0xb5: {  	[dreg:$0x3] =	wrdreg s16  }
0xb6: {  	[dreg:$0x4] =	wrdreg $0xA0000  }
0xb7: {  	[dreg:$0x5] =	wrdreg $0x9  }
0xb8: {  	_ =	task.clear_ibuf [dreg:s7], $0x6FFFF;
	_ =	strace $0x9000004C  }
0xb9: {  	s29 =	simm.s32 $0x9;
	_ =	strace $0x8000004E  }
0xba: {  	_ =	swait.ge [sflag:s29], $0x1  }
0xbb: {  	[sflag:s29] =	ssyncadd.s32 $0xFFFFFFFF  }
0xbc: {  	_ =	strace $0x9000004E  }
0xbd: {  	_ =	sfence  }
0xbe: {  	s30 =	sld [smem:$0x0];
	_ =	sdelay $0x2  }
0xbf: {  	s31 =	sshll.u32 s1, $0xD;
	s1 =	sshrl.u32 s1, $0x2  }
0xc0: {  	s3 =	sand.u32 $0x4000, s31;
	s1 =	sadd.s32 s1, s30  }
0xc1: {  	s0 =	sor.u32 s3, s0;
	s1 =	sshll.u32 s1, $0x11  }
0xc2: {  	s0 =	sor.u32 s1, s0  }
0xc3: {  	s0 =	sadd.s32 $0x8F2B, s0  }
0xc4: {  	[sflag:s0] =	ssyncadd.remote.s32 $0x1  }
0xc5: {  	_ =	sfence.sel $0xFFFF  }
0xc6: {  	[dreg:$0x0] =	wrdreg $0xFFFFFFFF;
	(pc) =	sbr.abs _section_cstart, $3  }
0xc7: {  	[dreg:$0x1] =	wrdreg $0xFFFFFFFF  }
0xc8: {  	_ =	task.clear_ibuf [dreg:s7], $0x2FFFF;
	_ =	strace $0x9FFFFFFF  }
0xc9: {  	(tm) =	ssettm $0x7FFFFFFF  }
tec
execute0_lowered:
.L_overlay_start_1:
0x0: {  	(tag) =	ssettag $0x1  }
0x1: {  	s6 =	rddreg [dreg:$0x0]  }
0x2: {  	s1 =	rddreg [dreg:$0x1]  }
0x3: {  	s3 =	rddreg [dreg:$0x2]  }
0x4: {  	s2 =	srdreg.scid;
	s0 =	rddreg [dreg:$0x3]  }
0x5: {  	s4 =	simm.s32 $0x0;
	s16 =	simm.s32 $0x1;
	s17 =	simm.s32 $0x6000  }
0x6: {  	s18 =	simm.s32 $0x80;
	s7 =	sand.u32 $0x1, s2;
	s2 =	stileid.u32  }
0x7: {  	s21 =	simm.s32 $0x0;
	[smem:$0x7FF] =	sst s4;
	s8 =	smul.u32 $0x140000, s7  }
0x8: {  	s5 =	sshll.u32 s7, $0x4;
	s9 =	smul.u32 $0x14000, s2;
	_ =	strace $0x8000004D  }
0x9: {  	s28 =	ssub.s32 $0x2, s7;
	s30 =	smul.u32 $0x50000, s2;
	p0 =	seq.s32 s7, $0x0  }
0xa: {  	s19 =	sshll.u32 s2, $0x6;
	s5 =	sor.u32 s2, s5;
	s29 =	sshrl.u32 s28, $0x1  }
0xb: {  	s19 =	sor.u32 $0x1C01, s19;
	s10 =	smul.u32 $0x600, s5;
	s5 =	sadd.s32 $0x27400, s6  }
0xc: {  	s8 =	sadd.s32 s9, s8;
	s12 =	ssub.s32 s28, s29;
	s31 =	sshrl.u32 s30, $0x2  }
0xd: {  	s8 =	sshrl.u32 s8, $0x3;
	s9 =	sadd.s32 s31, s3;
	s26 =	sadd.s32 s10, s6  }
0xe: {  	s11 =	sadd.s32 s8, s6;
	s6 =	simm.s32 $0x5D;
	s13 =	sadd.s32 $0x8000, s9  }
0xf: {  	s14 =	sadd.s32 $0xC000, s9;
	s15 =	sadd.s32 $0x10000, s9;
	s20 =	sshrl.u32 s9, $0x3  }
0x10: {  	s6 =	simm.s32 @!p0 $0x40;
	s7 =	sadd.s32 $0xF400, s26;
	s8 =	sadd.s32 $0x1B400, s26  }
0x11: {  	s10 =	sadd.s32 $0x4F400, s11;
	s11 =	smax.u32 s12, $0x1;
	s12 =	sadd.s32 $0x4000, s9  }
.LBB2_1:
0x12: {  	[tilespmem:s4], [sflag:$0x1] =	stream.linear.gather [hbm4b:s7+s4], $0x2E80, $0x38;
	[tilespmem:$0x1E000] =	vst v63  }
0x13: {  	_ =	swait.ge [sflag:s16], $0x2E80  }
0x14: {  	[sflag:s16] =	ssyncset.done $0x0  }
0x15: {  	s22 =	simm.s32 $0x3000;
	[sflag:s16] =	ssyncadd.s32 $0xFFFFD180  }
0x16: {  	[tilespmem:s22], [sflag:$0x1] =	stream.linear.gather [hbm4b:s8+s4], $0x2E80, $0x38;
	[tilespmem:$0x1E000] =	vst v63  }
0x17: {  	_ =	swait.ge [sflag:s16], $0x2E80  }
0x18: {  	[sflag:s16] =	ssyncset.done $0x0  }
0x19: {  	[sflag:s16] =	ssyncadd.s32 $0xFFFFD180  }
0x1a: {  	[tilespmem:s17], [sflag:$0x1] =	stream.linear.gather [hbm4b:s1+s4], $0x4000, $0x38;
	[tilespmem:$0x1E000] =	vst v63  }
0x1b: {  	_ =	swait.ge [sflag:s16], $0x4000  }
0x1c: {  	[sflag:s16] =	ssyncset.done $0x0  }
0x1d: {  	[sflag:s16] =	ssyncadd.s32 $0xFFFFC000  }
0x1e: {  	[spmem:s9] =	stream.linear.scatter [tilespmem:s17], [sflag:$0x1], $0x4000, $0x38;
	[tilespmem:$0x1E000] =	vst v63  }
0x1f: {  	_ =	swait.ge [sflag:s16], $0x4000  }
0x20: {  	[sflag:s16] =	ssyncset.done $0x0  }
0x21: {  	[sflag:s16] =	ssyncadd.s32 $0xFFFFC000  }
0x22: {  	[spmem:s12] =	stream.linear.scatter [tilespmem:s17], [sflag:$0x1], $0x4000, $0x38;
	[tilespmem:$0x1E000] =	vst v63  }
0x23: {  	_ =	swait.ge [sflag:s16], $0x4000  }
0x24: {  	[sflag:s16] =	ssyncset.done $0x0  }
0x25: {  	[sflag:s16] =	ssyncadd.s32 $0xFFFFC000  }
0x26: {  	[spmem:s13] =	stream.linear.scatter [tilespmem:s17], [sflag:$0x1], $0x4000, $0x38;
	[tilespmem:$0x1E000] =	vst v63  }
0x27: {  	_ =	swait.ge [sflag:s16], $0x4000  }
0x28: {  	[sflag:s16] =	ssyncset.done $0x0  }
0x29: {  	[sflag:s16] =	ssyncadd.s32 $0xFFFFC000  }
0x2a: {  	[spmem:s14] =	stream.linear.scatter [tilespmem:s17], [sflag:$0x1], $0x4000, $0x38;
	[tilespmem:$0x1E000] =	vst v63  }
0x2b: {  	_ =	swait.ge [sflag:s16], $0x4000  }
0x2c: {  	[sflag:s16] =	ssyncset.done $0x0  }
0x2d: {  	[sflag:s16] =	ssyncadd.s32 $0xFFFFC000  }
0x2e: {  	[spmem:s15] =	stream.linear.scatter [tilespmem:s17], [sflag:$0x1], $0x4000, $0x38;
	[tilespmem:$0x1E000] =	vst v63  }
0x2f: {  	_ =	swait.ge [sflag:s16], $0x4000  }
0x30: {  	[sflag:s16] =	ssyncset.done $0x0  }
0x31: {  	[sflag:s16] =	ssyncadd.s32 $0xFFFFC000  }
0x32: {  	[bflag:$0x0] =	sbarrier.arrive $0xFFFF  }
0x33: {  	[tilespmem:s17], [sflag:$0x1] =	stream.indirect.gather [hbm4b:s5+s18], $0x80, s4, s18, $0xb8;
	[tilespmem:$0x1E000] =	vst v63  }
0x34: {  	p0 =	sne.s32 s6, $0x1;
	_ =	swait.ge [sflag:s16], $0x4000  }
.Ltmp0:
0x35: {  	[sflag:s16] =	ssyncset.done $0x0;
	(pc) =	sbr.rel @!p0 .LBB2_3-.Ltmp0, $4  }
0x36: {  	[sflag:s16] =	ssyncadd.s32 $0xFFFFC000  }
0x37: {  	[spmem:s3] =	stream.indirect.scatter.add.f32 [tilespmem:s17], [sflag:$0x1], $0x80, s22, s18, $0xb8;
	[tilespmem:$0x1E000] =	vst v63  }
0x38: {  	_ =	swait.ge [sflag:s16], $0x4000  }
0x39: {  	s23 =	sadd.s32 $0xFFFFFFFF, s6;
	s24 =	simm.s32 $0x0;
	[sflag:s16] =	ssyncset.done $0x0  }
.LBB2_2:
0x3a: {  	[sflag:s16] =	ssyncadd.s32 $0xFFFFC000;
	s24 =	sadd.s32 $0x80, s24;
	s22 =	sadd.s32 $0x80, s22  }
0x3b: {  	[tilespmem:s17], [sflag:$0x1] =	stream.indirect.gather [hbm4b:s5+s18], $0x80, s24, s18, $0xb8;
	[tilespmem:$0x1E000] =	vst v63  }
0x3c: {  	p0 =	sne.s32 s23, $0x1;
	s23 =	sadd.s32 $0xFFFFFFFF, s23;
	_ =	swait.ge [sflag:s16], $0x4000  }
.Ltmp1:
0x3d: {  	[sflag:s16] =	ssyncset.done $0x0;
	(pc) =	sbr.rel @p0 .LBB2_2-.Ltmp1, $4  }
0x3e: {  	[sflag:s16] =	ssyncadd.s32 $0xFFFFC000  }
0x3f: {  	[spmem:s3] =	stream.indirect.scatter.add.f32 [tilespmem:s17], [sflag:$0x1], $0x80, s22, s18, $0xb8;
	[tilespmem:$0x1E000] =	vst v63  }
0x40: {  	_ =	swait.ge [sflag:s16], $0x4000  }
0x41: {  	[sflag:s16] =	ssyncset.done $0x0  }
.LBB2_3:
0x42: {  	s21 =	sadd.s32 $0x1, s21  }
0x43: {  	[sflag:s16] =	ssyncadd.s32 $0xFFFFC000;
	p0 =	sne.s32 s21, s11  }
.Ltmp2:
0x44: {  	[bflag:$0x0] =	sbarrier.arrive $0xFFFF;
	(pc) =	sbr.rel @p0 .LBB2_1-.Ltmp2, $4  }
0x45: {  	[hbm:s10], [sflag:s19] =	dma.local [spmem:s20], $0x2800  }
0x46: {  	_ =	swait.ge [sflag:s16], $0x2800  }
0x47: {  	[sflag:s16] =	ssyncset.done $0x0  }
0x48: {  	[sflag:s16] =	ssyncadd.s32 $0xFFFFD800  }
0x49: {  	_ =	sfence.sel $0x180000  }
0x4a: {  	[bflag:$0x0] =	sbarrier.arrive $0xFFFF  }
0x4b: {  	p0 =	sne.s32 s2, $0x0;
	_ =	strace $0x9000004D  }
0x4c: {  	s0 =	sadd.s32 @!p0 $0x100000, s0;
	[bflag:$0x2] =	sbarrier.arrive $0xFFFF  }
0x4d: {  	[sflag:s0] =	ssyncadd.tile.s32 @!p0 $0x1;
	_ =	shalt  }
.Lfunc_end2:
_tile_overlayer_lowered:
.L_overlay_start_2:
0x4e: {  	(tag) =	ssettag $0x2  }
0x4f: {  	s0 =	rddreg [dreg:$0x0];
	s2 =	stileid.u32  }
0x50: {  	s1 =	rddreg [dreg:$0x1];
	p0 =	sne.s32 s2, $0x0  }
0x51: {  	s3 =	rddreg [dreg:$0x2];
	[bflag:$0x3] =	sbarrier.arrive $0xFFFF;
	s2 =	simm.s32 @!p0 $0x1C01  }
0x52: {  	[timem:s3], [sflag:s2] =	dma.local @!p0 [hbm:s0], s1  }
0x53: {  	s0 =	simm.s32 @!p0 $0x1  }
0x54: {  	_ =	swait.ge @!p0 [sflag:s0], s1  }
0x55: {  	s1 =	ssub.s32 @!p0 $0x0, s1;
	[sflag:s0] =	ssyncset.done @!p0 $0x0  }
0x56: {  	[sflag:s0] =	ssyncadd.s32 @!p0 s1  }
0x57: {  	[bflag:$0x3] =	sbarrier.arrive $0xFFFF  }
0x58: {  	_ =	shalt  }

// kernel: kernel.26.cloned.1.call-start
scs
__scs_entry_jumppad:
0x0: {  	(pc) =	sbr.rel $0x88, $3  }
0x1: {  	(tag) =	ssettag $0x0;
	lr =	simm.s32 $0x1  }
0x2: {  	[smem:$0x3F4B] =	sst lr;
	_ =	strace $0xD0000000  }
0x3: {  	_ = 	snop  }
0x4: {  	_ = 	snop  }
0x5: {  	_ = 	snop  }
0x6: {  	_ = 	snop  }
0x7: {  	_ = 	snop  }
__scs_overlays_trampoline_lowered:
0x8: {  	[smem:$0x3F5A] =	sst s0  }
0x9: {  	[smem:$0x3F5B] =	sst s1  }
0xa: {  	[smem:$0x3F5C] =	sst s2  }
0xb: {  	[smem:$0x3F5D] =	sst s3  }
0xc: {  	[smem:$0x3F5E] =	sst s4  }
0xd: {  	[smem:$0x3F5F] =	sst s5  }
0xe: {  	[smem:$0x3F60] =	sst s6  }
0xf: {  	[smem:$0x3F61] =	sst s7  }
0x10: {  	[smem:$0x3F62] =	sst s8  }
0x11: {  	[smem:$0x3F63] =	sst s9;
	s0 =	simm.s32 @!p0 $0x0  }
0x12: {  	s1 =	sld [smem:$0x3F49];
	s0 =	simm.s32 @p0 $0x1  }
0x13: {  	[smem:$0x3F64] =	sst s0;
	s0 =	simm.s32 @!p1 $0x0  }
0x14: {  	s2 =	sld [smem:$0x3F48];
	s0 =	simm.s32 @p1 $0x1  }
0x15: {  	[smem:$0x3F65] =	sst s0;
	s0 =	simm.s32 @!p2 $0x0  }
0x16: {  	s3 =	sld [smem:$0x3FDB];
	s0 =	simm.s32 @p2 $0x1  }
0x17: {  	s4 =	simm.s32 $0x1BF5;
	[smem:$0x3F67] =	sst s0  }
0x18: {  	s0 =	sld [smem:$0x3F4A];
	_ =	swait.ge [sflag:s4], $0x0  }
0x19: {  	s7 =	sld [smem:$0x3F4B]  }
0x1a: {  	s8 =	sadd.s32 $0xFFFFE003, lr  }
0x1b: {  	s9 =	sadd.s32 $0xFFFFFEF7, lr;
	s5 =	simm.s32 $0xFFFFFFFF;
	p2 =	slt.u32 s8, $0xFFFFF086  }
0x1c: {  	p1 =	slt.u32 s9, $0xF7A;
	s5 =	simm.s32 @!p2 $0x0  }
0x1d: {  	s5 =	simm.s32 @p1 $0x1;
	p0 =	seq.s32 s7, s2  }
0x1e: {  	s7 =	smul.u32 @!p0 $0xF7A, s2;
	p2 =	seq.s32 @!p0 s5, $0x0  }
0x1f: {  	s9 =	smul.u32 $0xF7A, s1;
	s8 =	simm.s32 @!p0 $0x1BF5;
	p2 =	por !p2, p0  }
0x20: {  	[sflag:s8] =	ssyncset.s32 @!p0 $0xFFFFF086;
	s6 =	sadd.s32 @!p0 s3, s7;
	s7 =	simm.s32 @!p0 $0x108  }
0x21: {  	s3 =	sadd.s32 s3, s9;
	s6 =	sadd.s32 @!p0 $0x88, s6;
	s7 =	simm.s32 @p2 $0x1082  }
0x22: {  	[simem:s7], [sflag:s8] =	dma.local @!p0 [hbm:s6], $0xF7A  }
0x23: {  	s9 =	sor.u32 $0xD0000000, s2;
	s6 =	simm.s32 $0x108;
	_ =	swait.ge @!p0 [sflag:s8], $0x0  }
0x24: {  	s3 =	sadd.s32 $0x88, s3;
	s6 =	simm.s32 @!p1 $0x1082;
	[sflag:s4] =	ssyncset.s32 $0xFFFFF086  }
0x25: {  	[simem:s6], [sflag:s4] =	dma.local [hbm:s3], $0xF7A  }
0x26: {  	[smem:$0x3F4B] =	sst s1;
	(tag) =	ssettag s2;
	_ =	strace s9  }
0x27: {  	s1 =	sld [smem:$0x3F5B]  }
0x28: {  	s2 =	sld [smem:$0x3F5C]  }
0x29: {  	s4 =	sld [smem:$0x3F5E]  }
0x2a: {  	p0 =	seq.s32 s5, $0x0;
	s5 =	sld [smem:$0x3F5F]  }
0x2b: {  	s6 =	sld [smem:$0x3F60]  }
0x2c: {  	s7 =	sld [smem:$0x3F61]  }
0x2d: {  	s3 =	simm.s32 $0x108;
	s8 =	sld [smem:$0x3F62]  }
0x2e: {  	s3 =	simm.s32 @!p0 $0x1082;
	s9 =	sld [smem:$0x3F63]  }
0x2f: {  	lr =	sadd.s32 s0, s3;
	s0 =	sld [smem:$0x3F5A]  }
0x30: {  	s3 =	sld [smem:$0x3F5D]  }
0x31: {  	[smem:$0x3F66] =	sst s10  }
0x32: {  	s10 =	sld [smem:$0x3F64];
	_ =	sdelay $0x3  }
0x33: {  	p0 =	seq.s32 s10, $0x1;
	s10 =	sld [smem:$0x3F66];
	_ =	sdelay $0x3  }
0x34: {  	[smem:$0x3F66] =	sst s10  }
0x35: {  	s10 =	sld [smem:$0x3F65];
	_ =	sdelay $0x3  }
0x36: {  	p1 =	seq.s32 s10, $0x1;
	s10 =	sld [smem:$0x3F66];
	_ =	sdelay $0x3  }
0x37: {  	[smem:$0x3F66] =	sst s10  }
0x38: {  	s10 =	sld [smem:$0x3F67]  }
0x39: {  	_ = 	snop;
	(pc) =	sbr.ind lr, $3  }
0x3a: {  	_ = 	snop  }
0x3b: {  	_ = 	snop  }
0x3c: {  	p2 =	seq.s32 s10, $0x1;
	s10 =	sld [smem:$0x3F66]  }
0x3d: {  	_ =	shalt  }
0x3e: {  	_ =	shalt  }
0x3f: {  	_ =	shalt  }
0x40: {  	_ =	shalt  }
0x41: {  	_ =	shalt  }
0x42: {  	_ =	shalt  }
0x43: {  	_ =	shalt  }
0x44: {  	_ =	shalt  }
0x45: {  	_ =	shalt  }
0x46: {  	_ =	shalt  }
0x47: {  	_ =	shalt  }
0x48: {  	_ =	shalt  }
0x49: {  	_ =	shalt  }
0x4a: {  	_ =	shalt  }
0x4b: {  	_ =	shalt  }
0x4c: {  	_ =	shalt  }
0x4d: {  	_ =	shalt  }
0x4e: {  	_ =	shalt  }
0x4f: {  	_ =	shalt  }
0x50: {  	_ =	shalt  }
0x51: {  	_ =	shalt  }
0x52: {  	_ =	shalt  }
0x53: {  	_ =	shalt  }
0x54: {  	_ =	shalt  }
0x55: {  	_ =	shalt  }
0x56: {  	_ =	shalt  }
0x57: {  	_ =	shalt  }
0x58: {  	_ =	shalt  }
0x59: {  	_ =	shalt  }
0x5a: {  	_ =	shalt  }
0x5b: {  	_ =	shalt  }
0x5c: {  	_ =	shalt  }
0x5d: {  	_ =	shalt  }
0x5e: {  	_ =	shalt  }
0x5f: {  	_ =	shalt  }
0x60: {  	_ =	shalt  }
0x61: {  	_ =	shalt  }
0x62: {  	_ =	shalt  }
0x63: {  	_ =	shalt  }
0x64: {  	_ =	shalt  }
0x65: {  	_ =	shalt  }
0x66: {  	_ =	shalt  }
0x67: {  	_ =	shalt  }
0x68: {  	_ =	shalt  }
0x69: {  	_ =	shalt  }
0x6a: {  	_ =	shalt  }
0x6b: {  	_ =	shalt  }
0x6c: {  	_ =	shalt  }
0x6d: {  	_ =	shalt  }
0x6e: {  	_ =	shalt  }
0x6f: {  	_ =	shalt  }
0x70: {  	_ =	shalt  }
0x71: {  	_ =	shalt  }
0x72: {  	_ =	shalt  }
0x73: {  	_ =	shalt  }
0x74: {  	_ =	shalt  }
0x75: {  	_ =	shalt  }
0x76: {  	_ =	shalt  }
0x77: {  	_ =	shalt  }
0x78: {  	_ =	shalt  }
0x79: {  	_ =	shalt  }
0x7a: {  	_ =	shalt  }
0x7b: {  	_ =	shalt  }
0x7c: {  	_ =	shalt  }
0x7d: {  	_ =	shalt  }
0x7e: {  	_ =	shalt  }
0x7f: {  	_ =	shalt  }
0x80: {  	_ =	shalt  }
0x81: {  	_ =	shalt  }
0x82: {  	_ =	shalt  }
0x83: {  	_ =	shalt  }
0x84: {  	_ =	shalt  }
0x85: {  	_ =	shalt  }
0x86: {  	_ =	shalt  }
0x87: {  	_ =	shalt  }
.Lfunc_end0:
.L_simem_size_0:
called_computation.3_lowered:
.L_overlay_start_0:
0x88: {  	s2 =	sld [smem:$0x3FD9]  }
0x89: {  	s3 =	sld [smem:$0x3FFE];
	_ =	sdelay $0x1  }
0x8a: {  	s1 =	srdreg.scid  }
0x8b: {  	s0 =	sand.u32 $0x1, s1  }
0x8c: {  	s14 =	sshll.u32 s0, $0xA;
	s2 =	sadd.s32 s3, s2  }
0x8d: {  	s2 =	sadd.s32 s2, s14  }
0x8e: {  	[smem:$0x3F72] =	sst s2  }
0x8f: {  	_ = 	snop  }
0x90: {  	s2 =	sld [smem:$0x3FD0];
	_ =	sdelay $0x2  }
0x91: {  	s15 =	simm.s32 $0xA;
	s4 =	simm.s32 $0x10  }
0x92: {  	[smem:s4], [sflag:s15] =	dma.local [hbm:s2], $0x1  }
0x93: {  	_ =	swait.eq [sflag:s15], $0x1  }
0x94: {  	[sflag:s15] =	ssyncset.done $0x0  }
0x95: {  	[sflag:s15] =	ssyncadd.s32 $0xFFFFFFFF  }
0x96: {  	s16 =	sld [smem:$0x11];
	(tm) =	ssettm $0x1  }
0x97: {  	s17 =	sld [smem:$0x3FFB];
	_ =	sdelay $0x3  }
0x98: {  	_ =	strace s17  }
0x99: {  	s3 =	sld [smem:$0x3FFC];
	_ =	sdelay $0x3  }
0x9a: {  	_ =	strace s3  }
0x9b: {  	s3 =	sld [smem:$0x3FFD];
	_ =	sdelay $0x3  }
0x9c: {  	_ =	strace s3  }
0x9d: {  	_ =	strace $0x8FFFFFFF  }
0x9e: {  	s18 =	sld [smem:$0x3FDB];
	_ =	sdelay $0x1  }
0x9f: {  	s19 =	simm.s32 $_scs_section_size  }
0xa0: {  	s5 =	simm.s32 $_size__tile_overlayer_lowered;
	s6 =	simm.s32 $_tile_overlayer_lowered  }
0xa1: {  	s22 =	simm.s32 $0x1BFF;
	s21 =	sshll.u32 s6, $0x1;
	s3 =	sadd.s32 s19, s18  }
0xa2: {  	s7 =	simm.s32 $0x0;
	s20 =	sshll.u32 s5, $0x1;
	s5 =	sadd.s32 s21, s3  }
0xa3: {  	[timem:s7], [sflag:s22] =	dma.local [hbm:s5], s20  }
0xa4: {  	_ =	swait.ge [sflag:s22], s20  }
0xa5: {  	s4 =	ssub.s32 $0x0, s20;
	[sflag:s22] =	ssyncset.done $0x0  }
0xa6: {  	[sflag:s22] =	ssyncadd.s32 s4;
	_ =	sdelay $0x1  }
0xa7: {  	s23 =	simm.s32 $0x1B8B  }
0xa8: {  	_ =	swait.ge [sflag:s23], $0x1  }
0xa9: {  	[sflag:s23] =	ssyncset.done $0x0  }
0xaa: {  	s25 =	simm.s32 $0x1B8E;
	s24 =	sld [smem:$0x3FFE];
	[sflag:s23] =	ssyncadd.s32 $0xFFFFFFFF  }
0xab: {  	s26 =	simm.s32 $execute0_lowered;
	[smem:$0x3FD2] =	sst s25  }
0xac: {  	s5 =	sshll.u32 s26, $0x1;
	_ =	strace $0x8000004F;
	[dreg:$0x1] =	wrdreg $0xFFFFFFFF  }
0xad: {  	s28 =	simm.s32 $_size_execute0_lowered;
	s3 =	sadd.s32 s3, s5;
	[dreg:$0x0] =	wrdreg $0x0  }
0xae: {  	s5 =	sshll.u32 s28, $0x1;
	[dreg:$0x2] =	wrdreg s3  }
0xaf: {  	[dreg:$0x3] =	wrdreg s5  }
0xb0: {  	[dreg:$0x4] =	wrdreg $0xC0  }
0xb1: {  	_ =	task [dreg:s7], $0x5FFFF  }
0xb2: {  	[dreg:$0x1] =	wrdreg $0xFFFFFFFF  }
0xb3: {  	[dreg:$0x0] =	wrdreg $0x60  }
0xb4: {  	[dreg:$0x2] =	wrdreg s24  }
0xb5: {  	[dreg:$0x3] =	wrdreg s16  }
0xb6: {  	[dreg:$0x4] =	wrdreg $0xA0000  }
0xb7: {  	[dreg:$0x5] =	wrdreg $0x9  }
0xb8: {  	_ =	task.clear_ibuf [dreg:s7], $0x6FFFF;
	_ =	strace $0x9000004F  }
0xb9: {  	s29 =	simm.s32 $0x9;
	_ =	strace $0x80000051  }
0xba: {  	_ =	swait.ge [sflag:s29], $0x1  }
0xbb: {  	[sflag:s29] =	ssyncadd.s32 $0xFFFFFFFF  }
0xbc: {  	_ =	strace $0x90000051  }
0xbd: {  	_ =	sfence  }
0xbe: {  	s30 =	sld [smem:$0x0];
	_ =	sdelay $0x2  }
0xbf: {  	s31 =	sshll.u32 s1, $0xD;
	s1 =	sshrl.u32 s1, $0x2  }
0xc0: {  	s3 =	sand.u32 $0x4000, s31;
	s1 =	sadd.s32 s1, s30  }
0xc1: {  	s0 =	sor.u32 s3, s0;
	s1 =	sshll.u32 s1, $0x11  }
0xc2: {  	s0 =	sor.u32 s1, s0  }
0xc3: {  	s0 =	sadd.s32 $0x8F2B, s0  }
0xc4: {  	[sflag:s0] =	ssyncadd.remote.s32 $0x1  }
0xc5: {  	_ =	sfence.sel $0xFFFF  }
0xc6: {  	[dreg:$0x0] =	wrdreg $0xFFFFFFFF;
	(pc) =	sbr.abs _section_cstart, $3  }
0xc7: {  	[dreg:$0x1] =	wrdreg $0xFFFFFFFF  }
0xc8: {  	_ =	task.clear_ibuf [dreg:s7], $0x2FFFF;
	_ =	strace $0x9FFFFFFF  }
0xc9: {  	(tm) =	ssettm $0x7FFFFFFF  }
tec
execute0_lowered:
.L_overlay_start_1:
0x0: {  	(tag) =	ssettag $0x1  }
0x1: {  	s6 =	rddreg [dreg:$0x0]  }
0x2: {  	s1 =	rddreg [dreg:$0x1]  }
0x3: {  	s3 =	rddreg [dreg:$0x2]  }
0x4: {  	s2 =	srdreg.scid;
	s0 =	rddreg [dreg:$0x3]  }
0x5: {  	s4 =	simm.s32 $0x0;
	s16 =	simm.s32 $0x1;
	s17 =	simm.s32 $0x6000  }
0x6: {  	s18 =	simm.s32 $0x80;
	s7 =	sand.u32 $0x1, s2;
	s2 =	stileid.u32  }
0x7: {  	s21 =	simm.s32 $0x0;
	[smem:$0x7FF] =	sst s4;
	s8 =	smul.u32 $0x140000, s7  }
0x8: {  	s5 =	sshll.u32 s7, $0x4;
	s9 =	smul.u32 $0x14000, s2;
	_ =	strace $0x80000050  }
0x9: {  	s28 =	ssub.s32 $0x2, s7;
	s30 =	smul.u32 $0x50000, s2;
	p0 =	seq.s32 s7, $0x0  }
0xa: {  	s19 =	sshll.u32 s2, $0x6;
	s5 =	sor.u32 s2, s5;
	s29 =	sshrl.u32 s28, $0x1  }
0xb: {  	s19 =	sor.u32 $0x1C01, s19;
	s10 =	smul.u32 $0x600, s5;
	s5 =	sadd.s32 $0x27400, s6  }
0xc: {  	s8 =	sadd.s32 s9, s8;
	s12 =	ssub.s32 s28, s29;
	s31 =	sshrl.u32 s30, $0x2  }
0xd: {  	s8 =	sshrl.u32 s8, $0x3;
	s9 =	sadd.s32 s31, s3;
	s26 =	sadd.s32 s10, s6  }
0xe: {  	s11 =	sadd.s32 s8, s6;
	s6 =	simm.s32 $0x5D;
	s13 =	sadd.s32 $0x8000, s9  }
0xf: {  	s14 =	sadd.s32 $0xC000, s9;
	s15 =	sadd.s32 $0x10000, s9;
	s20 =	sshrl.u32 s9, $0x3  }
0x10: {  	s6 =	simm.s32 @!p0 $0x40;
	s7 =	sadd.s32 $0xF400, s26;
	s8 =	sadd.s32 $0x1B400, s26  }
0x11: {  	s10 =	sadd.s32 $0xC7400, s11;
	s11 =	smax.u32 s12, $0x1;
	s12 =	sadd.s32 $0x4000, s9  }
.LBB2_1:
0x12: {  	[tilespmem:s4], [sflag:$0x1] =	stream.linear.gather [hbm4b:s7+s4], $0x2E80, $0x38;
	[tilespmem:$0x1E000] =	vst v63  }
0x13: {  	_ =	swait.ge [sflag:s16], $0x2E80  }
0x14: {  	[sflag:s16] =	ssyncset.done $0x0  }
0x15: {  	s22 =	simm.s32 $0x3000;
	[sflag:s16] =	ssyncadd.s32 $0xFFFFD180  }
0x16: {  	[tilespmem:s22], [sflag:$0x1] =	stream.linear.gather [hbm4b:s8+s4], $0x2E80, $0x38;
	[tilespmem:$0x1E000] =	vst v63  }
0x17: {  	_ =	swait.ge [sflag:s16], $0x2E80  }
0x18: {  	[sflag:s16] =	ssyncset.done $0x0  }
0x19: {  	[sflag:s16] =	ssyncadd.s32 $0xFFFFD180  }
0x1a: {  	[tilespmem:s17], [sflag:$0x1] =	stream.linear.gather [hbm4b:s1+s4], $0x4000, $0x38;
	[tilespmem:$0x1E000] =	vst v63  }
0x1b: {  	_ =	swait.ge [sflag:s16], $0x4000  }
0x1c: {  	[sflag:s16] =	ssyncset.done $0x0  }
0x1d: {  	[sflag:s16] =	ssyncadd.s32 $0xFFFFC000  }
0x1e: {  	[spmem:s9] =	stream.linear.scatter [tilespmem:s17], [sflag:$0x1], $0x4000, $0x38;
	[tilespmem:$0x1E000] =	vst v63  }
0x1f: {  	_ =	swait.ge [sflag:s16], $0x4000  }
0x20: {  	[sflag:s16] =	ssyncset.done $0x0  }
0x21: {  	[sflag:s16] =	ssyncadd.s32 $0xFFFFC000  }
0x22: {  	[spmem:s12] =	stream.linear.scatter [tilespmem:s17], [sflag:$0x1], $0x4000, $0x38;
	[tilespmem:$0x1E000] =	vst v63  }
0x23: {  	_ =	swait.ge [sflag:s16], $0x4000  }
0x24: {  	[sflag:s16] =	ssyncset.done $0x0  }
0x25: {  	[sflag:s16] =	ssyncadd.s32 $0xFFFFC000  }
0x26: {  	[spmem:s13] =	stream.linear.scatter [tilespmem:s17], [sflag:$0x1], $0x4000, $0x38;
	[tilespmem:$0x1E000] =	vst v63  }
0x27: {  	_ =	swait.ge [sflag:s16], $0x4000  }
0x28: {  	[sflag:s16] =	ssyncset.done $0x0  }
0x29: {  	[sflag:s16] =	ssyncadd.s32 $0xFFFFC000  }
0x2a: {  	[spmem:s14] =	stream.linear.scatter [tilespmem:s17], [sflag:$0x1], $0x4000, $0x38;
	[tilespmem:$0x1E000] =	vst v63  }
0x2b: {  	_ =	swait.ge [sflag:s16], $0x4000  }
0x2c: {  	[sflag:s16] =	ssyncset.done $0x0  }
0x2d: {  	[sflag:s16] =	ssyncadd.s32 $0xFFFFC000  }
0x2e: {  	[spmem:s15] =	stream.linear.scatter [tilespmem:s17], [sflag:$0x1], $0x4000, $0x38;
	[tilespmem:$0x1E000] =	vst v63  }
0x2f: {  	_ =	swait.ge [sflag:s16], $0x4000  }
0x30: {  	[sflag:s16] =	ssyncset.done $0x0  }
0x31: {  	[sflag:s16] =	ssyncadd.s32 $0xFFFFC000  }
0x32: {  	[bflag:$0x0] =	sbarrier.arrive $0xFFFF  }
0x33: {  	[tilespmem:s17], [sflag:$0x1] =	stream.indirect.gather [hbm4b:s5+s18], $0x80, s4, s18, $0xb8;
	[tilespmem:$0x1E000] =	vst v63  }
0x34: {  	p0 =	sne.s32 s6, $0x1;
	_ =	swait.ge [sflag:s16], $0x4000  }
.Ltmp0:
0x35: {  	[sflag:s16] =	ssyncset.done $0x0;
	(pc) =	sbr.rel @!p0 .LBB2_3-.Ltmp0, $4  }
0x36: {  	[sflag:s16] =	ssyncadd.s32 $0xFFFFC000  }
0x37: {  	[spmem:s3] =	stream.indirect.scatter.add.f32 [tilespmem:s17], [sflag:$0x1], $0x80, s22, s18, $0xb8;
	[tilespmem:$0x1E000] =	vst v63  }
0x38: {  	_ =	swait.ge [sflag:s16], $0x4000  }
0x39: {  	s23 =	sadd.s32 $0xFFFFFFFF, s6;
	s24 =	simm.s32 $0x0;
	[sflag:s16] =	ssyncset.done $0x0  }
.LBB2_2:
0x3a: {  	[sflag:s16] =	ssyncadd.s32 $0xFFFFC000;
	s24 =	sadd.s32 $0x80, s24;
	s22 =	sadd.s32 $0x80, s22  }
0x3b: {  	[tilespmem:s17], [sflag:$0x1] =	stream.indirect.gather [hbm4b:s5+s18], $0x80, s24, s18, $0xb8;
	[tilespmem:$0x1E000] =	vst v63  }
0x3c: {  	p0 =	sne.s32 s23, $0x1;
	s23 =	sadd.s32 $0xFFFFFFFF, s23;
	_ =	swait.ge [sflag:s16], $0x4000  }
.Ltmp1:
0x3d: {  	[sflag:s16] =	ssyncset.done $0x0;
	(pc) =	sbr.rel @p0 .LBB2_2-.Ltmp1, $4  }
0x3e: {  	[sflag:s16] =	ssyncadd.s32 $0xFFFFC000  }
0x3f: {  	[spmem:s3] =	stream.indirect.scatter.add.f32 [tilespmem:s17], [sflag:$0x1], $0x80, s22, s18, $0xb8;
	[tilespmem:$0x1E000] =	vst v63  }
0x40: {  	_ =	swait.ge [sflag:s16], $0x4000  }
0x41: {  	[sflag:s16] =	ssyncset.done $0x0  }
.LBB2_3:
0x42: {  	s21 =	sadd.s32 $0x1, s21  }
0x43: {  	[sflag:s16] =	ssyncadd.s32 $0xFFFFC000;
	p0 =	sne.s32 s21, s11  }
.Ltmp2:
0x44: {  	[bflag:$0x0] =	sbarrier.arrive $0xFFFF;
	(pc) =	sbr.rel @p0 .LBB2_1-.Ltmp2, $4  }
0x45: {  	[hbm:s10], [sflag:s19] =	dma.local [spmem:s20], $0x2800  }
0x46: {  	_ =	swait.ge [sflag:s16], $0x2800  }
0x47: {  	[sflag:s16] =	ssyncset.done $0x0  }
0x48: {  	[sflag:s16] =	ssyncadd.s32 $0xFFFFD800  }
0x49: {  	_ =	sfence.sel $0x180000  }
0x4a: {  	[bflag:$0x0] =	sbarrier.arrive $0xFFFF  }
0x4b: {  	p0 =	sne.s32 s2, $0x0;
	_ =	strace $0x90000050  }
0x4c: {  	s0 =	sadd.s32 @!p0 $0x100000, s0;
	[bflag:$0x2] =	sbarrier.arrive $0xFFFF  }
0x4d: {  	[sflag:s0] =	ssyncadd.tile.s32 @!p0 $0x1;
	_ =	shalt  }
.Lfunc_end2:
_tile_overlayer_lowered:
.L_overlay_start_2:
0x4e: {  	(tag) =	ssettag $0x2  }
0x4f: {  	s0 =	rddreg [dreg:$0x0];
	s2 =	stileid.u32  }
0x50: {  	s1 =	rddreg [dreg:$0x1];
	p0 =	sne.s32 s2, $0x0  }
0x51: {  	s3 =	rddreg [dreg:$0x2];
	[bflag:$0x3] =	sbarrier.arrive $0xFFFF;
	s2 =	simm.s32 @!p0 $0x1C01  }
0x52: {  	[timem:s3], [sflag:s2] =	dma.local @!p0 [hbm:s0], s1  }
0x53: {  	s0 =	simm.s32 @!p0 $0x1  }
0x54: {  	_ =	swait.ge @!p0 [sflag:s0], s1  }
0x55: {  	s1 =	ssub.s32 @!p0 $0x0, s1;
	[sflag:s0] =	ssyncset.done @!p0 $0x0  }
0x56: {  	[sflag:s0] =	ssyncadd.s32 @!p0 s1  }
0x57: {  	[bflag:$0x3] =	sbarrier.arrive $0xFFFF  }
0x58: {  	_ =	shalt  }

// kernel: kernel.29.cloned.1.call-start
scs
__scs_entry_jumppad:
0x0: {  	(pc) =	sbr.rel $0x88, $3  }
0x1: {  	(tag) =	ssettag $0x0;
	lr =	simm.s32 $0x1  }
0x2: {  	[smem:$0x3F4B] =	sst lr;
	_ =	strace $0xD0000000  }
0x3: {  	_ = 	snop  }
0x4: {  	_ = 	snop  }
0x5: {  	_ = 	snop  }
0x6: {  	_ = 	snop  }
0x7: {  	_ = 	snop  }
__scs_overlays_trampoline_lowered:
0x8: {  	[smem:$0x3F5A] =	sst s0  }
0x9: {  	[smem:$0x3F5B] =	sst s1  }
0xa: {  	[smem:$0x3F5C] =	sst s2  }
0xb: {  	[smem:$0x3F5D] =	sst s3  }
0xc: {  	[smem:$0x3F5E] =	sst s4  }
0xd: {  	[smem:$0x3F5F] =	sst s5  }
0xe: {  	[smem:$0x3F60] =	sst s6  }
0xf: {  	[smem:$0x3F61] =	sst s7  }
0x10: {  	[smem:$0x3F62] =	sst s8  }
0x11: {  	[smem:$0x3F63] =	sst s9;
	s0 =	simm.s32 @!p0 $0x0  }
0x12: {  	s1 =	sld [smem:$0x3F49];
	s0 =	simm.s32 @p0 $0x1  }
0x13: {  	[smem:$0x3F64] =	sst s0;
	s0 =	simm.s32 @!p1 $0x0  }
0x14: {  	s2 =	sld [smem:$0x3F48];
	s0 =	simm.s32 @p1 $0x1  }
0x15: {  	[smem:$0x3F65] =	sst s0;
	s0 =	simm.s32 @!p2 $0x0  }
0x16: {  	s3 =	sld [smem:$0x3FDB];
	s0 =	simm.s32 @p2 $0x1  }
0x17: {  	s4 =	simm.s32 $0x1BF5;
	[smem:$0x3F67] =	sst s0  }
0x18: {  	s0 =	sld [smem:$0x3F4A];
	_ =	swait.ge [sflag:s4], $0x0  }
0x19: {  	s7 =	sld [smem:$0x3F4B]  }
0x1a: {  	s8 =	sadd.s32 $0xFFFFE003, lr  }
0x1b: {  	s9 =	sadd.s32 $0xFFFFFEF7, lr;
	s5 =	simm.s32 $0xFFFFFFFF;
	p2 =	slt.u32 s8, $0xFFFFF086  }
0x1c: {  	p1 =	slt.u32 s9, $0xF7A;
	s5 =	simm.s32 @!p2 $0x0  }
0x1d: {  	s5 =	simm.s32 @p1 $0x1;
	p0 =	seq.s32 s7, s2  }
0x1e: {  	s7 =	smul.u32 @!p0 $0xF7A, s2;
	p2 =	seq.s32 @!p0 s5, $0x0  }
0x1f: {  	s9 =	smul.u32 $0xF7A, s1;
	s8 =	simm.s32 @!p0 $0x1BF5;
	p2 =	por !p2, p0  }
0x20: {  	[sflag:s8] =	ssyncset.s32 @!p0 $0xFFFFF086;
	s6 =	sadd.s32 @!p0 s3, s7;
	s7 =	simm.s32 @!p0 $0x108  }
0x21: {  	s3 =	sadd.s32 s3, s9;
	s6 =	sadd.s32 @!p0 $0x88, s6;
	s7 =	simm.s32 @p2 $0x1082  }
0x22: {  	[simem:s7], [sflag:s8] =	dma.local @!p0 [hbm:s6], $0xF7A  }
0x23: {  	s9 =	sor.u32 $0xD0000000, s2;
	s6 =	simm.s32 $0x108;
	_ =	swait.ge @!p0 [sflag:s8], $0x0  }
0x24: {  	s3 =	sadd.s32 $0x88, s3;
	s6 =	simm.s32 @!p1 $0x1082;
	[sflag:s4] =	ssyncset.s32 $0xFFFFF086  }
0x25: {  	[simem:s6], [sflag:s4] =	dma.local [hbm:s3], $0xF7A  }
0x26: {  	[smem:$0x3F4B] =	sst s1;
	(tag) =	ssettag s2;
	_ =	strace s9  }
0x27: {  	s1 =	sld [smem:$0x3F5B]  }
0x28: {  	s2 =	sld [smem:$0x3F5C]  }
0x29: {  	s4 =	sld [smem:$0x3F5E]  }
0x2a: {  	p0 =	seq.s32 s5, $0x0;
	s5 =	sld [smem:$0x3F5F]  }
0x2b: {  	s6 =	sld [smem:$0x3F60]  }
0x2c: {  	s7 =	sld [smem:$0x3F61]  }
0x2d: {  	s3 =	simm.s32 $0x108;
	s8 =	sld [smem:$0x3F62]  }
0x2e: {  	s3 =	simm.s32 @!p0 $0x1082;
	s9 =	sld [smem:$0x3F63]  }
0x2f: {  	lr =	sadd.s32 s0, s3;
	s0 =	sld [smem:$0x3F5A]  }
0x30: {  	s3 =	sld [smem:$0x3F5D]  }
0x31: {  	[smem:$0x3F66] =	sst s10  }
0x32: {  	s10 =	sld [smem:$0x3F64];
	_ =	sdelay $0x3  }
0x33: {  	p0 =	seq.s32 s10, $0x1;
	s10 =	sld [smem:$0x3F66];
	_ =	sdelay $0x3  }
0x34: {  	[smem:$0x3F66] =	sst s10  }
0x35: {  	s10 =	sld [smem:$0x3F65];
	_ =	sdelay $0x3  }
0x36: {  	p1 =	seq.s32 s10, $0x1;
	s10 =	sld [smem:$0x3F66];
	_ =	sdelay $0x3  }
0x37: {  	[smem:$0x3F66] =	sst s10  }
0x38: {  	s10 =	sld [smem:$0x3F67]  }
0x39: {  	_ = 	snop;
	(pc) =	sbr.ind lr, $3  }
0x3a: {  	_ = 	snop  }
0x3b: {  	_ = 	snop  }
0x3c: {  	p2 =	seq.s32 s10, $0x1;
	s10 =	sld [smem:$0x3F66]  }
0x3d: {  	_ =	shalt  }
0x3e: {  	_ =	shalt  }
0x3f: {  	_ =	shalt  }
0x40: {  	_ =	shalt  }
0x41: {  	_ =	shalt  }
0x42: {  	_ =	shalt  }
0x43: {  	_ =	shalt  }
0x44: {  	_ =	shalt  }
0x45: {  	_ =	shalt  }
0x46: {  	_ =	shalt  }
0x47: {  	_ =	shalt  }
0x48: {  	_ =	shalt  }
0x49: {  	_ =	shalt  }
0x4a: {  	_ =	shalt  }
0x4b: {  	_ =	shalt  }
0x4c: {  	_ =	shalt  }
0x4d: {  	_ =	shalt  }
0x4e: {  	_ =	shalt  }
0x4f: {  	_ =	shalt  }
0x50: {  	_ =	shalt  }
0x51: {  	_ =	shalt  }
0x52: {  	_ =	shalt  }
0x53: {  	_ =	shalt  }
0x54: {  	_ =	shalt  }
0x55: {  	_ =	shalt  }
0x56: {  	_ =	shalt  }
0x57: {  	_ =	shalt  }
0x58: {  	_ =	shalt  }
0x59: {  	_ =	shalt  }
0x5a: {  	_ =	shalt  }
0x5b: {  	_ =	shalt  }
0x5c: {  	_ =	shalt  }
0x5d: {  	_ =	shalt  }
0x5e: {  	_ =	shalt  }
0x5f: {  	_ =	shalt  }
0x60: {  	_ =	shalt  }
0x61: {  	_ =	shalt  }
0x62: {  	_ =	shalt  }
0x63: {  	_ =	shalt  }
0x64: {  	_ =	shalt  }
0x65: {  	_ =	shalt  }
0x66: {  	_ =	shalt  }
0x67: {  	_ =	shalt  }
0x68: {  	_ =	shalt  }
0x69: {  	_ =	shalt  }
0x6a: {  	_ =	shalt  }
0x6b: {  	_ =	shalt  }
0x6c: {  	_ =	shalt  }
0x6d: {  	_ =	shalt  }
0x6e: {  	_ =	shalt  }
0x6f: {  	_ =	shalt  }
0x70: {  	_ =	shalt  }
0x71: {  	_ =	shalt  }
0x72: {  	_ =	shalt  }
0x73: {  	_ =	shalt  }
0x74: {  	_ =	shalt  }
0x75: {  	_ =	shalt  }
0x76: {  	_ =	shalt  }
0x77: {  	_ =	shalt  }
0x78: {  	_ =	shalt  }
0x79: {  	_ =	shalt  }
0x7a: {  	_ =	shalt  }
0x7b: {  	_ =	shalt  }
0x7c: {  	_ =	shalt  }
0x7d: {  	_ =	shalt  }
0x7e: {  	_ =	shalt  }
0x7f: {  	_ =	shalt  }
0x80: {  	_ =	shalt  }
0x81: {  	_ =	shalt  }
0x82: {  	_ =	shalt  }
0x83: {  	_ =	shalt  }
0x84: {  	_ =	shalt  }
0x85: {  	_ =	shalt  }
0x86: {  	_ =	shalt  }
0x87: {  	_ =	shalt  }
.Lfunc_end0:
.L_simem_size_0:
called_computation.4_lowered:
.L_overlay_start_0:
0x88: {  	s2 =	sld [smem:$0x3FD9]  }
0x89: {  	s3 =	sld [smem:$0x3FFE];
	_ =	sdelay $0x1  }
0x8a: {  	s1 =	srdreg.scid  }
0x8b: {  	s0 =	sand.u32 $0x1, s1  }
0x8c: {  	s14 =	sshll.u32 s0, $0xA;
	s2 =	sadd.s32 s3, s2  }
0x8d: {  	s2 =	sadd.s32 s2, s14  }
0x8e: {  	[smem:$0x3F72] =	sst s2  }
0x8f: {  	_ = 	snop  }
0x90: {  	s2 =	sld [smem:$0x3FD0];
	_ =	sdelay $0x2  }
0x91: {  	s15 =	simm.s32 $0xA;
	s4 =	simm.s32 $0x10  }
0x92: {  	[smem:s4], [sflag:s15] =	dma.local [hbm:s2], $0x1  }
0x93: {  	_ =	swait.eq [sflag:s15], $0x1  }
0x94: {  	[sflag:s15] =	ssyncset.done $0x0  }
0x95: {  	[sflag:s15] =	ssyncadd.s32 $0xFFFFFFFF  }
0x96: {  	s16 =	sld [smem:$0x11];
	(tm) =	ssettm $0x1  }
0x97: {  	s17 =	sld [smem:$0x3FFB];
	_ =	sdelay $0x3  }
0x98: {  	_ =	strace s17  }
0x99: {  	s3 =	sld [smem:$0x3FFC];
	_ =	sdelay $0x3  }
0x9a: {  	_ =	strace s3  }
0x9b: {  	s3 =	sld [smem:$0x3FFD];
	_ =	sdelay $0x3  }
0x9c: {  	_ =	strace s3  }
0x9d: {  	_ =	strace $0x8FFFFFFF  }
0x9e: {  	s18 =	sld [smem:$0x3FDB];
	_ =	sdelay $0x1  }
0x9f: {  	s19 =	simm.s32 $_scs_section_size  }
0xa0: {  	s5 =	simm.s32 $_size__tile_overlayer_lowered;
	s6 =	simm.s32 $_tile_overlayer_lowered  }
0xa1: {  	s22 =	simm.s32 $0x1BFF;
	s21 =	sshll.u32 s6, $0x1;
	s3 =	sadd.s32 s19, s18  }
0xa2: {  	s7 =	simm.s32 $0x0;
	s20 =	sshll.u32 s5, $0x1;
	s5 =	sadd.s32 s21, s3  }
0xa3: {  	[timem:s7], [sflag:s22] =	dma.local [hbm:s5], s20  }
0xa4: {  	_ =	swait.ge [sflag:s22], s20  }
0xa5: {  	s4 =	ssub.s32 $0x0, s20;
	[sflag:s22] =	ssyncset.done $0x0  }
0xa6: {  	[sflag:s22] =	ssyncadd.s32 s4;
	_ =	sdelay $0x1  }
0xa7: {  	s23 =	simm.s32 $0x1B8B  }
0xa8: {  	_ =	swait.ge [sflag:s23], $0x1  }
0xa9: {  	[sflag:s23] =	ssyncset.done $0x0  }
0xaa: {  	s25 =	simm.s32 $0x1B8E;
	s24 =	sld [smem:$0x3FFE];
	[sflag:s23] =	ssyncadd.s32 $0xFFFFFFFF  }
0xab: {  	s26 =	simm.s32 $execute0_lowered;
	[smem:$0x3FD2] =	sst s25  }
0xac: {  	s5 =	sshll.u32 s26, $0x1;
	_ =	strace $0x80000052;
	[dreg:$0x1] =	wrdreg $0xFFFFFFFF  }
0xad: {  	s28 =	simm.s32 $_size_execute0_lowered;
	s3 =	sadd.s32 s3, s5;
	[dreg:$0x0] =	wrdreg $0x0  }
0xae: {  	s5 =	sshll.u32 s28, $0x1;
	[dreg:$0x2] =	wrdreg s3  }
0xaf: {  	[dreg:$0x3] =	wrdreg s5  }
0xb0: {  	[dreg:$0x4] =	wrdreg $0xC0  }
0xb1: {  	_ =	task [dreg:s7], $0x5FFFF  }
0xb2: {  	[dreg:$0x1] =	wrdreg $0xFFFFFFFF  }
0xb3: {  	[dreg:$0x0] =	wrdreg $0x60  }
0xb4: {  	[dreg:$0x2] =	wrdreg s24  }
0xb5: {  	[dreg:$0x3] =	wrdreg s16  }
0xb6: {  	[dreg:$0x4] =	wrdreg $0xA0000  }
0xb7: {  	[dreg:$0x5] =	wrdreg $0x9  }
0xb8: {  	_ =	task.clear_ibuf [dreg:s7], $0x6FFFF;
	_ =	strace $0x90000052  }
0xb9: {  	s29 =	simm.s32 $0x9;
	_ =	strace $0x80000054  }
0xba: {  	_ =	swait.ge [sflag:s29], $0x1  }
0xbb: {  	[sflag:s29] =	ssyncadd.s32 $0xFFFFFFFF  }
0xbc: {  	_ =	strace $0x90000054  }
0xbd: {  	_ =	sfence  }
0xbe: {  	s30 =	sld [smem:$0x0];
	_ =	sdelay $0x2  }
0xbf: {  	s31 =	sshll.u32 s1, $0xD;
	s1 =	sshrl.u32 s1, $0x2  }
0xc0: {  	s3 =	sand.u32 $0x4000, s31;
	s1 =	sadd.s32 s1, s30  }
0xc1: {  	s0 =	sor.u32 s3, s0;
	s1 =	sshll.u32 s1, $0x11  }
0xc2: {  	s0 =	sor.u32 s1, s0  }
0xc3: {  	s0 =	sadd.s32 $0x8F2B, s0  }
0xc4: {  	[sflag:s0] =	ssyncadd.remote.s32 $0x1  }
0xc5: {  	_ =	sfence.sel $0xFFFF  }
0xc6: {  	[dreg:$0x0] =	wrdreg $0xFFFFFFFF;
	(pc) =	sbr.abs _section_cstart, $3  }
0xc7: {  	[dreg:$0x1] =	wrdreg $0xFFFFFFFF  }
0xc8: {  	_ =	task.clear_ibuf [dreg:s7], $0x2FFFF;
	_ =	strace $0x9FFFFFFF  }
0xc9: {  	(tm) =	ssettm $0x7FFFFFFF  }
tec
execute0_lowered:
.L_overlay_start_1:
0x0: {  	(tag) =	ssettag $0x1  }
0x1: {  	s6 =	rddreg [dreg:$0x0]  }
0x2: {  	s1 =	rddreg [dreg:$0x1]  }
0x3: {  	s3 =	rddreg [dreg:$0x2]  }
0x4: {  	s2 =	srdreg.scid;
	s0 =	rddreg [dreg:$0x3]  }
0x5: {  	s4 =	simm.s32 $0x0;
	s16 =	simm.s32 $0x1;
	s17 =	simm.s32 $0x6000  }
0x6: {  	s18 =	simm.s32 $0x80;
	s7 =	sand.u32 $0x1, s2;
	s2 =	stileid.u32  }
0x7: {  	s21 =	simm.s32 $0x0;
	[smem:$0x7FF] =	sst s4;
	s8 =	smul.u32 $0x140000, s7  }
0x8: {  	s5 =	sshll.u32 s7, $0x4;
	s9 =	smul.u32 $0x14000, s2;
	_ =	strace $0x80000053  }
0x9: {  	s28 =	ssub.s32 $0x2, s7;
	s30 =	smul.u32 $0x50000, s2;
	p0 =	seq.s32 s7, $0x0  }
0xa: {  	s19 =	sshll.u32 s2, $0x6;
	s5 =	sor.u32 s2, s5;
	s29 =	sshrl.u32 s28, $0x1  }
0xb: {  	s19 =	sor.u32 $0x1C01, s19;
	s10 =	smul.u32 $0x600, s5;
	s5 =	sadd.s32 $0x27400, s6  }
0xc: {  	s8 =	sadd.s32 s9, s8;
	s12 =	ssub.s32 s28, s29;
	s31 =	sshrl.u32 s30, $0x2  }
0xd: {  	s8 =	sshrl.u32 s8, $0x3;
	s9 =	sadd.s32 s31, s3;
	s26 =	sadd.s32 s10, s6  }
0xe: {  	s11 =	sadd.s32 s8, s6;
	s6 =	simm.s32 $0x5D;
	s13 =	sadd.s32 $0x8000, s9  }
0xf: {  	s14 =	sadd.s32 $0xC000, s9;
	s15 =	sadd.s32 $0x10000, s9;
	s20 =	sshrl.u32 s9, $0x3  }
0x10: {  	s6 =	simm.s32 @!p0 $0x40;
	s7 =	sadd.s32 $0xF400, s26;
	s8 =	sadd.s32 $0x1B400, s26  }
0x11: {  	s10 =	sadd.s32 $0x4F400, s11;
	s11 =	smax.u32 s12, $0x1;
	s12 =	sadd.s32 $0x4000, s9  }
.LBB2_1:
0x12: {  	[tilespmem:s4], [sflag:$0x1] =	stream.linear.gather [hbm4b:s7+s4], $0x2E80, $0x38;
	[tilespmem:$0x1E000] =	vst v63  }
0x13: {  	_ =	swait.ge [sflag:s16], $0x2E80  }
0x14: {  	[sflag:s16] =	ssyncset.done $0x0  }
0x15: {  	s22 =	simm.s32 $0x3000;
	[sflag:s16] =	ssyncadd.s32 $0xFFFFD180  }
0x16: {  	[tilespmem:s22], [sflag:$0x1] =	stream.linear.gather [hbm4b:s8+s4], $0x2E80, $0x38;
	[tilespmem:$0x1E000] =	vst v63  }
0x17: {  	_ =	swait.ge [sflag:s16], $0x2E80  }
0x18: {  	[sflag:s16] =	ssyncset.done $0x0  }
0x19: {  	[sflag:s16] =	ssyncadd.s32 $0xFFFFD180  }
0x1a: {  	[tilespmem:s17], [sflag:$0x1] =	stream.linear.gather [hbm4b:s1+s4], $0x4000, $0x38;
	[tilespmem:$0x1E000] =	vst v63  }
0x1b: {  	_ =	swait.ge [sflag:s16], $0x4000  }
0x1c: {  	[sflag:s16] =	ssyncset.done $0x0  }
0x1d: {  	[sflag:s16] =	ssyncadd.s32 $0xFFFFC000  }
0x1e: {  	[spmem:s9] =	stream.linear.scatter [tilespmem:s17], [sflag:$0x1], $0x4000, $0x38;
	[tilespmem:$0x1E000] =	vst v63  }
0x1f: {  	_ =	swait.ge [sflag:s16], $0x4000  }
0x20: {  	[sflag:s16] =	ssyncset.done $0x0  }
0x21: {  	[sflag:s16] =	ssyncadd.s32 $0xFFFFC000  }
0x22: {  	[spmem:s12] =	stream.linear.scatter [tilespmem:s17], [sflag:$0x1], $0x4000, $0x38;
	[tilespmem:$0x1E000] =	vst v63  }
0x23: {  	_ =	swait.ge [sflag:s16], $0x4000  }
0x24: {  	[sflag:s16] =	ssyncset.done $0x0  }
0x25: {  	[sflag:s16] =	ssyncadd.s32 $0xFFFFC000  }
0x26: {  	[spmem:s13] =	stream.linear.scatter [tilespmem:s17], [sflag:$0x1], $0x4000, $0x38;
	[tilespmem:$0x1E000] =	vst v63  }
0x27: {  	_ =	swait.ge [sflag:s16], $0x4000  }
0x28: {  	[sflag:s16] =	ssyncset.done $0x0  }
0x29: {  	[sflag:s16] =	ssyncadd.s32 $0xFFFFC000  }
0x2a: {  	[spmem:s14] =	stream.linear.scatter [tilespmem:s17], [sflag:$0x1], $0x4000, $0x38;
	[tilespmem:$0x1E000] =	vst v63  }
0x2b: {  	_ =	swait.ge [sflag:s16], $0x4000  }
0x2c: {  	[sflag:s16] =	ssyncset.done $0x0  }
0x2d: {  	[sflag:s16] =	ssyncadd.s32 $0xFFFFC000  }
0x2e: {  	[spmem:s15] =	stream.linear.scatter [tilespmem:s17], [sflag:$0x1], $0x4000, $0x38;
	[tilespmem:$0x1E000] =	vst v63  }
0x2f: {  	_ =	swait.ge [sflag:s16], $0x4000  }
0x30: {  	[sflag:s16] =	ssyncset.done $0x0  }
0x31: {  	[sflag:s16] =	ssyncadd.s32 $0xFFFFC000  }
0x32: {  	[bflag:$0x0] =	sbarrier.arrive $0xFFFF  }
0x33: {  	[tilespmem:s17], [sflag:$0x1] =	stream.indirect.gather [hbm4b:s5+s18], $0x80, s4, s18, $0xb8;
	[tilespmem:$0x1E000] =	vst v63  }
0x34: {  	p0 =	sne.s32 s6, $0x1;
	_ =	swait.ge [sflag:s16], $0x4000  }
.Ltmp0:
0x35: {  	[sflag:s16] =	ssyncset.done $0x0;
	(pc) =	sbr.rel @!p0 .LBB2_3-.Ltmp0, $4  }
0x36: {  	[sflag:s16] =	ssyncadd.s32 $0xFFFFC000  }
0x37: {  	[spmem:s3] =	stream.indirect.scatter.add.f32 [tilespmem:s17], [sflag:$0x1], $0x80, s22, s18, $0xb8;
	[tilespmem:$0x1E000] =	vst v63  }
0x38: {  	_ =	swait.ge [sflag:s16], $0x4000  }
0x39: {  	s23 =	sadd.s32 $0xFFFFFFFF, s6;
	s24 =	simm.s32 $0x0;
	[sflag:s16] =	ssyncset.done $0x0  }
.LBB2_2:
0x3a: {  	[sflag:s16] =	ssyncadd.s32 $0xFFFFC000;
	s24 =	sadd.s32 $0x80, s24;
	s22 =	sadd.s32 $0x80, s22  }
0x3b: {  	[tilespmem:s17], [sflag:$0x1] =	stream.indirect.gather [hbm4b:s5+s18], $0x80, s24, s18, $0xb8;
	[tilespmem:$0x1E000] =	vst v63  }
0x3c: {  	p0 =	sne.s32 s23, $0x1;
	s23 =	sadd.s32 $0xFFFFFFFF, s23;
	_ =	swait.ge [sflag:s16], $0x4000  }
.Ltmp1:
0x3d: {  	[sflag:s16] =	ssyncset.done $0x0;
	(pc) =	sbr.rel @p0 .LBB2_2-.Ltmp1, $4  }
0x3e: {  	[sflag:s16] =	ssyncadd.s32 $0xFFFFC000  }
0x3f: {  	[spmem:s3] =	stream.indirect.scatter.add.f32 [tilespmem:s17], [sflag:$0x1], $0x80, s22, s18, $0xb8;
	[tilespmem:$0x1E000] =	vst v63  }
0x40: {  	_ =	swait.ge [sflag:s16], $0x4000  }
0x41: {  	[sflag:s16] =	ssyncset.done $0x0  }
.LBB2_3:
0x42: {  	s21 =	sadd.s32 $0x1, s21  }
0x43: {  	[sflag:s16] =	ssyncadd.s32 $0xFFFFC000;
	p0 =	sne.s32 s21, s11  }
.Ltmp2:
0x44: {  	[bflag:$0x0] =	sbarrier.arrive $0xFFFF;
	(pc) =	sbr.rel @p0 .LBB2_1-.Ltmp2, $4  }
0x45: {  	[hbm:s10], [sflag:s19] =	dma.local [spmem:s20], $0x2800  }
0x46: {  	_ =	swait.ge [sflag:s16], $0x2800  }
0x47: {  	[sflag:s16] =	ssyncset.done $0x0  }
0x48: {  	[sflag:s16] =	ssyncadd.s32 $0xFFFFD800  }
0x49: {  	_ =	sfence.sel $0x180000  }
0x4a: {  	[bflag:$0x0] =	sbarrier.arrive $0xFFFF  }
0x4b: {  	p0 =	sne.s32 s2, $0x0;
	_ =	strace $0x90000053  }
0x4c: {  	s0 =	sadd.s32 @!p0 $0x100000, s0;
	[bflag:$0x2] =	sbarrier.arrive $0xFFFF  }
0x4d: {  	[sflag:s0] =	ssyncadd.tile.s32 @!p0 $0x1;
	_ =	shalt  }
.Lfunc_end2:
_tile_overlayer_lowered:
.L_overlay_start_2:
0x4e: {  	(tag) =	ssettag $0x2  }
0x4f: {  	s0 =	rddreg [dreg:$0x0];
	s2 =	stileid.u32  }
0x50: {  	s1 =	rddreg [dreg:$0x1];
	p0 =	sne.s32 s2, $0x0  }
0x51: {  	s3 =	rddreg [dreg:$0x2];
	[bflag:$0x3] =	sbarrier.arrive $0xFFFF;
	s2 =	simm.s32 @!p0 $0x1C01  }
0x52: {  	[timem:s3], [sflag:s2] =	dma.local @!p0 [hbm:s0], s1  }
0x53: {  	s0 =	simm.s32 @!p0 $0x1  }
0x54: {  	_ =	swait.ge @!p0 [sflag:s0], s1  }
0x55: {  	s1 =	ssub.s32 @!p0 $0x0, s1;
	[sflag:s0] =	ssyncset.done @!p0 $0x0  }
0x56: {  	[sflag:s0] =	ssyncadd.s32 @!p0 s1  }
0x57: {  	[bflag:$0x3] =	sbarrier.arrive $0xFFFF  }
0x58: {  	_ =	shalt  }

</sc_bundles>
